<compile_context>
chip_gen: v7x
topology: tpu7x:2x2x1
jax: 0.10.2.dev20260603
libtpu: 0.0.44.dev20260713+nightly
codegen_flags: <defaults>
</compile_context>

<pallas_src>
import functools

import jax
import jax.numpy as jnp
from jax import lax
from jax.experimental import pallas as pl
from jax.experimental.pallas import tpu as pltpu
from jax.experimental.pallas import tpu_sc as plsc

NUM_EMB = 1000000
EMB_DIM = 64
SUB_DIM = 32
BASE_SEED = 42
N = 4096 * 26
NW = 32
NPW = N // NW
CHUNK = 128
NCH = NPW // CHUNK
VPC = CHUNK // 16

_MAGIC_HI = 1125899907 >> 16
_MAGIC_LO = 1125899907 & 0xFFFF

_MESH = plsc.VectorSubcoreMesh(core_axis_name="c", subcore_axis_name="s")
_PARAMS = pltpu.CompilerParams(use_tc_tiling_on_sc=False)


def _umod_1e6(h):
    al = h & jnp.uint32(0xFFFF)
    ah = h >> 16
    t = ah * jnp.uint32(_MAGIC_LO) + ((al * jnp.uint32(_MAGIC_LO)) >> 16)
    t2 = al * jnp.uint32(_MAGIC_HI) + (t & jnp.uint32(0xFFFF))
    hi = ah * jnp.uint32(_MAGIC_HI) + (t >> 16) + (t2 >> 16)
    q = hi >> 18
    return h - q * jnp.uint32(NUM_EMB)


def _hash16(v_u32, seed):
    h = v_u32 ^ jnp.uint32(seed)
    h = h * jnp.uint32(2654435761)
    h = h ^ (h >> 16)
    h = h * jnp.uint32(2246822519)
    h = h ^ (h >> 13)
    return plsc.bitcast(_umod_1e6(h), jnp.int32)


def _hash_body(ids_hbm, idx0_hbm, idx1_hbm, ids_v, idx0_v, idx1_v):
    wid = lax.axis_index("s") * 2 + lax.axis_index("c")
    base = wid * NPW
    pltpu.sync_copy(ids_hbm.at[pl.ds(base, NPW)], ids_v)

    def hash_chunk(c):
        for j in range(VPC):
            u = plsc.bitcast(ids_v[pl.ds(c * CHUNK + j * 16, 16)], jnp.uint32)
            idx0_v[c, pl.ds(j * 16, 16)] = _hash16(u, BASE_SEED)
            idx1_v[c, pl.ds(j * 16, 16)] = _hash16(u, BASE_SEED + 1)

    lax.fori_loop(0, NCH, lambda c, _: (hash_chunk(c), 0)[1], 0)
    pltpu.sync_copy(idx0_v, idx0_hbm.at[wid])
    pltpu.sync_copy(idx1_v, idx1_hbm.at[wid])


_hash_k = functools.partial(
    pl.kernel,
    out_type=(jax.ShapeDtypeStruct((NW, NCH, CHUNK), jnp.int32),
              jax.ShapeDtypeStruct((NW, NCH, CHUNK), jnp.int32)),
    mesh=_MESH,
    compiler_params=_PARAMS,
    scratch_types=[
        pltpu.VMEM((NPW,), jnp.int32),
        pltpu.VMEM((NCH, CHUNK), jnp.int32),
        pltpu.VMEM((NCH, CHUNK), jnp.int32),
    ],
)(_hash_body)


def _g0_body(idx0_hbm, w0_hbm, outa_hbm, idx0_v, buf, sem):
    wid = lax.axis_index("s") * 2 + lax.axis_index("c")
    base = wid * NPW
    pltpu.sync_copy(idx0_hbm.at[wid], idx0_v)

    def gather_chunk(c, _):
        pltpu.async_copy(w0_hbm.at[idx0_v.at[c]], buf, sem).wait()
        pltpu.sync_copy(buf, outa_hbm.at[pl.ds(base + c * CHUNK, CHUNK)])
        return 0

    lax.fori_loop(0, NCH, gather_chunk, 0)


_g0_k = functools.partial(
    pl.kernel,
    out_type=jax.ShapeDtypeStruct((N, SUB_DIM), jnp.float32),
    mesh=_MESH,
    compiler_params=_PARAMS,
    scratch_types=[
        pltpu.VMEM((NCH, CHUNK), jnp.int32),
        pltpu.VMEM((CHUNK, SUB_DIM), jnp.float32),
        pltpu.SemaphoreType.DMA,
    ],
)(_g0_body)


def _g1_body(idx1_hbm, w1_hbm, outa_hbm, out_hbm,
             idx1_v, buf0, buf1, sem0, sem1):
    wid = lax.axis_index("s") * 2 + lax.axis_index("c")
    base = wid * NPW
    pltpu.sync_copy(idx1_hbm.at[wid], idx1_v)

    def gather_chunk(c, _):
        row = base + c * CHUNK
        cp1 = pltpu.async_copy(w1_hbm.at[idx1_v.at[c]], buf1, sem1)
        cp0 = pltpu.async_copy(outa_hbm.at[pl.ds(row, CHUNK)], buf0, sem0)
        cp0.wait()
        cp1.wait()
        pltpu.sync_copy(buf0, out_hbm.at[pl.ds(row, CHUNK), pl.ds(0, SUB_DIM)])
        pltpu.sync_copy(buf1, out_hbm.at[pl.ds(row, CHUNK), pl.ds(SUB_DIM, SUB_DIM)])
        return 0

    lax.fori_loop(0, NCH, gather_chunk, 0)


_g1_k = functools.partial(
    pl.kernel,
    out_type=jax.ShapeDtypeStruct((N, EMB_DIM), jnp.float32),
    mesh=_MESH,
    compiler_params=_PARAMS,
    scratch_types=[
        pltpu.VMEM((NCH, CHUNK), jnp.int32),
        pltpu.VMEM((CHUNK, SUB_DIM), jnp.float32),
        pltpu.VMEM((CHUNK, SUB_DIM), jnp.float32),
        pltpu.SemaphoreType.DMA,
        pltpu.SemaphoreType.DMA,
    ],
)(_g1_body)


@jax.jit
def kernel(input_ids, W0, W1):
    flat = input_ids.reshape(-1)
    idx0, idx1 = _hash_k(flat)
    outa = _g0_k(idx0, W0)
    out = _g1_k(idx1, W1, outa)
    return out.reshape(input_ids.shape + (EMB_DIM,))

# --- scband reference (transcript-rebuilt; emitter-appended) ---
"""Pipeline reference for scband-collisionless-embedding-15745350107436 (READ-ONLY COPY).

The authoritative reference and input builder live on the scoring server;
editing this copy changes nothing except your own understanding.
"""

import jax, jax.numpy as jnp
import numpy as np

NUM_EMB = 1000000
EMB_DIM = 64
NUM_HASH = 2
SUB_DIM = EMB_DIM // NUM_HASH
BASE_SEED = 42
BATCH = 4096
FIELDS = 26


def _hash_ids(ids, seed, num_embeddings):
    # Deterministic murmur-style integer mixing hash (stand-in for Python's
    # non-deterministic hash() in the 'murmur' branch of the original module).
    h = ids.astype(jnp.uint32)
    h = h ^ jnp.uint32(seed)
    h = h * jnp.uint32(2654435761)
    h = h ^ (h >> 16)
    h = h * jnp.uint32(2246822519)
    h = h ^ (h >> 13)
    return (h % jnp.uint32(num_embeddings)).astype(jnp.int32)


def setup_inputs(seed: int = 0) -> dict:
    key = jax.random.key(seed)
    k_ids, k_w0, k_w1 = jax.random.split(key, 3)
    input_ids = jax.random.randint(k_ids, (BATCH, FIELDS), 0, 100000000, dtype=jnp.int32)
    # nn.Embedding default init: N(0, 1)
    W0 = jax.random.normal(k_w0, (NUM_EMB, SUB_DIM), dtype=jnp.float32)
    W1 = jax.random.normal(k_w1, (NUM_EMB, SUB_DIM), dtype=jnp.float32)
    return {"input_ids": input_ids, "W0": W0, "W1": W1}


def reference(input_ids, W0, W1):
    original_shape = input_ids.shape
    flat_ids = input_ids.reshape(-1)
    idx0 = _hash_ids(flat_ids, BASE_SEED + 0, NUM_EMB)
    idx1 = _hash_ids(flat_ids, BASE_SEED + 1, NUM_EMB)
    e0 = jnp.take(W0, idx0, axis=0)
    e1 = jnp.take(W1, idx1, axis=0)
    out = jnp.concatenate([e0, e1], axis=-1)
    return out.reshape(original_shape + (EMB_DIM,))

if __name__ == "__main__":
    import jax
    _d = setup_inputs()
    print(jax.jit(kernel)(*tuple(_d.values())))

</pallas_src>

<mosaic_0001>
#map = affine_map<(d0, d1) -> (0)>
#map1 = affine_map<(d0, d1) -> (0, 0, 0)>
module attributes {stable_mosaic.version = 14 : i64} {
  func.func @_hash_body(%arg0: i32, %arg1: i32, %arg2: memref<106496xi32, #tpu.memory_space<hbm>>, %arg3: memref<32x26x128xi32, #tpu.memory_space<hbm>>, %arg4: memref<32x26x128xi32, #tpu.memory_space<hbm>>, %arg5: memref<3328xi32, #tpu.memory_space<vmem>>, %arg6: memref<26x128xi32, #tpu.memory_space<vmem>>, %arg7: memref<26x128xi32, #tpu.memory_space<vmem>>) attributes {dimension_semantics = [#tpu.dimension_semantics<core_parallel>, #tpu.dimension_semantics<subcore_parallel>], iteration_bounds = array<i64: 2, 16>, scalar_prefetch = 0 : i64, scratch_operands = 3 : i64, tpu.core_type = #tpu.core_type<sc_vector_subcore>, window_params = [{transform_indices = #map}, {transform_indices = #map1}, {transform_indices = #map1}]} {
    %mul3A = arith.constant 2 : i32
    %mul3A_0 = arith.muli %arg1, %mul3A : i32
    %add3A = arith.addi %mul3A_0, %arg0 : i32
    %mul3A_1 = arith.constant 3328 : i32
    %mul3A_2 = arith.muli %add3A, %mul3A_1 : i32
    "tpu.region"() ({
      %run_scoped3A = tpu.sem_alloc : memref<!tpu.dma_semaphore, #tpu.memory_space<semaphore_mem>>
      %dma_start3A = tpu.memref_slice %arg2[%mul3A_2] : memref<106496xi32, #tpu.memory_space<hbm>> -> memref<3328xi32, #tpu.memory_space<hbm>>
      %dma_start3A_9 = tpu.memref_slice %arg2[%mul3A_2] : memref<106496xi32, #tpu.memory_space<hbm>> -> memref<3328xi32, #tpu.memory_space<hbm>>
      tpu.enqueue_dma source(%dma_start3A_9 : memref<3328xi32, #tpu.memory_space<hbm>>) target(%arg5 : memref<3328xi32, #tpu.memory_space<vmem>>) target_semaphore(%run_scoped3A : memref<!tpu.dma_semaphore, #tpu.memory_space<semaphore_mem>>)
      %dma_wait3A = tpu.memref_slice %arg2[%mul3A_2] : memref<106496xi32, #tpu.memory_space<hbm>> -> memref<3328xi32, #tpu.memory_space<hbm>>
      %dma_wait3A_10 = tpu.memref_slice %arg2[%mul3A_2] : memref<106496xi32, #tpu.memory_space<hbm>> -> memref<3328xi32, #tpu.memory_space<hbm>>
      tpu.wait_dma2 semaphore(%run_scoped3A : memref<!tpu.dma_semaphore, #tpu.memory_space<semaphore_mem>>) src(%dma_wait3A_10 : memref<3328xi32, #tpu.memory_space<hbm>>) dst(%arg5 : memref<3328xi32, #tpu.memory_space<vmem>>)
      tpu.yield
    }) : () -> ()
    %scan3A = arith.constant 0 : i32
    %scan3A_3 = arith.constant 0 : i32
    %scan3A_4 = arith.constant 26 : i32
    %scan3A_5 = arith.addi %scan3A_3, %scan3A_4 : i32
    %scan3A_6 = arith.constant 1 : i32
    %scan3A_7 = scf.for %scan3A_9 = %scan3A_3 to %scan3A_5 step %scan3A_6 iter_args(%scan3A_10 = %scan3A) -> (i32)  : i32 {
      %mul3A_11 = arith.constant 128 : i32
      %mul3A_12 = arith.muli %scan3A_9, %mul3A_11 : i32
      %add3A_13 = arith.constant 0 : i32
      %add3A_14 = arith.addi %mul3A_12, %add3A_13 : i32
      %get3A = arith.index_cast %add3A_14 : i32 to index
      %get3A_15 = tpu.vector_load %arg5[%get3A] {strides = array<i32>} : memref<3328xi32, #tpu.memory_space<vmem>>, vector<16xi32>,
      %get3A_16 = vector.shape_cast %get3A_15 : vector<16xi32> to vector<16xi32>
      %bitcast3A = vector.bitcast %get3A_16 : vector<16xi32> to vector<16xi32>
      %xor3A = arith.constant 42 : i32
      %xor3A_17 = vector.broadcast %xor3A : i32 to vector<16xi32>
      %xor3A_18 = arith.xori %bitcast3A, %xor3A_17 : vector<16xi32>
      %mul3A_19 = arith.constant -1640531535 : i32
      %mul3A_20 = vector.broadcast %mul3A_19 : i32 to vector<16xi32>
      %mul3A_21 = arith.muli %xor3A_18, %mul3A_20 : vector<16xi32>
      %shift_right_logical3A = arith.constant 16 : i32
      %shift_right_logical3A_22 = vector.broadcast %shift_right_logical3A : i32 to vector<16xi32>
      %shift_right_logical3A_23 = arith.shrui %mul3A_21, %shift_right_logical3A_22 : vector<16xi32>
      %xor3A_24 = arith.xori %mul3A_21, %shift_right_logical3A_23 : vector<16xi32>
      %mul3A_25 = arith.constant -2048144777 : i32
      %mul3A_26 = vector.broadcast %mul3A_25 : i32 to vector<16xi32>
      %mul3A_27 = arith.muli %xor3A_24, %mul3A_26 : vector<16xi32>
      %shift_right_logical3A_28 = arith.constant 13 : i32
      %shift_right_logical3A_29 = vector.broadcast %shift_right_logical3A_28 : i32 to vector<16xi32>
      %shift_right_logical3A_30 = arith.shrui %mul3A_27, %shift_right_logical3A_29 : vector<16xi32>
      %xor3A_31 = arith.xori %mul3A_27, %shift_right_logical3A_30 : vector<16xi32>
      %and3A = arith.constant 65535 : i32
      %and3A_32 = vector.broadcast %and3A : i32 to vector<16xi32>
      %and3A_33 = arith.andi %xor3A_31, %and3A_32 : vector<16xi32>
      %shift_right_logical3A_34 = arith.constant 16 : i32
      %shift_right_logical3A_35 = vector.broadcast %shift_right_logical3A_34 : i32 to vector<16xi32>
      %shift_right_logical3A_36 = arith.shrui %xor3A_31, %shift_right_logical3A_35 : vector<16xi32>
      %mul3A_37 = arith.constant 56963 : i32
      %mul3A_38 = vector.broadcast %mul3A_37 : i32 to vector<16xi32>
      %mul3A_39 = arith.muli %shift_right_logical3A_36, %mul3A_38 : vector<16xi32>
      %mul3A_40 = arith.constant 56963 : i32
      %mul3A_41 = vector.broadcast %mul3A_40 : i32 to vector<16xi32>
      %mul3A_42 = arith.muli %and3A_33, %mul3A_41 : vector<16xi32>
      %shift_right_logical3A_43 = arith.constant 16 : i32
      %shift_right_logical3A_44 = vector.broadcast %shift_right_logical3A_43 : i32 to vector<16xi32>
      %shift_right_logical3A_45 = arith.shrui %mul3A_42, %shift_right_logical3A_44 : vector<16xi32>
      %add3A_46 = arith.addi %mul3A_39, %shift_right_logical3A_45 : vector<16xi32>
      %mul3A_47 = arith.constant 17179 : i32
      %mul3A_48 = vector.broadcast %mul3A_47 : i32 to vector<16xi32>
      %mul3A_49 = arith.muli %and3A_33, %mul3A_48 : vector<16xi32>
      %and3A_50 = arith.constant 65535 : i32
      %and3A_51 = vector.broadcast %and3A_50 : i32 to vector<16xi32>
      %and3A_52 = arith.andi %add3A_46, %and3A_51 : vector<16xi32>
      %add3A_53 = arith.addi %mul3A_49, %and3A_52 : vector<16xi32>
      %mul3A_54 = arith.constant 17179 : i32
      %mul3A_55 = vector.broadcast %mul3A_54 : i32 to vector<16xi32>
      %mul3A_56 = arith.muli %shift_right_logical3A_36, %mul3A_55 : vector<16xi32>
      %shift_right_logical3A_57 = arith.constant 16 : i32
      %shift_right_logical3A_58 = vector.broadcast %shift_right_logical3A_57 : i32 to vector<16xi32>
      %shift_right_logical3A_59 = arith.shrui %add3A_46, %shift_right_logical3A_58 : vector<16xi32>
      %add3A_60 = arith.addi %mul3A_56, %shift_right_logical3A_59 : vector<16xi32>
      %shift_right_logical3A_61 = arith.constant 16 : i32
      %shift_right_logical3A_62 = vector.broadcast %shift_right_logical3A_61 : i32 to vector<16xi32>
      %shift_right_logical3A_63 = arith.shrui %add3A_53, %shift_right_logical3A_62 : vector<16xi32>
      %add3A_64 = arith.addi %add3A_60, %shift_right_logical3A_63 : vector<16xi32>
      %shift_right_logical3A_65 = arith.constant 18 : i32
      %shift_right_logical3A_66 = vector.broadcast %shift_right_logical3A_65 : i32 to vector<16xi32>
      %shift_right_logical3A_67 = arith.shrui %add3A_64, %shift_right_logical3A_66 : vector<16xi32>
      %mul3A_68 = arith.constant 1000000 : i32
      %mul3A_69 = vector.broadcast %mul3A_68 : i32 to vector<16xi32>
      %mul3A_70 = arith.muli %shift_right_logical3A_67, %mul3A_69 : vector<16xi32>
      %sub3A = arith.subi %xor3A_31, %mul3A_70 : vector<16xi32>
      %bitcast3A_71 = vector.bitcast %sub3A : vector<16xi32> to vector<16xi32>
      %swap3A = arith.index_cast %scan3A_9 : i32 to index
      %swap3A_72 = arith.constant 0 : index
      %swap3A_73 = tpu.vector_load %arg6[%swap3A, %swap3A_72] {strides = array<i32>} : memref<26x128xi32, #tpu.memory_space<vmem>>, vector<1x16xi32>,
      %swap3A_74 = vector.shape_cast %swap3A_73 : vector<1x16xi32> to vector<16xi32>
      %swap3A_75 = vector.shape_cast %bitcast3A_71 : vector<16xi32> to vector<1x16xi32>
      tpu.vector_store %arg6[%swap3A, %swap3A_72], %swap3A_75 {strides = array<i32>} : memref<26x128xi32, #tpu.memory_space<vmem>>, vector<1x16xi32>,
      %xor3A_76 = arith.constant 43 : i32
      %xor3A_77 = vector.broadcast %xor3A_76 : i32 to vector<16xi32>
      %xor3A_78 = arith.xori %bitcast3A, %xor3A_77 : vector<16xi32>
      %mul3A_79 = arith.constant -1640531535 : i32
      %mul3A_80 = vector.broadcast %mul3A_79 : i32 to vector<16xi32>
      %mul3A_81 = arith.muli %xor3A_78, %mul3A_80 : vector<16xi32>
      %shift_right_logical3A_82 = arith.constant 16 : i32
      %shift_right_logical3A_83 = vector.broadcast %shift_right_logical3A_82 : i32 to vector<16xi32>
      %shift_right_logical3A_84 = arith.shrui %mul3A_81, %shift_right_logical3A_83 : vector<16xi32>
      %xor3A_85 = arith.xori %mul3A_81, %shift_right_logical3A_84 : vector<16xi32>
      %mul3A_86 = arith.constant -2048144777 : i32
      %mul3A_87 = vector.broadcast %mul3A_86 : i32 to vector<16xi32>
      %mul3A_88 = arith.muli %xor3A_85, %mul3A_87 : vector<16xi32>
      %shift_right_logical3A_89 = arith.constant 13 : i32
      %shift_right_logical3A_90 = vector.broadcast %shift_right_logical3A_89 : i32 to vector<16xi32>
      %shift_right_logical3A_91 = arith.shrui %mul3A_88, %shift_right_logical3A_90 : vector<16xi32>
      %xor3A_92 = arith.xori %mul3A_88, %shift_right_logical3A_91 : vector<16xi32>
      %and3A_93 = arith.constant 65535 : i32
      %and3A_94 = vector.broadcast %and3A_93 : i32 to vector<16xi32>
      %and3A_95 = arith.andi %xor3A_92, %and3A_94 : vector<16xi32>
      %shift_right_logical3A_96 = arith.constant 16 : i32
      %shift_right_logical3A_97 = vector.broadcast %shift_right_logical3A_96 : i32 to vector<16xi32>
      %shift_right_logical3A_98 = arith.shrui %xor3A_92, %shift_right_logical3A_97 : vector<16xi32>
      %mul3A_99 = arith.constant 56963 : i32
      %mul3A_100 = vector.broadcast %mul3A_99 : i32 to vector<16xi32>
      %mul3A_101 = arith.muli %shift_right_logical3A_98, %mul3A_100 : vector<16xi32>
      %mul3A_102 = arith.constant 56963 : i32
      %mul3A_103 = vector.broadcast %mul3A_102 : i32 to vector<16xi32>
      %mul3A_104 = arith.muli %and3A_95, %mul3A_103 : vector<16xi32>
      %shift_right_logical3A_105 = arith.constant 16 : i32
      %shift_right_logical3A_106 = vector.broadcast %shift_right_logical3A_105 : i32 to vector<16xi32>
      %shift_right_logical3A_107 = arith.shrui %mul3A_104, %shift_right_logical3A_106 : vector<16xi32>
      %add3A_108 = arith.addi %mul3A_101, %shift_right_logical3A_107 : vector<16xi32>
      %mul3A_109 = arith.constant 17179 : i32
      %mul3A_110 = vector.broadcast %mul3A_109 : i32 to vector<16xi32>
      %mul3A_111 = arith.muli %and3A_95, %mul3A_110 : vector<16xi32>
      %and3A_112 = arith.constant 65535 : i32
      %and3A_113 = vector.broadcast %and3A_112 : i32 to vector<16xi32>
      %and3A_114 = arith.andi %add3A_108, %and3A_113 : vector<16xi32>
      %add3A_115 = arith.addi %mul3A_111, %and3A_114 : vector<16xi32>
      %mul3A_116 = arith.constant 17179 : i32
      %mul3A_117 = vector.broadcast %mul3A_116 : i32 to vector<16xi32>
      %mul3A_118 = arith.muli %shift_right_logical3A_98, %mul3A_117 : vector<16xi32>
      %shift_right_logical3A_119 = arith.constant 16 : i32
      %shift_right_logical3A_120 = vector.broadcast %shift_right_logical3A_119 : i32 to vector<16xi32>
      %shift_right_logical3A_121 = arith.shrui %add3A_108, %shift_right_logical3A_120 : vector<16xi32>
      %add3A_122 = arith.addi %mul3A_118, %shift_right_logical3A_121 : vector<16xi32>
      %shift_right_logical3A_123 = arith.constant 16 : i32
      %shift_right_logical3A_124 = vector.broadcast %shift_right_logical3A_123 : i32 to vector<16xi32>
      %shift_right_logical3A_125 = arith.shrui %add3A_115, %shift_right_logical3A_124 : vector<16xi32>
      %add3A_126 = arith.addi %add3A_122, %shift_right_logical3A_125 : vector<16xi32>
      %shift_right_logical3A_127 = arith.constant 18 : i32
      %shift_right_logical3A_128 = vector.broadcast %shift_right_logical3A_127 : i32 to vector<16xi32>
      %shift_right_logical3A_129 = arith.shrui %add3A_126, %shift_right_logical3A_128 : vector<16xi32>
      %mul3A_130 = arith.constant 1000000 : i32
      %mul3A_131 = vector.broadcast %mul3A_130 : i32 to vector<16xi32>
      %mul3A_132 = arith.muli %shift_right_logical3A_129, %mul3A_131 : vector<16xi32>
      %sub3A_133 = arith.subi %xor3A_92, %mul3A_132 : vector<16xi32>
      %bitcast3A_134 = vector.bitcast %sub3A_133 : vector<16xi32> to vector<16xi32>
      %swap3A_135 = arith.index_cast %scan3A_9 : i32 to index
      %swap3A_136 = arith.constant 0 : index
      %swap3A_137 = tpu.vector_load %arg7[%swap3A_135, %swap3A_136] {strides = array<i32>} : memref<26x128xi32, #tpu.memory_space<vmem>>, vector<1x16xi32>,
      %swap3A_138 = vector.shape_cast %swap3A_137 : vector<1x16xi32> to vector<16xi32>
      %swap3A_139 = vector.shape_cast %bitcast3A_134 : vector<16xi32> to vector<1x16xi32>
      tpu.vector_store %arg7[%swap3A_135, %swap3A_136], %swap3A_139 {strides = array<i32>} : memref<26x128xi32, #tpu.memory_space<vmem>>, vector<1x16xi32>,
      %mul3A_140 = arith.constant 128 : i32
      %mul3A_141 = arith.muli %scan3A_9, %mul3A_140 : i32
      %add3A_142 = arith.constant 16 : i32
      %add3A_143 = arith.addi %mul3A_141, %add3A_142 : i32
      %get3A_144 = arith.index_cast %add3A_143 : i32 to index
      %get3A_145 = tpu.vector_load %arg5[%get3A_144] {strides = array<i32>} : memref<3328xi32, #tpu.memory_space<vmem>>, vector<16xi32>,
      %get3A_146 = vector.shape_cast %get3A_145 : vector<16xi32> to vector<16xi32>
      %bitcast3A_147 = vector.bitcast %get3A_146 : vector<16xi32> to vector<16xi32>
      %xor3A_148 = arith.constant 42 : i32
      %xor3A_149 = vector.broadcast %xor3A_148 : i32 to vector<16xi32>
      %xor3A_150 = arith.xori %bitcast3A_147, %xor3A_149 : vector<16xi32>
      %mul3A_151 = arith.constant -1640531535 : i32
      %mul3A_152 = vector.broadcast %mul3A_151 : i32 to vector<16xi32>
      %mul3A_153 = arith.muli %xor3A_150, %mul3A_152 : vector<16xi32>
      %shift_right_logical3A_154 = arith.constant 16 : i32
      %shift_right_logical3A_155 = vector.broadcast %shift_right_logical3A_154 : i32 to vector<16xi32>
      %shift_right_logical3A_156 = arith.shrui %mul3A_153, %shift_right_logical3A_155 : vector<16xi32>
      %xor3A_157 = arith.xori %mul3A_153, %shift_right_logical3A_156 : vector<16xi32>
      %mul3A_158 = arith.constant -2048144777 : i32
      %mul3A_159 = vector.broadcast %mul3A_158 : i32 to vector<16xi32>
      %mul3A_160 = arith.muli %xor3A_157, %mul3A_159 : vector<16xi32>
      %shift_right_logical3A_161 = arith.constant 13 : i32
      %shift_right_logical3A_162 = vector.broadcast %shift_right_logical3A_161 : i32 to vector<16xi32>
      %shift_right_logical3A_163 = arith.shrui %mul3A_160, %shift_right_logical3A_162 : vector<16xi32>
      %xor3A_164 = arith.xori %mul3A_160, %shift_right_logical3A_163 : vector<16xi32>
      %and3A_165 = arith.constant 65535 : i32
      %and3A_166 = vector.broadcast %and3A_165 : i32 to vector<16xi32>
      %and3A_167 = arith.andi %xor3A_164, %and3A_166 : vector<16xi32>
      %shift_right_logical3A_168 = arith.constant 16 : i32
      %shift_right_logical3A_169 = vector.broadcast %shift_right_logical3A_168 : i32 to vector<16xi32>
      %shift_right_logical3A_170 = arith.shrui %xor3A_164, %shift_right_logical3A_169 : vector<16xi32>
      %mul3A_171 = arith.constant 56963 : i32
      %mul3A_172 = vector.broadcast %mul3A_171 : i32 to vector<16xi32>
      %mul3A_173 = arith.muli %shift_right_logical3A_170, %mul3A_172 : vector<16xi32>
      %mul3A_174 = arith.constant 56963 : i32
      %mul3A_175 = vector.broadcast %mul3A_174 : i32 to vector<16xi32>
      %mul3A_176 = arith.muli %and3A_167, %mul3A_175 : vector<16xi32>
      %shift_right_logical3A_177 = arith.constant 16 : i32
      %shift_right_logical3A_178 = vector.broadcast %shift_right_logical3A_177 : i32 to vector<16xi32>
      %shift_right_logical3A_179 = arith.shrui %mul3A_176, %shift_right_logical3A_178 : vector<16xi32>
      %add3A_180 = arith.addi %mul3A_173, %shift_right_logical3A_179 : vector<16xi32>
      %mul3A_181 = arith.constant 17179 : i32
      %mul3A_182 = vector.broadcast %mul3A_181 : i32 to vector<16xi32>
      %mul3A_183 = arith.muli %and3A_167, %mul3A_182 : vector<16xi32>
      %and3A_184 = arith.constant 65535 : i32
      %and3A_185 = vector.broadcast %and3A_184 : i32 to vector<16xi32>
      %and3A_186 = arith.andi %add3A_180, %and3A_185 : vector<16xi32>
      %add3A_187 = arith.addi %mul3A_183, %and3A_186 : vector<16xi32>
      %mul3A_188 = arith.constant 17179 : i32
      %mul3A_189 = vector.broadcast %mul3A_188 : i32 to vector<16xi32>
      %mul3A_190 = arith.muli %shift_right_logical3A_170, %mul3A_189 : vector<16xi32>
      %shift_right_logical3A_191 = arith.constant 16 : i32
      %shift_right_logical3A_192 = vector.broadcast %shift_right_logical3A_191 : i32 to vector<16xi32>
      %shift_right_logical3A_193 = arith.shrui %add3A_180, %shift_right_logical3A_192 : vector<16xi32>
      %add3A_194 = arith.addi %mul3A_190, %shift_right_logical3A_193 : vector<16xi32>
      %shift_right_logical3A_195 = arith.constant 16 : i32
      %shift_right_logical3A_196 = vector.broadcast %shift_right_logical3A_195 : i32 to vector<16xi32>
      %shift_right_logical3A_197 = arith.shrui %add3A_187, %shift_right_logical3A_196 : vector<16xi32>
      %add3A_198 = arith.addi %add3A_194, %shift_right_logical3A_197 : vector<16xi32>
      %shift_right_logical3A_199 = arith.constant 18 : i32
      %shift_right_logical3A_200 = vector.broadcast %shift_right_logical3A_199 : i32 to vector<16xi32>
      %shift_right_logical3A_201 = arith.shrui %add3A_198, %shift_right_logical3A_200 : vector<16xi32>
      %mul3A_202 = arith.constant 1000000 : i32
      %mul3A_203 = vector.broadcast %mul3A_202 : i32 to vector<16xi32>
      %mul3A_204 = arith.muli %shift_right_logical3A_201, %mul3A_203 : vector<16xi32>
      %sub3A_205 = arith.subi %xor3A_164, %mul3A_204 : vector<16xi32>
      %bitcast3A_206 = vector.bitcast %sub3A_205 : vector<16xi32> to vector<16xi32>
      %swap3A_207 = arith.index_cast %scan3A_9 : i32 to index
      %swap3A_208 = arith.constant 16 : index
      %swap3A_209 = tpu.vector_load %arg6[%swap3A_207, %swap3A_208] {strides = array<i32>} : memref<26x128xi32, #tpu.memory_space<vmem>>, vector<1x16xi32>,
      %swap3A_210 = vector.shape_cast %swap3A_209 : vector<1x16xi32> to vector<16xi32>
      %swap3A_211 = vector.shape_cast %bitcast3A_206 : vector<16xi32> to vector<1x16xi32>
      tpu.vector_store %arg6[%swap3A_207, %swap3A_208], %swap3A_211 {strides = array<i32>} : memref<26x128xi32, #tpu.memory_space<vmem>>, vector<1x16xi32>,
      %xor3A_212 = arith.constant 43 : i32
      %xor3A_213 = vector.broadcast %xor3A_212 : i32 to vector<16xi32>
      %xor3A_214 = arith.xori %bitcast3A_147, %xor3A_213 : vector<16xi32>
      %mul3A_215 = arith.constant -1640531535 : i32
      %mul3A_216 = vector.broadcast %mul3A_215 : i32 to vector<16xi32>
      %mul3A_217 = arith.muli %xor3A_214, %mul3A_216 : vector<16xi32>
      %shift_right_logical3A_218 = arith.constant 16 : i32
      %shift_right_logical3A_219 = vector.broadcast %shift_right_logical3A_218 : i32 to vector<16xi32>
      %shift_right_logical3A_220 = arith.shrui %mul3A_217, %shift_right_logical3A_219 : vector<16xi32>
      %xor3A_221 = arith.xori %mul3A_217, %shift_right_logical3A_220 : vector<16xi32>
      %mul3A_222 = arith.constant -2048144777 : i32
      %mul3A_223 = vector.broadcast %mul3A_222 : i32 to vector<16xi32>
      %mul3A_224 = arith.muli %xor3A_221, %mul3A_223 : vector<16xi32>
      %shift_right_logical3A_225 = arith.constant 13 : i32
      %shift_right_logical3A_226 = vector.broadcast %shift_right_logical3A_225 : i32 to vector<16xi32>
      %shift_right_logical3A_227 = arith.shrui %mul3A_224, %shift_right_logical3A_226 : vector<16xi32>
      %xor3A_228 = arith.xori %mul3A_224, %shift_right_logical3A_227 : vector<16xi32>
      %and3A_229 = arith.constant 65535 : i32
      %and3A_230 = vector.broadcast %and3A_229 : i32 to vector<16xi32>
      %and3A_231 = arith.andi %xor3A_228, %and3A_230 : vector<16xi32>
      %shift_right_logical3A_232 = arith.constant 16 : i32
      %shift_right_logical3A_233 = vector.broadcast %shift_right_logical3A_232 : i32 to vector<16xi32>
      %shift_right_logical3A_234 = arith.shrui %xor3A_228, %shift_right_logical3A_233 : vector<16xi32>
      %mul3A_235 = arith.constant 56963 : i32
      %mul3A_236 = vector.broadcast %mul3A_235 : i32 to vector<16xi32>
      %mul3A_237 = arith.muli %shift_right_logical3A_234, %mul3A_236 : vector<16xi32>
      %mul3A_238 = arith.constant 56963 : i32
      %mul3A_239 = vector.broadcast %mul3A_238 : i32 to vector<16xi32>
      %mul3A_240 = arith.muli %and3A_231, %mul3A_239 : vector<16xi32>
      %shift_right_logical3A_241 = arith.constant 16 : i32
      %shift_right_logical3A_242 = vector.broadcast %shift_right_logical3A_241 : i32 to vector<16xi32>
      %shift_right_logical3A_243 = arith.shrui %mul3A_240, %shift_right_logical3A_242 : vector<16xi32>
      %add3A_244 = arith.addi %mul3A_237, %shift_right_logical3A_243 : vector<16xi32>
      %mul3A_245 = arith.constant 17179 : i32
      %mul3A_246 = vector.broadcast %mul3A_245 : i32 to vector<16xi32>
      %mul3A_247 = arith.muli %and3A_231, %mul3A_246 : vector<16xi32>
      %and3A_248 = arith.constant 65535 : i32
      %and3A_249 = vector.broadcast %and3A_248 : i32 to vector<16xi32>
      %and3A_250 = arith.andi %add3A_244, %and3A_249 : vector<16xi32>
      %add3A_251 = arith.addi %mul3A_247, %and3A_250 : vector<16xi32>
      %mul3A_252 = arith.constant 17179 : i32
      %mul3A_253 = vector.broadcast %mul3A_252 : i32 to vector<16xi32>
      %mul3A_254 = arith.muli %shift_right_logical3A_234, %mul3A_253 : vector<16xi32>
      %shift_right_logical3A_255 = arith.constant 16 : i32
      %shift_right_logical3A_256 = vector.broadcast %shift_right_logical3A_255 : i32 to vector<16xi32>
      %shift_right_logical3A_257 = arith.shrui %add3A_244, %shift_right_logical3A_256 : vector<16xi32>
      %add3A_258 = arith.addi %mul3A_254, %shift_right_logical3A_257 : vector<16xi32>
      %shift_right_logical3A_259 = arith.constant 16 : i32
      %shift_right_logical3A_260 = vector.broadcast %shift_right_logical3A_259 : i32 to vector<16xi32>
      %shift_right_logical3A_261 = arith.shrui %add3A_251, %shift_right_logical3A_260 : vector<16xi32>
      %add3A_262 = arith.addi %add3A_258, %shift_right_logical3A_261 : vector<16xi32>
      %shift_right_logical3A_263 = arith.constant 18 : i32
      %shift_right_logical3A_264 = vector.broadcast %shift_right_logical3A_263 : i32 to vector<16xi32>
      %shift_right_logical3A_265 = arith.shrui %add3A_262, %shift_right_logical3A_264 : vector<16xi32>
      %mul3A_266 = arith.constant 1000000 : i32
      %mul3A_267 = vector.broadcast %mul3A_266 : i32 to vector<16xi32>
      %mul3A_268 = arith.muli %shift_right_logical3A_265, %mul3A_267 : vector<16xi32>
      %sub3A_269 = arith.subi %xor3A_228, %mul3A_268 : vector<16xi32>
      %bitcast3A_270 = vector.bitcast %sub3A_269 : vector<16xi32> to vector<16xi32>
      %swap3A_271 = arith.index_cast %scan3A_9 : i32 to index
      %swap3A_272 = arith.constant 16 : index
      %swap3A_273 = tpu.vector_load %arg7[%swap3A_271, %swap3A_272] {strides = array<i32>} : memref<26x128xi32, #tpu.memory_space<vmem>>, vector<1x16xi32>,
      %swap3A_274 = vector.shape_cast %swap3A_273 : vector<1x16xi32> to vector<16xi32>
      %swap3A_275 = vector.shape_cast %bitcast3A_270 : vector<16xi32> to vector<1x16xi32>
      tpu.vector_store %arg7[%swap3A_271, %swap3A_272], %swap3A_275 {strides = array<i32>} : memref<26x128xi32, #tpu.memory_space<vmem>>, vector<1x16xi32>,
      %mul3A_276 = arith.constant 128 : i32
      %mul3A_277 = arith.muli %scan3A_9, %mul3A_276 : i32
      %add3A_278 = arith.constant 32 : i32
      %add3A_279 = arith.addi %mul3A_277, %add3A_278 : i32
      %get3A_280 = arith.index_cast %add3A_279 : i32 to index
      %get3A_281 = tpu.vector_load %arg5[%get3A_280] {strides = array<i32>} : memref<3328xi32, #tpu.memory_space<vmem>>, vector<16xi32>,
      %get3A_282 = vector.shape_cast %get3A_281 : vector<16xi32> to vector<16xi32>
      %bitcast3A_283 = vector.bitcast %get3A_282 : vector<16xi32> to vector<16xi32>
      %xor3A_284 = arith.constant 42 : i32
      %xor3A_285 = vector.broadcast %xor3A_284 : i32 to vector<16xi32>
      %xor3A_286 = arith.xori %bitcast3A_283, %xor3A_285 : vector<16xi32>
      %mul3A_287 = arith.constant -1640531535 : i32
      %mul3A_288 = vector.broadcast %mul3A_287 : i32 to vector<16xi32>
      %mul3A_289 = arith.muli %xor3A_286, %mul3A_288 : vector<16xi32>
      %shift_right_logical3A_290 = arith.constant 16 : i32
      %shift_right_logical3A_291 = vector.broadcast %shift_right_logical3A_290 : i32 to vector<16xi32>
      %shift_right_logical3A_292 = arith.shrui %mul3A_289, %shift_right_logical3A_291 : vector<16xi32>
      %xor3A_293 = arith.xori %mul3A_289, %shift_right_logical3A_292 : vector<16xi32>
      %mul3A_294 = arith.constant -2048144777 : i32
      %mul3A_295 = vector.broadcast %mul3A_294 : i32 to vector<16xi32>
      %mul3A_296 = arith.muli %xor3A_293, %mul3A_295 : vector<16xi32>
      %shift_right_logical3A_297 = arith.constant 13 : i32
      %shift_right_logical3A_298 = vector.broadcast %shift_right_logical3A_297 : i32 to vector<16xi32>
      %shift_right_logical3A_299 = arith.shrui %mul3A_296, %shift_right_logical3A_298 : vector<16xi32>
      %xor3A_300 = arith.xori %mul3A_296, %shift_right_logical3A_299 : vector<16xi32>
      %and3A_301 = arith.constant 65535 : i32
      %and3A_302 = vector.broadcast %and3A_301 : i32 to vector<16xi32>
      %and3A_303 = arith.andi %xor3A_300, %and3A_302 : vector<16xi32>
      %shift_right_logical3A_304 = arith.constant 16 : i32
      %shift_right_logical3A_305 = vector.broadcast %shift_right_logical3A_304 : i32 to vector<16xi32>
      %shift_right_logical3A_306 = arith.shrui %xor3A_300, %shift_right_logical3A_305 : vector<16xi32>
      %mul3A_307 = arith.constant 56963 : i32
      %mul3A_308 = vector.broadcast %mul3A_307 : i32 to vector<16xi32>
      %mul3A_309 = arith.muli %shift_right_logical3A_306, %mul3A_308 : vector<16xi32>
      %mul3A_310 = arith.constant 56963 : i32
      %mul3A_311 = vector.broadcast %mul3A_310 : i32 to vector<16xi32>
      %mul3A_312 = arith.muli %and3A_303, %mul3A_311 : vector<16xi32>
      %shift_right_logical3A_313 = arith.constant 16 : i32
      %shift_right_logical3A_314 = vector.broadcast %shift_right_logical3A_313 : i32 to vector<16xi32>
      %shift_right_logical3A_315 = arith.shrui %mul3A_312, %shift_right_logical3A_314 : vector<16xi32>
      %add3A_316 = arith.addi %mul3A_309, %shift_right_logical3A_315 : vector<16xi32>
      %mul3A_317 = arith.constant 17179 : i32
      %mul3A_318 = vector.broadcast %mul3A_317 : i32 to vector<16xi32>
      %mul3A_319 = arith.muli %and3A_303, %mul3A_318 : vector<16xi32>
      %and3A_320 = arith.constant 65535 : i32
      %and3A_321 = vector.broadcast %and3A_320 : i32 to vector<16xi32>
      %and3A_322 = arith.andi %add3A_316, %and3A_321 : vector<16xi32>
      %add3A_323 = arith.addi %mul3A_319, %and3A_322 : vector<16xi32>
      %mul3A_324 = arith.constant 17179 : i32
      %mul3A_325 = vector.broadcast %mul3A_324 : i32 to vector<16xi32>
      %mul3A_326 = arith.muli %shift_right_logical3A_306, %mul3A_325 : vector<16xi32>
      %shift_right_logical3A_327 = arith.constant 16 : i32
      %shift_right_logical3A_328 = vector.broadcast %shift_right_logical3A_327 : i32 to vector<16xi32>
      %shift_right_logical3A_329 = arith.shrui %add3A_316, %shift_right_logical3A_328 : vector<16xi32>
      %add3A_330 = arith.addi %mul3A_326, %shift_right_logical3A_329 : vector<16xi32>
      %shift_right_logical3A_331 = arith.constant 16 : i32
      %shift_right_logical3A_332 = vector.broadcast %shift_right_logical3A_331 : i32 to vector<16xi32>
      %shift_right_logical3A_333 = arith.shrui %add3A_323, %shift_right_logical3A_332 : vector<16xi32>
      %add3A_334 = arith.addi %add3A_330, %shift_right_logical3A_333 : vector<16xi32>
      %shift_right_logical3A_335 = arith.constant 18 : i32
      %shift_right_logical3A_336 = vector.broadcast %shift_right_logical3A_335 : i32 to vector<16xi32>
      %shift_right_logical3A_337 = arith.shrui %add3A_334, %shift_right_logical3A_336 : vector<16xi32>
      %mul3A_338 = arith.constant 1000000 : i32
      %mul3A_339 = vector.broadcast %mul3A_338 : i32 to vector<16xi32>
      %mul3A_340 = arith.muli %shift_right_logical3A_337, %mul3A_339 : vector<16xi32>
      %sub3A_341 = arith.subi %xor3A_300, %mul3A_340 : vector<16xi32>
      %bitcast3A_342 = vector.bitcast %sub3A_341 : vector<16xi32> to vector<16xi32>
      %swap3A_343 = arith.index_cast %scan3A_9 : i32 to index
      %swap3A_344 = arith.constant 32 : index
      %swap3A_345 = tpu.vector_load %arg6[%swap3A_343, %swap3A_344] {strides = array<i32>} : memref<26x128xi32, #tpu.memory_space<vmem>>, vector<1x16xi32>,
      %swap3A_346 = vector.shape_cast %swap3A_345 : vector<1x16xi32> to vector<16xi32>
      %swap3A_347 = vector.shape_cast %bitcast3A_342 : vector<16xi32> to vector<1x16xi32>
      tpu.vector_store %arg6[%swap3A_343, %swap3A_344], %swap3A_347 {strides = array<i32>} : memref<26x128xi32, #tpu.memory_space<vmem>>, vector<1x16xi32>,
      %xor3A_348 = arith.constant 43 : i32
      %xor3A_349 = vector.broadcast %xor3A_348 : i32 to vector<16xi32>
      %xor3A_350 = arith.xori %bitcast3A_283, %xor3A_349 : vector<16xi32>
      %mul3A_351 = arith.constant -1640531535 : i32
      %mul3A_352 = vector.broadcast %mul3A_351 : i32 to vector<16xi32>
      %mul3A_353 = arith.muli %xor3A_350, %mul3A_352 : vector<16xi32>
      %shift_right_logical3A_354 = arith.constant 16 : i32
      %shift_right_logical3A_355 = vector.broadcast %shift_right_logical3A_354 : i32 to vector<16xi32>
      %shift_right_logical3A_356 = arith.shrui %mul3A_353, %shift_right_logical3A_355 : vector<16xi32>
      %xor3A_357 = arith.xori %mul3A_353, %shift_right_logical3A_356 : vector<16xi32>
      %mul3A_358 = arith.constant -2048144777 : i32
      %mul3A_359 = vector.broadcast %mul3A_358 : i32 to vector<16xi32>
      %mul3A_360 = arith.muli %xor3A_357, %mul3A_359 : vector<16xi32>
      %shift_right_logical3A_361 = arith.constant 13 : i32
      %shift_right_logical3A_362 = vector.broadcast %shift_right_logical3A_361 : i32 to vector<16xi32>
      %shift_right_logical3A_363 = arith.shrui %mul3A_360, %shift_right_logical3A_362 : vector<16xi32>
      %xor3A_364 = arith.xori %mul3A_360, %shift_right_logical3A_363 : vector<16xi32>
      %and3A_365 = arith.constant 65535 : i32
      %and3A_366 = vector.broadcast %and3A_365 : i32 to vector<16xi32>
      %and3A_367 = arith.andi %xor3A_364, %and3A_366 : vector<16xi32>
      %shift_right_logical3A_368 = arith.constant 16 : i32
      %shift_right_logical3A_369 = vector.broadcast %shift_right_logical3A_368 : i32 to vector<16xi32>
      %shift_right_logical3A_370 = arith.shrui %xor3A_364, %shift_right_logical3A_369 : vector<16xi32>
      %mul3A_371 = arith.constant 56963 : i32
      %mul3A_372 = vector.broadcast %mul3A_371 : i32 to vector<16xi32>
      %mul3A_373 = arith.muli %shift_right_logical3A_370, %mul3A_372 : vector<16xi32>
      %mul3A_374 = arith.constant 56963 : i32
      %mul3A_375 = vector.broadcast %mul3A_374 : i32 to vector<16xi32>
      %mul3A_376 = arith.muli %and3A_367, %mul3A_375 : vector<16xi32>
      %shift_right_logical3A_377 = arith.constant 16 : i32
      %shift_right_logical3A_378 = vector.broadcast %shift_right_logical3A_377 : i32 to vector<16xi32>
      %shift_right_logical3A_379 = arith.shrui %mul3A_376, %shift_right_logical3A_378 : vector<16xi32>
      %add3A_380 = arith.addi %mul3A_373, %shift_right_logical3A_379 : vector<16xi32>
      %mul3A_381 = arith.constant 17179 : i32
      %mul3A_382 = vector.broadcast %mul3A_381 : i32 to vector<16xi32>
      %mul3A_383 = arith.muli %and3A_367, %mul3A_382 : vector<16xi32>
      %and3A_384 = arith.constant 65535 : i32
      %and3A_385 = vector.broadcast %and3A_384 : i32 to vector<16xi32>
      %and3A_386 = arith.andi %add3A_380, %and3A_385 : vector<16xi32>
      %add3A_387 = arith.addi %mul3A_383, %and3A_386 : vector<16xi32>
      %mul3A_388 = arith.constant 17179 : i32
      %mul3A_389 = vector.broadcast %mul3A_388 : i32 to vector<16xi32>
      %mul3A_390 = arith.muli %shift_right_logical3A_370, %mul3A_389 : vector<16xi32>
      %shift_right_logical3A_391 = arith.constant 16 : i32
      %shift_right_logical3A_392 = vector.broadcast %shift_right_logical3A_391 : i32 to vector<16xi32>
      %shift_right_logical3A_393 = arith.shrui %add3A_380, %shift_right_logical3A_392 : vector<16xi32>
      %add3A_394 = arith.addi %mul3A_390, %shift_right_logical3A_393 : vector<16xi32>
      %shift_right_logical3A_395 = arith.constant 16 : i32
      %shift_right_logical3A_396 = vector.broadcast %shift_right_logical3A_395 : i32 to vector<16xi32>
      %shift_right_logical3A_397 = arith.shrui %add3A_387, %shift_right_logical3A_396 : vector<16xi32>
      %add3A_398 = arith.addi %add3A_394, %shift_right_logical3A_397 : vector<16xi32>
      %shift_right_logical3A_399 = arith.constant 18 : i32
      %shift_right_logical3A_400 = vector.broadcast %shift_right_logical3A_399 : i32 to vector<16xi32>
      %shift_right_logical3A_401 = arith.shrui %add3A_398, %shift_right_logical3A_400 : vector<16xi32>
      %mul3A_402 = arith.constant 1000000 : i32
      %mul3A_403 = vector.broadcast %mul3A_402 : i32 to vector<16xi32>
      %mul3A_404 = arith.muli %shift_right_logical3A_401, %mul3A_403 : vector<16xi32>
      %sub3A_405 = arith.subi %xor3A_364, %mul3A_404 : vector<16xi32>
      %bitcast3A_406 = vector.bitcast %sub3A_405 : vector<16xi32> to vector<16xi32>
      %swap3A_407 = arith.index_cast %scan3A_9 : i32 to index
      %swap3A_408 = arith.constant 32 : index
      %swap3A_409 = tpu.vector_load %arg7[%swap3A_407, %swap3A_408] {strides = array<i32>} : memref<26x128xi32, #tpu.memory_space<vmem>>, vector<1x16xi32>,
      %swap3A_410 = vector.shape_cast %swap3A_409 : vector<1x16xi32> to vector<16xi32>
      %swap3A_411 = vector.shape_cast %bitcast3A_406 : vector<16xi32> to vector<1x16xi32>
      tpu.vector_store %arg7[%swap3A_407, %swap3A_408], %swap3A_411 {strides = array<i32>} : memref<26x128xi32, #tpu.memory_space<vmem>>, vector<1x16xi32>,
      %mul3A_412 = arith.constant 128 : i32
      %mul3A_413 = arith.muli %scan3A_9, %mul3A_412 : i32
      %add3A_414 = arith.constant 48 : i32
      %add3A_415 = arith.addi %mul3A_413, %add3A_414 : i32
      %get3A_416 = arith.index_cast %add3A_415 : i32 to index
      %get3A_417 = tpu.vector_load %arg5[%get3A_416] {strides = array<i32>} : memref<3328xi32, #tpu.memory_space<vmem>>, vector<16xi32>,
      %get3A_418 = vector.shape_cast %get3A_417 : vector<16xi32> to vector<16xi32>
      %bitcast3A_419 = vector.bitcast %get3A_418 : vector<16xi32> to vector<16xi32>
      %xor3A_420 = arith.constant 42 : i32
      %xor3A_421 = vector.broadcast %xor3A_420 : i32 to vector<16xi32>
      %xor3A_422 = arith.xori %bitcast3A_419, %xor3A_421 : vector<16xi32>
      %mul3A_423 = arith.constant -1640531535 : i32
      %mul3A_424 = vector.broadcast %mul3A_423 : i32 to vector<16xi32>
      %mul3A_425 = arith.muli %xor3A_422, %mul3A_424 : vector<16xi32>
      %shift_right_logical3A_426 = arith.constant 16 : i32
      %shift_right_logical3A_427 = vector.broadcast %shift_right_logical3A_426 : i32 to vector<16xi32>
      %shift_right_logical3A_428 = arith.shrui %mul3A_425, %shift_right_logical3A_427 : vector<16xi32>
      %xor3A_429 = arith.xori %mul3A_425, %shift_right_logical3A_428 : vector<16xi32>
      %mul3A_430 = arith.constant -2048144777 : i32
      %mul3A_431 = vector.broadcast %mul3A_430 : i32 to vector<16xi32>
      %mul3A_432 = arith.muli %xor3A_429, %mul3A_431 : vector<16xi32>
      %shift_right_logical3A_433 = arith.constant 13 : i32
      %shift_right_logical3A_434 = vector.broadcast %shift_right_logical3A_433 : i32 to vector<16xi32>
      %shift_right_logical3A_435 = arith.shrui %mul3A_432, %shift_right_logical3A_434 : vector<16xi32>
      %xor3A_436 = arith.xori %mul3A_432, %shift_right_logical3A_435 : vector<16xi32>
      %and3A_437 = arith.constant 65535 : i32
      %and3A_438 = vector.broadcast %and3A_437 : i32 to vector<16xi32>
      %and3A_439 = arith.andi %xor3A_436, %and3A_438 : vector<16xi32>
      %shift_right_logical3A_440 = arith.constant 16 : i32
      %shift_right_logical3A_441 = vector.broadcast %shift_right_logical3A_440 : i32 to vector<16xi32>
      %shift_right_logical3A_442 = arith.shrui %xor3A_436, %shift_right_logical3A_441 : vector<16xi32>
      %mul3A_443 = arith.constant 56963 : i32
      %mul3A_444 = vector.broadcast %mul3A_443 : i32 to vector<16xi32>
      %mul3A_445 = arith.muli %shift_right_logical3A_442, %mul3A_444 : vector<16xi32>
      %mul3A_446 = arith.constant 56963 : i32
      %mul3A_447 = vector.broadcast %mul3A_446 : i32 to vector<16xi32>
      %mul3A_448 = arith.muli %and3A_439, %mul3A_447 : vector<16xi32>
      %shift_right_logical3A_449 = arith.constant 16 : i32
      %shift_right_logical3A_450 = vector.broadcast %shift_right_logical3A_449 : i32 to vector<16xi32>
      %shift_right_logical3A_451 = arith.shrui %mul3A_448, %shift_right_logical3A_450 : vector<16xi32>
      %add3A_452 = arith.addi %mul3A_445, %shift_right_logical3A_451 : vector<16xi32>
      %mul3A_453 = arith.constant 17179 : i32
      %mul3A_454 = vector.broadcast %mul3A_453 : i32 to vector<16xi32>
      %mul3A_455 = arith.muli %and3A_439, %mul3A_454 : vector<16xi32>
      %and3A_456 = arith.constant 65535 : i32
      %and3A_457 = vector.broadcast %and3A_456 : i32 to vector<16xi32>
      %and3A_458 = arith.andi %add3A_452, %and3A_457 : vector<16xi32>
      %add3A_459 = arith.addi %mul3A_455, %and3A_458 : vector<16xi32>
      %mul3A_460 = arith.constant 17179 : i32
      %mul3A_461 = vector.broadcast %mul3A_460 : i32 to vector<16xi32>
      %mul3A_462 = arith.muli %shift_right_logical3A_442, %mul3A_461 : vector<16xi32>
      %shift_right_logical3A_463 = arith.constant 16 : i32
      %shift_right_logical3A_464 = vector.broadcast %shift_right_logical3A_463 : i32 to vector<16xi32>
      %shift_right_logical3A_465 = arith.shrui %add3A_452, %shift_right_logical3A_464 : vector<16xi32>
      %add3A_466 = arith.addi %mul3A_462, %shift_right_logical3A_465 : vector<16xi32>
      %shift_right_logical3A_467 = arith.constant 16 : i32
      %shift_right_logical3A_468 = vector.broadcast %shift_right_logical3A_467 : i32 to vector<16xi32>
      %shift_right_logical3A_469 = arith.shrui %add3A_459, %shift_right_logical3A_468 : vector<16xi32>
      %add3A_470 = arith.addi %add3A_466, %shift_right_logical3A_469 : vector<16xi32>
      %shift_right_logical3A_471 = arith.constant 18 : i32
      %shift_right_logical3A_472 = vector.broadcast %shift_right_logical3A_471 : i32 to vector<16xi32>
      %shift_right_logical3A_473 = arith.shrui %add3A_470, %shift_right_logical3A_472 : vector<16xi32>
      %mul3A_474 = arith.constant 1000000 : i32
      %mul3A_475 = vector.broadcast %mul3A_474 : i32 to vector<16xi32>
      %mul3A_476 = arith.muli %shift_right_logical3A_473, %mul3A_475 : vector<16xi32>
      %sub3A_477 = arith.subi %xor3A_436, %mul3A_476 : vector<16xi32>
      %bitcast3A_478 = vector.bitcast %sub3A_477 : vector<16xi32> to vector<16xi32>
      %swap3A_479 = arith.index_cast %scan3A_9 : i32 to index
      %swap3A_480 = arith.constant 48 : index
      %swap3A_481 = tpu.vector_load %arg6[%swap3A_479, %swap3A_480] {strides = array<i32>} : memref<26x128xi32, #tpu.memory_space<vmem>>, vector<1x16xi32>,
      %swap3A_482 = vector.shape_cast %swap3A_481 : vector<1x16xi32> to vector<16xi32>
      %swap3A_483 = vector.shape_cast %bitcast3A_478 : vector<16xi32> to vector<1x16xi32>
      tpu.vector_store %arg6[%swap3A_479, %swap3A_480], %swap3A_483 {strides = array<i32>} : memref<26x128xi32, #tpu.memory_space<vmem>>, vector<1x16xi32>,
      %xor3A_484 = arith.constant 43 : i32
      %xor3A_485 = vector.broadcast %xor3A_484 : i32 to vector<16xi32>
      %xor3A_486 = arith.xori %bitcast3A_419, %xor3A_485 : vector<16xi32>
      %mul3A_487 = arith.constant -1640531535 : i32
      %mul3A_488 = vector.broadcast %mul3A_487 : i32 to vector<16xi32>
      %mul3A_489 = arith.muli %xor3A_486, %mul3A_488 : vector<16xi32>
      %shift_right_logical3A_490 = arith.constant 16 : i32
      %shift_right_logical3A_491 = vector.broadcast %shift_right_logical3A_490 : i32 to vector<16xi32>
      %shift_right_logical3A_492 = arith.shrui %mul3A_489, %shift_right_logical3A_491 : vector<16xi32>
      %xor3A_493 = arith.xori %mul3A_489, %shift_right_logical3A_492 : vector<16xi32>
      %mul3A_494 = arith.constant -2048144777 : i32
      %mul3A_495 = vector.broadcast %mul3A_494 : i32 to vector<16xi32>
      %mul3A_496 = arith.muli %xor3A_493, %mul3A_495 : vector<16xi32>
      %shift_right_logical3A_497 = arith.constant 13 : i32
      %shift_right_logical3A_498 = vector.broadcast %shift_right_logical3A_497 : i32 to vector<16xi32>
      %shift_right_logical3A_499 = arith.shrui %mul3A_496, %shift_right_logical3A_498 : vector<16xi32>
      %xor3A_500 = arith.xori %mul3A_496, %shift_right_logical3A_499 : vector<16xi32>
      %and3A_501 = arith.constant 65535 : i32
      %and3A_502 = vector.broadcast %and3A_501 : i32 to vector<16xi32>
      %and3A_503 = arith.andi %xor3A_500, %and3A_502 : vector<16xi32>
      %shift_right_logical3A_504 = arith.constant 16 : i32
      %shift_right_logical3A_505 = vector.broadcast %shift_right_logical3A_504 : i32 to vector<16xi32>
      %shift_right_logical3A_506 = arith.shrui %xor3A_500, %shift_right_logical3A_505 : vector<16xi32>
      %mul3A_507 = arith.constant 56963 : i32
      %mul3A_508 = vector.broadcast %mul3A_507 : i32 to vector<16xi32>
      %mul3A_509 = arith.muli %shift_right_logical3A_506, %mul3A_508 : vector<16xi32>
      %mul3A_510 = arith.constant 56963 : i32
      %mul3A_511 = vector.broadcast %mul3A_510 : i32 to vector<16xi32>
      %mul3A_512 = arith.muli %and3A_503, %mul3A_511 : vector<16xi32>
      %shift_right_logical3A_513 = arith.constant 16 : i32
      %shift_right_logical3A_514 = vector.broadcast %shift_right_logical3A_513 : i32 to vector<16xi32>
      %shift_right_logical3A_515 = arith.shrui %mul3A_512, %shift_right_logical3A_514 : vector<16xi32>
      %add3A_516 = arith.addi %mul3A_509, %shift_right_logical3A_515 : vector<16xi32>
      %mul3A_517 = arith.constant 17179 : i32
      %mul3A_518 = vector.broadcast %mul3A_517 : i32 to vector<16xi32>
      %mul3A_519 = arith.muli %and3A_503, %mul3A_518 : vector<16xi32>
      %and3A_520 = arith.constant 65535 : i32
      %and3A_521 = vector.broadcast %and3A_520 : i32 to vector<16xi32>
      %and3A_522 = arith.andi %add3A_516, %and3A_521 : vector<16xi32>
      %add3A_523 = arith.addi %mul3A_519, %and3A_522 : vector<16xi32>
      %mul3A_524 = arith.constant 17179 : i32
      %mul3A_525 = vector.broadcast %mul3A_524 : i32 to vector<16xi32>
      %mul3A_526 = arith.muli %shift_right_logical3A_506, %mul3A_525 : vector<16xi32>
      %shift_right_logical3A_527 = arith.constant 16 : i32
      %shift_right_logical3A_528 = vector.broadcast %shift_right_logical3A_527 : i32 to vector<16xi32>
      %shift_right_logical3A_529 = arith.shrui %add3A_516, %shift_right_logical3A_528 : vector<16xi32>
      %add3A_530 = arith.addi %mul3A_526, %shift_right_logical3A_529 : vector<16xi32>
      %shift_right_logical3A_531 = arith.constant 16 : i32
      %shift_right_logical3A_532 = vector.broadcast %shift_right_logical3A_531 : i32 to vector<16xi32>
      %shift_right_logical3A_533 = arith.shrui %add3A_523, %shift_right_logical3A_532 : vector<16xi32>
      %add3A_534 = arith.addi %add3A_530, %shift_right_logical3A_533 : vector<16xi32>
      %shift_right_logical3A_535 = arith.constant 18 : i32
      %shift_right_logical3A_536 = vector.broadcast %shift_right_logical3A_535 : i32 to vector<16xi32>
      %shift_right_logical3A_537 = arith.shrui %add3A_534, %shift_right_logical3A_536 : vector<16xi32>
      %mul3A_538 = arith.constant 1000000 : i32
      %mul3A_539 = vector.broadcast %mul3A_538 : i32 to vector<16xi32>
      %mul3A_540 = arith.muli %shift_right_logical3A_537, %mul3A_539 : vector<16xi32>
      %sub3A_541 = arith.subi %xor3A_500, %mul3A_540 : vector<16xi32>
      %bitcast3A_542 = vector.bitcast %sub3A_541 : vector<16xi32> to vector<16xi32>
      %swap3A_543 = arith.index_cast %scan3A_9 : i32 to index
      %swap3A_544 = arith.constant 48 : index
      %swap3A_545 = tpu.vector_load %arg7[%swap3A_543, %swap3A_544] {strides = array<i32>} : memref<26x128xi32, #tpu.memory_space<vmem>>, vector<1x16xi32>,
      %swap3A_546 = vector.shape_cast %swap3A_545 : vector<1x16xi32> to vector<16xi32>
      %swap3A_547 = vector.shape_cast %bitcast3A_542 : vector<16xi32> to vector<1x16xi32>
      tpu.vector_store %arg7[%swap3A_543, %swap3A_544], %swap3A_547 {strides = array<i32>} : memref<26x128xi32, #tpu.memory_space<vmem>>, vector<1x16xi32>,
      %mul3A_548 = arith.constant 128 : i32
      %mul3A_549 = arith.muli %scan3A_9, %mul3A_548 : i32
      %add3A_550 = arith.constant 64 : i32
      %add3A_551 = arith.addi %mul3A_549, %add3A_550 : i32
      %get3A_552 = arith.index_cast %add3A_551 : i32 to index
      %get3A_553 = tpu.vector_load %arg5[%get3A_552] {strides = array<i32>} : memref<3328xi32, #tpu.memory_space<vmem>>, vector<16xi32>,
      %get3A_554 = vector.shape_cast %get3A_553 : vector<16xi32> to vector<16xi32>
      %bitcast3A_555 = vector.bitcast %get3A_554 : vector<16xi32> to vector<16xi32>
      %xor3A_556 = arith.constant 42 : i32
      %xor3A_557 = vector.broadcast %xor3A_556 : i32 to vector<16xi32>
      %xor3A_558 = arith.xori %bitcast3A_555, %xor3A_557 : vector<16xi32>
      %mul3A_559 = arith.constant -1640531535 : i32
      %mul3A_560 = vector.broadcast %mul3A_559 : i32 to vector<16xi32>
      %mul3A_561 = arith.muli %xor3A_558, %mul3A_560 : vector<16xi32>
      %shift_right_logical3A_562 = arith.constant 16 : i32
      %shift_right_logical3A_563 = vector.broadcast %shift_right_logical3A_562 : i32 to vector<16xi32>
      %shift_right_logical3A_564 = arith.shrui %mul3A_561, %shift_right_logical3A_563 : vector<16xi32>
      %xor3A_565 = arith.xori %mul3A_561, %shift_right_logical3A_564 : vector<16xi32>
      %mul3A_566 = arith.constant -2048144777 : i32
      %mul3A_567 = vector.broadcast %mul3A_566 : i32 to vector<16xi32>
      %mul3A_568 = arith.muli %xor3A_565, %mul3A_567 : vector<16xi32>
      %shift_right_logical3A_569 = arith.constant 13 : i32
      %shift_right_logical3A_570 = vector.broadcast %shift_right_logical3A_569 : i32 to vector<16xi32>
      %shift_right_logical3A_571 = arith.shrui %mul3A_568, %shift_right_logical3A_570 : vector<16xi32>
      %xor3A_572 = arith.xori %mul3A_568, %shift_right_logical3A_571 : vector<16xi32>
      %and3A_573 = arith.constant 65535 : i32
      %and3A_574 = vector.broadcast %and3A_573 : i32 to vector<16xi32>
      %and3A_575 = arith.andi %xor3A_572, %and3A_574 : vector<16xi32>
      %shift_right_logical3A_576 = arith.constant 16 : i32
      %shift_right_logical3A_577 = vector.broadcast %shift_right_logical3A_576 : i32 to vector<16xi32>
      %shift_right_logical3A_578 = arith.shrui %xor3A_572, %shift_right_logical3A_577 : vector<16xi32>
      %mul3A_579 = arith.constant 56963 : i32
      %mul3A_580 = vector.broadcast %mul3A_579 : i32 to vector<16xi32>
      %mul3A_581 = arith.muli %shift_right_logical3A_578, %mul3A_580 : vector<16xi32>
      %mul3A_582 = arith.constant 56963 : i32
      %mul3A_583 = vector.broadcast %mul3A_582 : i32 to vector<16xi32>
      %mul3A_584 = arith.muli %and3A_575, %mul3A_583 : vector<16xi32>
      %shift_right_logical3A_585 = arith.constant 16 : i32
      %shift_right_logical3A_586 = vector.broadcast %shift_right_logical3A_585 : i32 to vector<16xi32>
      %shift_right_logical3A_587 = arith.shrui %mul3A_584, %shift_right_logical3A_586 : vector<16xi32>
      %add3A_588 = arith.addi %mul3A_581, %shift_right_logical3A_587 : vector<16xi32>
      %mul3A_589 = arith.constant 17179 : i32
      %mul3A_590 = vector.broadcast %mul3A_589 : i32 to vector<16xi32>
      %mul3A_591 = arith.muli %and3A_575, %mul3A_590 : vector<16xi32>
      %and3A_592 = arith.constant 65535 : i32
      %and3A_593 = vector.broadcast %and3A_592 : i32 to vector<16xi32>
      %and3A_594 = arith.andi %add3A_588, %and3A_593 : vector<16xi32>
      %add3A_595 = arith.addi %mul3A_591, %and3A_594 : vector<16xi32>
      %mul3A_596 = arith.constant 17179 : i32
      %mul3A_597 = vector.broadcast %mul3A_596 : i32 to vector<16xi32>
      %mul3A_598 = arith.muli %shift_right_logical3A_578, %mul3A_597 : vector<16xi32>
      %shift_right_logical3A_599 = arith.constant 16 : i32
      %shift_right_logical3A_600 = vector.broadcast %shift_right_logical3A_599 : i32 to vector<16xi32>
      %shift_right_logical3A_601 = arith.shrui %add3A_588, %shift_right_logical3A_600 : vector<16xi32>
      %add3A_602 = arith.addi %mul3A_598, %shift_right_logical3A_601 : vector<16xi32>
      %shift_right_logical3A_603 = arith.constant 16 : i32
      %shift_right_logical3A_604 = vector.broadcast %shift_right_logical3A_603 : i32 to vector<16xi32>
      %shift_right_logical3A_605 = arith.shrui %add3A_595, %shift_right_logical3A_604 : vector<16xi32>
      %add3A_606 = arith.addi %add3A_602, %shift_right_logical3A_605 : vector<16xi32>
      %shift_right_logical3A_607 = arith.constant 18 : i32
      %shift_right_logical3A_608 = vector.broadcast %shift_right_logical3A_607 : i32 to vector<16xi32>
      %shift_right_logical3A_609 = arith.shrui %add3A_606, %shift_right_logical3A_608 : vector<16xi32>
      %mul3A_610 = arith.constant 1000000 : i32
      %mul3A_611 = vector.broadcast %mul3A_610 : i32 to vector<16xi32>
      %mul3A_612 = arith.muli %shift_right_logical3A_609, %mul3A_611 : vector<16xi32>
      %sub3A_613 = arith.subi %xor3A_572, %mul3A_612 : vector<16xi32>
      %bitcast3A_614 = vector.bitcast %sub3A_613 : vector<16xi32> to vector<16xi32>
      %swap3A_615 = arith.index_cast %scan3A_9 : i32 to index
      %swap3A_616 = arith.constant 64 : index
      %swap3A_617 = tpu.vector_load %arg6[%swap3A_615, %swap3A_616] {strides = array<i32>} : memref<26x128xi32, #tpu.memory_space<vmem>>, vector<1x16xi32>,
      %swap3A_618 = vector.shape_cast %swap3A_617 : vector<1x16xi32> to vector<16xi32>
      %swap3A_619 = vector.shape_cast %bitcast3A_614 : vector<16xi32> to vector<1x16xi32>
      tpu.vector_store %arg6[%swap3A_615, %swap3A_616], %swap3A_619 {strides = array<i32>} : memref<26x128xi32, #tpu.memory_space<vmem>>, vector<1x16xi32>,
      %xor3A_620 = arith.constant 43 : i32
      %xor3A_621 = vector.broadcast %xor3A_620 : i32 to vector<16xi32>
      %xor3A_622 = arith.xori %bitcast3A_555, %xor3A_621 : vector<16xi32>
      %mul3A_623 = arith.constant -1640531535 : i32
      %mul3A_624 = vector.broadcast %mul3A_623 : i32 to vector<16xi32>
      %mul3A_625 = arith.muli %xor3A_622, %mul3A_624 : vector<16xi32>
      %shift_right_logical3A_626 = arith.constant 16 : i32
      %shift_right_logical3A_627 = vector.broadcast %shift_right_logical3A_626 : i32 to vector<16xi32>
      %shift_right_logical3A_628 = arith.shrui %mul3A_625, %shift_right_logical3A_627 : vector<16xi32>
      %xor3A_629 = arith.xori %mul3A_625, %shift_right_logical3A_628 : vector<16xi32>
      %mul3A_630 = arith.constant -2048144777 : i32
      %mul3A_631 = vector.broadcast %mul3A_630 : i32 to vector<16xi32>
      %mul3A_632 = arith.muli %xor3A_629, %mul3A_631 : vector<16xi32>
      %shift_right_logical3A_633 = arith.constant 13 : i32
      %shift_right_logical3A_634 = vector.broadcast %shift_right_logical3A_633 : i32 to vector<16xi32>
      %shift_right_logical3A_635 = arith.shrui %mul3A_632, %shift_right_logical3A_634 : vector<16xi32>
      %xor3A_636 = arith.xori %mul3A_632, %shift_right_logical3A_635 : vector<16xi32>
      %and3A_637 = arith.constant 65535 : i32
      %and3A_638 = vector.broadcast %and3A_637 : i32 to vector<16xi32>
      %and3A_639 = arith.andi %xor3A_636, %and3A_638 : vector<16xi32>
      %shift_right_logical3A_640 = arith.constant 16 : i32
      %shift_right_logical3A_641 = vector.broadcast %shift_right_logical3A_640 : i32 to vector<16xi32>
      %shift_right_logical3A_642 = arith.shrui %xor3A_636, %shift_right_logical3A_641 : vector<16xi32>
      %mul3A_643 = arith.constant 56963 : i32
      %mul3A_644 = vector.broadcast %mul3A_643 : i32 to vector<16xi32>
      %mul3A_645 = arith.muli %shift_right_logical3A_642, %mul3A_644 : vector<16xi32>
      %mul3A_646 = arith.constant 56963 : i32
      %mul3A_647 = vector.broadcast %mul3A_646 : i32 to vector<16xi32>
      %mul3A_648 = arith.muli %and3A_639, %mul3A_647 : vector<16xi32>
      %shift_right_logical3A_649 = arith.constant 16 : i32
      %shift_right_logical3A_650 = vector.broadcast %shift_right_logical3A_649 : i32 to vector<16xi32>
      %shift_right_logical3A_651 = arith.shrui %mul3A_648, %shift_right_logical3A_650 : vector<16xi32>
      %add3A_652 = arith.addi %mul3A_645, %shift_right_logical3A_651 : vector<16xi32>
      %mul3A_653 = arith.constant 17179 : i32
      %mul3A_654 = vector.broadcast %mul3A_653 : i32 to vector<16xi32>
      %mul3A_655 = arith.muli %and3A_639, %mul3A_654 : vector<16xi32>
      %and3A_656 = arith.constant 65535 : i32
      %and3A_657 = vector.broadcast %and3A_656 : i32 to vector<16xi32>
      %and3A_658 = arith.andi %add3A_652, %and3A_657 : vector<16xi32>
      %add3A_659 = arith.addi %mul3A_655, %and3A_658 : vector<16xi32>
      %mul3A_660 = arith.constant 17179 : i32
      %mul3A_661 = vector.broadcast %mul3A_660 : i32 to vector<16xi32>
      %mul3A_662 = arith.muli %shift_right_logical3A_642, %mul3A_661 : vector<16xi32>
      %shift_right_logical3A_663 = arith.constant 16 : i32
      %shift_right_logical3A_664 = vector.broadcast %shift_right_logical3A_663 : i32 to vector<16xi32>
      %shift_right_logical3A_665 = arith.shrui %add3A_652, %shift_right_logical3A_664 : vector<16xi32>
      %add3A_666 = arith.addi %mul3A_662, %shift_right_logical3A_665 : vector<16xi32>
      %shift_right_logical3A_667 = arith.constant 16 : i32
      %shift_right_logical3A_668 = vector.broadcast %shift_right_logical3A_667 : i32 to vector<16xi32>
      %shift_right_logical3A_669 = arith.shrui %add3A_659, %shift_right_logical3A_668 : vector<16xi32>
      %add3A_670 = arith.addi %add3A_666, %shift_right_logical3A_669 : vector<16xi32>
      %shift_right_logical3A_671 = arith.constant 18 : i32
      %shift_right_logical3A_672 = vector.broadcast %shift_right_logical3A_671 : i32 to vector<16xi32>
      %shift_right_logical3A_673 = arith.shrui %add3A_670, %shift_right_logical3A_672 : vector<16xi32>
      %mul3A_674 = arith.constant 1000000 : i32
      %mul3A_675 = vector.broadcast %mul3A_674 : i32 to vector<16xi32>
      %mul3A_676 = arith.muli %shift_right_logical3A_673, %mul3A_675 : vector<16xi32>
      %sub3A_677 = arith.subi %xor3A_636, %mul3A_676 : vector<16xi32>
      %bitcast3A_678 = vector.bitcast %sub3A_677 : vector<16xi32> to vector<16xi32>
      %swap3A_679 = arith.index_cast %scan3A_9 : i32 to index
      %swap3A_680 = arith.constant 64 : index
      %swap3A_681 = tpu.vector_load %arg7[%swap3A_679, %swap3A_680] {strides = array<i32>} : memref<26x128xi32, #tpu.memory_space<vmem>>, vector<1x16xi32>,
      %swap3A_682 = vector.shape_cast %swap3A_681 : vector<1x16xi32> to vector<16xi32>
      %swap3A_683 = vector.shape_cast %bitcast3A_678 : vector<16xi32> to vector<1x16xi32>
      tpu.vector_store %arg7[%swap3A_679, %swap3A_680], %swap3A_683 {strides = array<i32>} : memref<26x128xi32, #tpu.memory_space<vmem>>, vector<1x16xi32>,
      %mul3A_684 = arith.constant 128 : i32
      %mul3A_685 = arith.muli %scan3A_9, %mul3A_684 : i32
      %add3A_686 = arith.constant 80 : i32
      %add3A_687 = arith.addi %mul3A_685, %add3A_686 : i32
      %get3A_688 = arith.index_cast %add3A_687 : i32 to index
      %get3A_689 = tpu.vector_load %arg5[%get3A_688] {strides = array<i32>} : memref<3328xi32, #tpu.memory_space<vmem>>, vector<16xi32>,
      %get3A_690 = vector.shape_cast %get3A_689 : vector<16xi32> to vector<16xi32>
      %bitcast3A_691 = vector.bitcast %get3A_690 : vector<16xi32> to vector<16xi32>
      %xor3A_692 = arith.constant 42 : i32
      %xor3A_693 = vector.broadcast %xor3A_692 : i32 to vector<16xi32>
      %xor3A_694 = arith.xori %bitcast3A_691, %xor3A_693 : vector<16xi32>
      %mul3A_695 = arith.constant -1640531535 : i32
      %mul3A_696 = vector.broadcast %mul3A_695 : i32 to vector<16xi32>
      %mul3A_697 = arith.muli %xor3A_694, %mul3A_696 : vector<16xi32>
      %shift_right_logical3A_698 = arith.constant 16 : i32
      %shift_right_logical3A_699 = vector.broadcast %shift_right_logical3A_698 : i32 to vector<16xi32>
      %shift_right_logical3A_700 = arith.shrui %mul3A_697, %shift_right_logical3A_699 : vector<16xi32>
      %xor3A_701 = arith.xori %mul3A_697, %shift_right_logical3A_700 : vector<16xi32>
      %mul3A_702 = arith.constant -2048144777 : i32
      %mul3A_703 = vector.broadcast %mul3A_702 : i32 to vector<16xi32>
      %mul3A_704 = arith.muli %xor3A_701, %mul3A_703 : vector<16xi32>
      %shift_right_logical3A_705 = arith.constant 13 : i32
      %shift_right_logical3A_706 = vector.broadcast %shift_right_logical3A_705 : i32 to vector<16xi32>
      %shift_right_logical3A_707 = arith.shrui %mul3A_704, %shift_right_logical3A_706 : vector<16xi32>
      %xor3A_708 = arith.xori %mul3A_704, %shift_right_logical3A_707 : vector<16xi32>
      %and3A_709 = arith.constant 65535 : i32
      %and3A_710 = vector.broadcast %and3A_709 : i32 to vector<16xi32>
      %and3A_711 = arith.andi %xor3A_708, %and3A_710 : vector<16xi32>
      %shift_right_logical3A_712 = arith.constant 16 : i32
      %shift_right_logical3A_713 = vector.broadcast %shift_right_logical3A_712 : i32 to vector<16xi32>
      %shift_right_logical3A_714 = arith.shrui %xor3A_708, %shift_right_logical3A_713 : vector<16xi32>
      %mul3A_715 = arith.constant 56963 : i32
      %mul3A_716 = vector.broadcast %mul3A_715 : i32 to vector<16xi32>
      %mul3A_717 = arith.muli %shift_right_logical3A_714, %mul3A_716 : vector<16xi32>
      %mul3A_718 = arith.constant 56963 : i32
      %mul3A_719 = vector.broadcast %mul3A_718 : i32 to vector<16xi32>
      %mul3A_720 = arith.muli %and3A_711, %mul3A_719 : vector<16xi32>
      %shift_right_logical3A_721 = arith.constant 16 : i32
      %shift_right_logical3A_722 = vector.broadcast %shift_right_logical3A_721 : i32 to vector<16xi32>
      %shift_right_logical3A_723 = arith.shrui %mul3A_720, %shift_right_logical3A_722 : vector<16xi32>
      %add3A_724 = arith.addi %mul3A_717, %shift_right_logical3A_723 : vector<16xi32>
      %mul3A_725 = arith.constant 17179 : i32
      %mul3A_726 = vector.broadcast %mul3A_725 : i32 to vector<16xi32>
      %mul3A_727 = arith.muli %and3A_711, %mul3A_726 : vector<16xi32>
      %and3A_728 = arith.constant 65535 : i32
      %and3A_729 = vector.broadcast %and3A_728 : i32 to vector<16xi32>
      %and3A_730 = arith.andi %add3A_724, %and3A_729 : vector<16xi32>
      %add3A_731 = arith.addi %mul3A_727, %and3A_730 : vector<16xi32>
      %mul3A_732 = arith.constant 17179 : i32
      %mul3A_733 = vector.broadcast %mul3A_732 : i32 to vector<16xi32>
      %mul3A_734 = arith.muli %shift_right_logical3A_714, %mul3A_733 : vector<16xi32>
      %shift_right_logical3A_735 = arith.constant 16 : i32
      %shift_right_logical3A_736 = vector.broadcast %shift_right_logical3A_735 : i32 to vector<16xi32>
      %shift_right_logical3A_737 = arith.shrui %add3A_724, %shift_right_logical3A_736 : vector<16xi32>
      %add3A_738 = arith.addi %mul3A_734, %shift_right_logical3A_737 : vector<16xi32>
      %shift_right_logical3A_739 = arith.constant 16 : i32
      %shift_right_logical3A_740 = vector.broadcast %shift_right_logical3A_739 : i32 to vector<16xi32>
      %shift_right_logical3A_741 = arith.shrui %add3A_731, %shift_right_logical3A_740 : vector<16xi32>
      %add3A_742 = arith.addi %add3A_738, %shift_right_logical3A_741 : vector<16xi32>
      %shift_right_logical3A_743 = arith.constant 18 : i32
      %shift_right_logical3A_744 = vector.broadcast %shift_right_logical3A_743 : i32 to vector<16xi32>
      %shift_right_logical3A_745 = arith.shrui %add3A_742, %shift_right_logical3A_744 : vector<16xi32>
      %mul3A_746 = arith.constant 1000000 : i32
      %mul3A_747 = vector.broadcast %mul3A_746 : i32 to vector<16xi32>
      %mul3A_748 = arith.muli %shift_right_logical3A_745, %mul3A_747 : vector<16xi32>
      %sub3A_749 = arith.subi %xor3A_708, %mul3A_748 : vector<16xi32>
      %bitcast3A_750 = vector.bitcast %sub3A_749 : vector<16xi32> to vector<16xi32>
      %swap3A_751 = arith.index_cast %scan3A_9 : i32 to index
      %swap3A_752 = arith.constant 80 : index
      %swap3A_753 = tpu.vector_load %arg6[%swap3A_751, %swap3A_752] {strides = array<i32>} : memref<26x128xi32, #tpu.memory_space<vmem>>, vector<1x16xi32>,
      %swap3A_754 = vector.shape_cast %swap3A_753 : vector<1x16xi32> to vector<16xi32>
      %swap3A_755 = vector.shape_cast %bitcast3A_750 : vector<16xi32> to vector<1x16xi32>
      tpu.vector_store %arg6[%swap3A_751, %swap3A_752], %swap3A_755 {strides = array<i32>} : memref<26x128xi32, #tpu.memory_space<vmem>>, vector<1x16xi32>,
      %xor3A_756 = arith.constant 43 : i32
      %xor3A_757 = vector.broadcast %xor3A_756 : i32 to vector<16xi32>
      %xor3A_758 = arith.xori %bitcast3A_691, %xor3A_757 : vector<16xi32>
      %mul3A_759 = arith.constant -1640531535 : i32
      %mul3A_760 = vector.broadcast %mul3A_759 : i32 to vector<16xi32>
      %mul3A_761 = arith.muli %xor3A_758, %mul3A_760 : vector<16xi32>
      %shift_right_logical3A_762 = arith.constant 16 : i32
      %shift_right_logical3A_763 = vector.broadcast %shift_right_logical3A_762 : i32 to vector<16xi32>
      %shift_right_logical3A_764 = arith.shrui %mul3A_761, %shift_right_logical3A_763 : vector<16xi32>
      %xor3A_765 = arith.xori %mul3A_761, %shift_right_logical3A_764 : vector<16xi32>
      %mul3A_766 = arith.constant -2048144777 : i32
      %mul3A_767 = vector.broadcast %mul3A_766 : i32 to vector<16xi32>
      %mul3A_768 = arith.muli %xor3A_765, %mul3A_767 : vector<16xi32>
      %shift_right_logical3A_769 = arith.constant 13 : i32
      %shift_right_logical3A_770 = vector.broadcast %shift_right_logical3A_769 : i32 to vector<16xi32>
      %shift_right_logical3A_771 = arith.shrui %mul3A_768, %shift_right_logical3A_770 : vector<16xi32>
      %xor3A_772 = arith.xori %mul3A_768, %shift_right_logical3A_771 : vector<16xi32>
      %and3A_773 = arith.constant 65535 : i32
      %and3A_774 = vector.broadcast %and3A_773 : i32 to vector<16xi32>
      %and3A_775 = arith.andi %xor3A_772, %and3A_774 : vector<16xi32>
      %shift_right_logical3A_776 = arith.constant 16 : i32
      %shift_right_logical3A_777 = vector.broadcast %shift_right_logical3A_776 : i32 to vector<16xi32>
      %shift_right_logical3A_778 = arith.shrui %xor3A_772, %shift_right_logical3A_777 : vector<16xi32>
      %mul3A_779 = arith.constant 56963 : i32
      %mul3A_780 = vector.broadcast %mul3A_779 : i32 to vector<16xi32>
      %mul3A_781 = arith.muli %shift_right_logical3A_778, %mul3A_780 : vector<16xi32>
      %mul3A_782 = arith.constant 56963 : i32
      %mul3A_783 = vector.broadcast %mul3A_782 : i32 to vector<16xi32>
      %mul3A_784 = arith.muli %and3A_775, %mul3A_783 : vector<16xi32>
      %shift_right_logical3A_785 = arith.constant 16 : i32
      %shift_right_logical3A_786 = vector.broadcast %shift_right_logical3A_785 : i32 to vector<16xi32>
      %shift_right_logical3A_787 = arith.shrui %mul3A_784, %shift_right_logical3A_786 : vector<16xi32>
      %add3A_788 = arith.addi %mul3A_781, %shift_right_logical3A_787 : vector<16xi32>
      %mul3A_789 = arith.constant 17179 : i32
      %mul3A_790 = vector.broadcast %mul3A_789 : i32 to vector<16xi32>
      %mul3A_791 = arith.muli %and3A_775, %mul3A_790 : vector<16xi32>
      %and3A_792 = arith.constant 65535 : i32
      %and3A_793 = vector.broadcast %and3A_792 : i32 to vector<16xi32>
      %and3A_794 = arith.andi %add3A_788, %and3A_793 : vector<16xi32>
      %add3A_795 = arith.addi %mul3A_791, %and3A_794 : vector<16xi32>
      %mul3A_796 = arith.constant 17179 : i32
      %mul3A_797 = vector.broadcast %mul3A_796 : i32 to vector<16xi32>
      %mul3A_798 = arith.muli %shift_right_logical3A_778, %mul3A_797 : vector<16xi32>
      %shift_right_logical3A_799 = arith.constant 16 : i32
      %shift_right_logical3A_800 = vector.broadcast %shift_right_logical3A_799 : i32 to vector<16xi32>
      %shift_right_logical3A_801 = arith.shrui %add3A_788, %shift_right_logical3A_800 : vector<16xi32>
      %add3A_802 = arith.addi %mul3A_798, %shift_right_logical3A_801 : vector<16xi32>
      %shift_right_logical3A_803 = arith.constant 16 : i32
      %shift_right_logical3A_804 = vector.broadcast %shift_right_logical3A_803 : i32 to vector<16xi32>
      %shift_right_logical3A_805 = arith.shrui %add3A_795, %shift_right_logical3A_804 : vector<16xi32>
      %add3A_806 = arith.addi %add3A_802, %shift_right_logical3A_805 : vector<16xi32>
      %shift_right_logical3A_807 = arith.constant 18 : i32
      %shift_right_logical3A_808 = vector.broadcast %shift_right_logical3A_807 : i32 to vector<16xi32>
      %shift_right_logical3A_809 = arith.shrui %add3A_806, %shift_right_logical3A_808 : vector<16xi32>
      %mul3A_810 = arith.constant 1000000 : i32
      %mul3A_811 = vector.broadcast %mul3A_810 : i32 to vector<16xi32>
      %mul3A_812 = arith.muli %shift_right_logical3A_809, %mul3A_811 : vector<16xi32>
      %sub3A_813 = arith.subi %xor3A_772, %mul3A_812 : vector<16xi32>
      %bitcast3A_814 = vector.bitcast %sub3A_813 : vector<16xi32> to vector<16xi32>
      %swap3A_815 = arith.index_cast %scan3A_9 : i32 to index
      %swap3A_816 = arith.constant 80 : index
      %swap3A_817 = tpu.vector_load %arg7[%swap3A_815, %swap3A_816] {strides = array<i32>} : memref<26x128xi32, #tpu.memory_space<vmem>>, vector<1x16xi32>,
      %swap3A_818 = vector.shape_cast %swap3A_817 : vector<1x16xi32> to vector<16xi32>
      %swap3A_819 = vector.shape_cast %bitcast3A_814 : vector<16xi32> to vector<1x16xi32>
      tpu.vector_store %arg7[%swap3A_815, %swap3A_816], %swap3A_819 {strides = array<i32>} : memref<26x128xi32, #tpu.memory_space<vmem>>, vector<1x16xi32>,
      %mul3A_820 = arith.constant 128 : i32
      %mul3A_821 = arith.muli %scan3A_9, %mul3A_820 : i32
      %add3A_822 = arith.constant 96 : i32
      %add3A_823 = arith.addi %mul3A_821, %add3A_822 : i32
      %get3A_824 = arith.index_cast %add3A_823 : i32 to index
      %get3A_825 = tpu.vector_load %arg5[%get3A_824] {strides = array<i32>} : memref<3328xi32, #tpu.memory_space<vmem>>, vector<16xi32>,
      %get3A_826 = vector.shape_cast %get3A_825 : vector<16xi32> to vector<16xi32>
      %bitcast3A_827 = vector.bitcast %get3A_826 : vector<16xi32> to vector<16xi32>
      %xor3A_828 = arith.constant 42 : i32
      %xor3A_829 = vector.broadcast %xor3A_828 : i32 to vector<16xi32>
      %xor3A_830 = arith.xori %bitcast3A_827, %xor3A_829 : vector<16xi32>
      %mul3A_831 = arith.constant -1640531535 : i32
      %mul3A_832 = vector.broadcast %mul3A_831 : i32 to vector<16xi32>
      %mul3A_833 = arith.muli %xor3A_830, %mul3A_832 : vector<16xi32>
      %shift_right_logical3A_834 = arith.constant 16 : i32
      %shift_right_logical3A_835 = vector.broadcast %shift_right_logical3A_834 : i32 to vector<16xi32>
      %shift_right_logical3A_836 = arith.shrui %mul3A_833, %shift_right_logical3A_835 : vector<16xi32>
      %xor3A_837 = arith.xori %mul3A_833, %shift_right_logical3A_836 : vector<16xi32>
      %mul3A_838 = arith.constant -2048144777 : i32
      %mul3A_839 = vector.broadcast %mul3A_838 : i32 to vector<16xi32>
      %mul3A_840 = arith.muli %xor3A_837, %mul3A_839 : vector<16xi32>
      %shift_right_logical3A_841 = arith.constant 13 : i32
      %shift_right_logical3A_842 = vector.broadcast %shift_right_logical3A_841 : i32 to vector<16xi32>
      %shift_right_logical3A_843 = arith.shrui %mul3A_840, %shift_right_logical3A_842 : vector<16xi32>
      %xor3A_844 = arith.xori %mul3A_840, %shift_right_logical3A_843 : vector<16xi32>
      %and3A_845 = arith.constant 65535 : i32
      %and3A_846 = vector.broadcast %and3A_845 : i32 to vector<16xi32>
      %and3A_847 = arith.andi %xor3A_844, %and3A_846 : vector<16xi32>
      %shift_right_logical3A_848 = arith.constant 16 : i32
      %shift_right_logical3A_849 = vector.broadcast %shift_right_logical3A_848 : i32 to vector<16xi32>
      %shift_right_logical3A_850 = arith.shrui %xor3A_844, %shift_right_logical3A_849 : vector<16xi32>
      %mul3A_851 = arith.constant 56963 : i32
      %mul3A_852 = vector.broadcast %mul3A_851 : i32 to vector<16xi32>
      %mul3A_853 = arith.muli %shift_right_logical3A_850, %mul3A_852 : vector<16xi32>
      %mul3A_854 = arith.constant 56963 : i32
      %mul3A_855 = vector.broadcast %mul3A_854 : i32 to vector<16xi32>
      %mul3A_856 = arith.muli %and3A_847, %mul3A_855 : vector<16xi32>
      %shift_right_logical3A_857 = arith.constant 16 : i32
      %shift_right_logical3A_858 = vector.broadcast %shift_right_logical3A_857 : i32 to vector<16xi32>
      %shift_right_logical3A_859 = arith.shrui %mul3A_856, %shift_right_logical3A_858 : vector<16xi32>
      %add3A_860 = arith.addi %mul3A_853, %shift_right_logical3A_859 : vector<16xi32>
      %mul3A_861 = arith.constant 17179 : i32
      %mul3A_862 = vector.broadcast %mul3A_861 : i32 to vector<16xi32>
      %mul3A_863 = arith.muli %and3A_847, %mul3A_862 : vector<16xi32>
      %and3A_864 = arith.constant 65535 : i32
      %and3A_865 = vector.broadcast %and3A_864 : i32 to vector<16xi32>
      %and3A_866 = arith.andi %add3A_860, %and3A_865 : vector<16xi32>
      %add3A_867 = arith.addi %mul3A_863, %and3A_866 : vector<16xi32>
      %mul3A_868 = arith.constant 17179 : i32
      %mul3A_869 = vector.broadcast %mul3A_868 : i32 to vector<16xi32>
      %mul3A_870 = arith.muli %shift_right_logical3A_850, %mul3A_869 : vector<16xi32>
      %shift_right_logical3A_871 = arith.constant 16 : i32
      %shift_right_logical3A_872 = vector.broadcast %shift_right_logical3A_871 : i32 to vector<16xi32>
      %shift_right_logical3A_873 = arith.shrui %add3A_860, %shift_right_logical3A_872 : vector<16xi32>
      %add3A_874 = arith.addi %mul3A_870, %shift_right_logical3A_873 : vector<16xi32>
      %shift_right_logical3A_875 = arith.constant 16 : i32
      %shift_right_logical3A_876 = vector.broadcast %shift_right_logical3A_875 : i32 to vector<16xi32>
      %shift_right_logical3A_877 = arith.shrui %add3A_867, %shift_right_logical3A_876 : vector<16xi32>
      %add3A_878 = arith.addi %add3A_874, %shift_right_logical3A_877 : vector<16xi32>
      %shift_right_logical3A_879 = arith.constant 18 : i32
      %shift_right_logical3A_880 = vector.broadcast %shift_right_logical3A_879 : i32 to vector<16xi32>
      %shift_right_logical3A_881 = arith.shrui %add3A_878, %shift_right_logical3A_880 : vector<16xi32>
      %mul3A_882 = arith.constant 1000000 : i32
      %mul3A_883 = vector.broadcast %mul3A_882 : i32 to vector<16xi32>
      %mul3A_884 = arith.muli %shift_right_logical3A_881, %mul3A_883 : vector<16xi32>
      %sub3A_885 = arith.subi %xor3A_844, %mul3A_884 : vector<16xi32>
      %bitcast3A_886 = vector.bitcast %sub3A_885 : vector<16xi32> to vector<16xi32>
      %swap3A_887 = arith.index_cast %scan3A_9 : i32 to index
      %swap3A_888 = arith.constant 96 : index
      %swap3A_889 = tpu.vector_load %arg6[%swap3A_887, %swap3A_888] {strides = array<i32>} : memref<26x128xi32, #tpu.memory_space<vmem>>, vector<1x16xi32>,
      %swap3A_890 = vector.shape_cast %swap3A_889 : vector<1x16xi32> to vector<16xi32>
      %swap3A_891 = vector.shape_cast %bitcast3A_886 : vector<16xi32> to vector<1x16xi32>
      tpu.vector_store %arg6[%swap3A_887, %swap3A_888], %swap3A_891 {strides = array<i32>} : memref<26x128xi32, #tpu.memory_space<vmem>>, vector<1x16xi32>,
      %xor3A_892 = arith.constant 43 : i32
      %xor3A_893 = vector.broadcast %xor3A_892 : i32 to vector<16xi32>
      %xor3A_894 = arith.xori %bitcast3A_827, %xor3A_893 : vector<16xi32>
      %mul3A_895 = arith.constant -1640531535 : i32
      %mul3A_896 = vector.broadcast %mul3A_895 : i32 to vector<16xi32>
      %mul3A_897 = arith.muli %xor3A_894, %mul3A_896 : vector<16xi32>
      %shift_right_logical3A_898 = arith.constant 16 : i32
      %shift_right_logical3A_899 = vector.broadcast %shift_right_logical3A_898 : i32 to vector<16xi32>
      %shift_right_logical3A_900 = arith.shrui %mul3A_897, %shift_right_logical3A_899 : vector<16xi32>
      %xor3A_901 = arith.xori %mul3A_897, %shift_right_logical3A_900 : vector<16xi32>
      %mul3A_902 = arith.constant -2048144777 : i32
      %mul3A_903 = vector.broadcast %mul3A_902 : i32 to vector<16xi32>
      %mul3A_904 = arith.muli %xor3A_901, %mul3A_903 : vector<16xi32>
      %shift_right_logical3A_905 = arith.constant 13 : i32
      %shift_right_logical3A_906 = vector.broadcast %shift_right_logical3A_905 : i32 to vector<16xi32>
      %shift_right_logical3A_907 = arith.shrui %mul3A_904, %shift_right_logical3A_906 : vector<16xi32>
      %xor3A_908 = arith.xori %mul3A_904, %shift_right_logical3A_907 : vector<16xi32>
      %and3A_909 = arith.constant 65535 : i32
      %and3A_910 = vector.broadcast %and3A_909 : i32 to vector<16xi32>
      %and3A_911 = arith.andi %xor3A_908, %and3A_910 : vector<16xi32>
      %shift_right_logical3A_912 = arith.constant 16 : i32
      %shift_right_logical3A_913 = vector.broadcast %shift_right_logical3A_912 : i32 to vector<16xi32>
      %shift_right_logical3A_914 = arith.shrui %xor3A_908, %shift_right_logical3A_913 : vector<16xi32>
      %mul3A_915 = arith.constant 56963 : i32
      %mul3A_916 = vector.broadcast %mul3A_915 : i32 to vector<16xi32>
      %mul3A_917 = arith.muli %shift_right_logical3A_914, %mul3A_916 : vector<16xi32>
      %mul3A_918 = arith.constant 56963 : i32
      %mul3A_919 = vector.broadcast %mul3A_918 : i32 to vector<16xi32>
      %mul3A_920 = arith.muli %and3A_911, %mul3A_919 : vector<16xi32>
      %shift_right_logical3A_921 = arith.constant 16 : i32
      %shift_right_logical3A_922 = vector.broadcast %shift_right_logical3A_921 : i32 to vector<16xi32>
      %shift_right_logical3A_923 = arith.shrui %mul3A_920, %shift_right_logical3A_922 : vector<16xi32>
      %add3A_924 = arith.addi %mul3A_917, %shift_right_logical3A_923 : vector<16xi32>
      %mul3A_925 = arith.constant 17179 : i32
      %mul3A_926 = vector.broadcast %mul3A_925 : i32 to vector<16xi32>
      %mul3A_927 = arith.muli %and3A_911, %mul3A_926 : vector<16xi32>
      %and3A_928 = arith.constant 65535 : i32
      %and3A_929 = vector.broadcast %and3A_928 : i32 to vector<16xi32>
      %and3A_930 = arith.andi %add3A_924, %and3A_929 : vector<16xi32>
      %add3A_931 = arith.addi %mul3A_927, %and3A_930 : vector<16xi32>
      %mul3A_932 = arith.constant 17179 : i32
      %mul3A_933 = vector.broadcast %mul3A_932 : i32 to vector<16xi32>
      %mul3A_934 = arith.muli %shift_right_logical3A_914, %mul3A_933 : vector<16xi32>
      %shift_right_logical3A_935 = arith.constant 16 : i32
      %shift_right_logical3A_936 = vector.broadcast %shift_right_logical3A_935 : i32 to vector<16xi32>
      %shift_right_logical3A_937 = arith.shrui %add3A_924, %shift_right_logical3A_936 : vector<16xi32>
      %add3A_938 = arith.addi %mul3A_934, %shift_right_logical3A_937 : vector<16xi32>
      %shift_right_logical3A_939 = arith.constant 16 : i32
      %shift_right_logical3A_940 = vector.broadcast %shift_right_logical3A_939 : i32 to vector<16xi32>
      %shift_right_logical3A_941 = arith.shrui %add3A_931, %shift_right_logical3A_940 : vector<16xi32>
      %add3A_942 = arith.addi %add3A_938, %shift_right_logical3A_941 : vector<16xi32>
      %shift_right_logical3A_943 = arith.constant 18 : i32
      %shift_right_logical3A_944 = vector.broadcast %shift_right_logical3A_943 : i32 to vector<16xi32>
      %shift_right_logical3A_945 = arith.shrui %add3A_942, %shift_right_logical3A_944 : vector<16xi32>
      %mul3A_946 = arith.constant 1000000 : i32
      %mul3A_947 = vector.broadcast %mul3A_946 : i32 to vector<16xi32>
      %mul3A_948 = arith.muli %shift_right_logical3A_945, %mul3A_947 : vector<16xi32>
      %sub3A_949 = arith.subi %xor3A_908, %mul3A_948 : vector<16xi32>
      %bitcast3A_950 = vector.bitcast %sub3A_949 : vector<16xi32> to vector<16xi32>
      %swap3A_951 = arith.index_cast %scan3A_9 : i32 to index
      %swap3A_952 = arith.constant 96 : index
      %swap3A_953 = tpu.vector_load %arg7[%swap3A_951, %swap3A_952] {strides = array<i32>} : memref<26x128xi32, #tpu.memory_space<vmem>>, vector<1x16xi32>,
      %swap3A_954 = vector.shape_cast %swap3A_953 : vector<1x16xi32> to vector<16xi32>
      %swap3A_955 = vector.shape_cast %bitcast3A_950 : vector<16xi32> to vector<1x16xi32>
      tpu.vector_store %arg7[%swap3A_951, %swap3A_952], %swap3A_955 {strides = array<i32>} : memref<26x128xi32, #tpu.memory_space<vmem>>, vector<1x16xi32>,
      %mul3A_956 = arith.constant 128 : i32
      %mul3A_957 = arith.muli %scan3A_9, %mul3A_956 : i32
      %add3A_958 = arith.constant 112 : i32
      %add3A_959 = arith.addi %mul3A_957, %add3A_958 : i32
      %get3A_960 = arith.index_cast %add3A_959 : i32 to index
      %get3A_961 = tpu.vector_load %arg5[%get3A_960] {strides = array<i32>} : memref<3328xi32, #tpu.memory_space<vmem>>, vector<16xi32>,
      %get3A_962 = vector.shape_cast %get3A_961 : vector<16xi32> to vector<16xi32>
      %bitcast3A_963 = vector.bitcast %get3A_962 : vector<16xi32> to vector<16xi32>
      %xor3A_964 = arith.constant 42 : i32
      %xor3A_965 = vector.broadcast %xor3A_964 : i32 to vector<16xi32>
      %xor3A_966 = arith.xori %bitcast3A_963, %xor3A_965 : vector<16xi32>
      %mul3A_967 = arith.constant -1640531535 : i32
      %mul3A_968 = vector.broadcast %mul3A_967 : i32 to vector<16xi32>
      %mul3A_969 = arith.muli %xor3A_966, %mul3A_968 : vector<16xi32>
      %shift_right_logical3A_970 = arith.constant 16 : i32
      %shift_right_logical3A_971 = vector.broadcast %shift_right_logical3A_970 : i32 to vector<16xi32>
      %shift_right_logical3A_972 = arith.shrui %mul3A_969, %shift_right_logical3A_971 : vector<16xi32>
      %xor3A_973 = arith.xori %mul3A_969, %shift_right_logical3A_972 : vector<16xi32>
      %mul3A_974 = arith.constant -2048144777 : i32
      %mul3A_975 = vector.broadcast %mul3A_974 : i32 to vector<16xi32>
      %mul3A_976 = arith.muli %xor3A_973, %mul3A_975 : vector<16xi32>
      %shift_right_logical3A_977 = arith.constant 13 : i32
      %shift_right_logical3A_978 = vector.broadcast %shift_right_logical3A_977 : i32 to vector<16xi32>
      %shift_right_logical3A_979 = arith.shrui %mul3A_976, %shift_right_logical3A_978 : vector<16xi32>
      %xor3A_980 = arith.xori %mul3A_976, %shift_right_logical3A_979 : vector<16xi32>
      %and3A_981 = arith.constant 65535 : i32
      %and3A_982 = vector.broadcast %and3A_981 : i32 to vector<16xi32>
      %and3A_983 = arith.andi %xor3A_980, %and3A_982 : vector<16xi32>
      %shift_right_logical3A_984 = arith.constant 16 : i32
      %shift_right_logical3A_985 = vector.broadcast %shift_right_logical3A_984 : i32 to vector<16xi32>
      %shift_right_logical3A_986 = arith.shrui %xor3A_980, %shift_right_logical3A_985 : vector<16xi32>
      %mul3A_987 = arith.constant 56963 : i32
      %mul3A_988 = vector.broadcast %mul3A_987 : i32 to vector<16xi32>
      %mul3A_989 = arith.muli %shift_right_logical3A_986, %mul3A_988 : vector<16xi32>
      %mul3A_990 = arith.constant 56963 : i32
      %mul3A_991 = vector.broadcast %mul3A_990 : i32 to vector<16xi32>
      %mul3A_992 = arith.muli %and3A_983, %mul3A_991 : vector<16xi32>
      %shift_right_logical3A_993 = arith.constant 16 : i32
      %shift_right_logical3A_994 = vector.broadcast %shift_right_logical3A_993 : i32 to vector<16xi32>
      %shift_right_logical3A_995 = arith.shrui %mul3A_992, %shift_right_logical3A_994 : vector<16xi32>
      %add3A_996 = arith.addi %mul3A_989, %shift_right_logical3A_995 : vector<16xi32>
      %mul3A_997 = arith.constant 17179 : i32
      %mul3A_998 = vector.broadcast %mul3A_997 : i32 to vector<16xi32>
      %mul3A_999 = arith.muli %and3A_983, %mul3A_998 : vector<16xi32>
      %and3A_1000 = arith.constant 65535 : i32
      %and3A_1001 = vector.broadcast %and3A_1000 : i32 to vector<16xi32>
      %and3A_1002 = arith.andi %add3A_996, %and3A_1001 : vector<16xi32>
      %add3A_1003 = arith.addi %mul3A_999, %and3A_1002 : vector<16xi32>
      %mul3A_1004 = arith.constant 17179 : i32
      %mul3A_1005 = vector.broadcast %mul3A_1004 : i32 to vector<16xi32>
      %mul3A_1006 = arith.muli %shift_right_logical3A_986, %mul3A_1005 : vector<16xi32>
      %shift_right_logical3A_1007 = arith.constant 16 : i32
      %shift_right_logical3A_1008 = vector.broadcast %shift_right_logical3A_1007 : i32 to vector<16xi32>
      %shift_right_logical3A_1009 = arith.shrui %add3A_996, %shift_right_logical3A_1008 : vector<16xi32>
      %add3A_1010 = arith.addi %mul3A_1006, %shift_right_logical3A_1009 : vector<16xi32>
      %shift_right_logical3A_1011 = arith.constant 16 : i32
      %shift_right_logical3A_1012 = vector.broadcast %shift_right_logical3A_1011 : i32 to vector<16xi32>
      %shift_right_logical3A_1013 = arith.shrui %add3A_1003, %shift_right_logical3A_1012 : vector<16xi32>
      %add3A_1014 = arith.addi %add3A_1010, %shift_right_logical3A_1013 : vector<16xi32>
      %shift_right_logical3A_1015 = arith.constant 18 : i32
      %shift_right_logical3A_1016 = vector.broadcast %shift_right_logical3A_1015 : i32 to vector<16xi32>
      %shift_right_logical3A_1017 = arith.shrui %add3A_1014, %shift_right_logical3A_1016 : vector<16xi32>
      %mul3A_1018 = arith.constant 1000000 : i32
      %mul3A_1019 = vector.broadcast %mul3A_1018 : i32 to vector<16xi32>
      %mul3A_1020 = arith.muli %shift_right_logical3A_1017, %mul3A_1019 : vector<16xi32>
      %sub3A_1021 = arith.subi %xor3A_980, %mul3A_1020 : vector<16xi32>
      %bitcast3A_1022 = vector.bitcast %sub3A_1021 : vector<16xi32> to vector<16xi32>
      %swap3A_1023 = arith.index_cast %scan3A_9 : i32 to index
      %swap3A_1024 = arith.constant 112 : index
      %swap3A_1025 = tpu.vector_load %arg6[%swap3A_1023, %swap3A_1024] {strides = array<i32>} : memref<26x128xi32, #tpu.memory_space<vmem>>, vector<1x16xi32>,
      %swap3A_1026 = vector.shape_cast %swap3A_1025 : vector<1x16xi32> to vector<16xi32>
      %swap3A_1027 = vector.shape_cast %bitcast3A_1022 : vector<16xi32> to vector<1x16xi32>
      tpu.vector_store %arg6[%swap3A_1023, %swap3A_1024], %swap3A_1027 {strides = array<i32>} : memref<26x128xi32, #tpu.memory_space<vmem>>, vector<1x16xi32>,
      %xor3A_1028 = arith.constant 43 : i32
      %xor3A_1029 = vector.broadcast %xor3A_1028 : i32 to vector<16xi32>
      %xor3A_1030 = arith.xori %bitcast3A_963, %xor3A_1029 : vector<16xi32>
      %mul3A_1031 = arith.constant -1640531535 : i32
      %mul3A_1032 = vector.broadcast %mul3A_1031 : i32 to vector<16xi32>
      %mul3A_1033 = arith.muli %xor3A_1030, %mul3A_1032 : vector<16xi32>
      %shift_right_logical3A_1034 = arith.constant 16 : i32
      %shift_right_logical3A_1035 = vector.broadcast %shift_right_logical3A_1034 : i32 to vector<16xi32>
      %shift_right_logical3A_1036 = arith.shrui %mul3A_1033, %shift_right_logical3A_1035 : vector<16xi32>
      %xor3A_1037 = arith.xori %mul3A_1033, %shift_right_logical3A_1036 : vector<16xi32>
      %mul3A_1038 = arith.constant -2048144777 : i32
      %mul3A_1039 = vector.broadcast %mul3A_1038 : i32 to vector<16xi32>
      %mul3A_1040 = arith.muli %xor3A_1037, %mul3A_1039 : vector<16xi32>
      %shift_right_logical3A_1041 = arith.constant 13 : i32
      %shift_right_logical3A_1042 = vector.broadcast %shift_right_logical3A_1041 : i32 to vector<16xi32>
      %shift_right_logical3A_1043 = arith.shrui %mul3A_1040, %shift_right_logical3A_1042 : vector<16xi32>
      %xor3A_1044 = arith.xori %mul3A_1040, %shift_right_logical3A_1043 : vector<16xi32>
      %and3A_1045 = arith.constant 65535 : i32
      %and3A_1046 = vector.broadcast %and3A_1045 : i32 to vector<16xi32>
      %and3A_1047 = arith.andi %xor3A_1044, %and3A_1046 : vector<16xi32>
      %shift_right_logical3A_1048 = arith.constant 16 : i32
      %shift_right_logical3A_1049 = vector.broadcast %shift_right_logical3A_1048 : i32 to vector<16xi32>
      %shift_right_logical3A_1050 = arith.shrui %xor3A_1044, %shift_right_logical3A_1049 : vector<16xi32>
      %mul3A_1051 = arith.constant 56963 : i32
      %mul3A_1052 = vector.broadcast %mul3A_1051 : i32 to vector<16xi32>
      %mul3A_1053 = arith.muli %shift_right_logical3A_1050, %mul3A_1052 : vector<16xi32>
      %mul3A_1054 = arith.constant 56963 : i32
      %mul3A_1055 = vector.broadcast %mul3A_1054 : i32 to vector<16xi32>
      %mul3A_1056 = arith.muli %and3A_1047, %mul3A_1055 : vector<16xi32>
      %shift_right_logical3A_1057 = arith.constant 16 : i32
      %shift_right_logical3A_1058 = vector.broadcast %shift_right_logical3A_1057 : i32 to vector<16xi32>
      %shift_right_logical3A_1059 = arith.shrui %mul3A_1056, %shift_right_logical3A_1058 : vector<16xi32>
      %add3A_1060 = arith.addi %mul3A_1053, %shift_right_logical3A_1059 : vector<16xi32>
      %mul3A_1061 = arith.constant 17179 : i32
      %mul3A_1062 = vector.broadcast %mul3A_1061 : i32 to vector<16xi32>
      %mul3A_1063 = arith.muli %and3A_1047, %mul3A_1062 : vector<16xi32>
      %and3A_1064 = arith.constant 65535 : i32
      %and3A_1065 = vector.broadcast %and3A_1064 : i32 to vector<16xi32>
      %and3A_1066 = arith.andi %add3A_1060, %and3A_1065 : vector<16xi32>
      %add3A_1067 = arith.addi %mul3A_1063, %and3A_1066 : vector<16xi32>
      %mul3A_1068 = arith.constant 17179 : i32
      %mul3A_1069 = vector.broadcast %mul3A_1068 : i32 to vector<16xi32>
      %mul3A_1070 = arith.muli %shift_right_logical3A_1050, %mul3A_1069 : vector<16xi32>
      %shift_right_logical3A_1071 = arith.constant 16 : i32
      %shift_right_logical3A_1072 = vector.broadcast %shift_right_logical3A_1071 : i32 to vector<16xi32>
      %shift_right_logical3A_1073 = arith.shrui %add3A_1060, %shift_right_logical3A_1072 : vector<16xi32>
      %add3A_1074 = arith.addi %mul3A_1070, %shift_right_logical3A_1073 : vector<16xi32>
      %shift_right_logical3A_1075 = arith.constant 16 : i32
      %shift_right_logical3A_1076 = vector.broadcast %shift_right_logical3A_1075 : i32 to vector<16xi32>
      %shift_right_logical3A_1077 = arith.shrui %add3A_1067, %shift_right_logical3A_1076 : vector<16xi32>
      %add3A_1078 = arith.addi %add3A_1074, %shift_right_logical3A_1077 : vector<16xi32>
      %shift_right_logical3A_1079 = arith.constant 18 : i32
      %shift_right_logical3A_1080 = vector.broadcast %shift_right_logical3A_1079 : i32 to vector<16xi32>
      %shift_right_logical3A_1081 = arith.shrui %add3A_1078, %shift_right_logical3A_1080 : vector<16xi32>
      %mul3A_1082 = arith.constant 1000000 : i32
      %mul3A_1083 = vector.broadcast %mul3A_1082 : i32 to vector<16xi32>
      %mul3A_1084 = arith.muli %shift_right_logical3A_1081, %mul3A_1083 : vector<16xi32>
      %sub3A_1085 = arith.subi %xor3A_1044, %mul3A_1084 : vector<16xi32>
      %bitcast3A_1086 = vector.bitcast %sub3A_1085 : vector<16xi32> to vector<16xi32>
      %swap3A_1087 = arith.index_cast %scan3A_9 : i32 to index
      %swap3A_1088 = arith.constant 112 : index
      %swap3A_1089 = tpu.vector_load %arg7[%swap3A_1087, %swap3A_1088] {strides = array<i32>} : memref<26x128xi32, #tpu.memory_space<vmem>>, vector<1x16xi32>,
      %swap3A_1090 = vector.shape_cast %swap3A_1089 : vector<1x16xi32> to vector<16xi32>
      %swap3A_1091 = vector.shape_cast %bitcast3A_1086 : vector<16xi32> to vector<1x16xi32>
      tpu.vector_store %arg7[%swap3A_1087, %swap3A_1088], %swap3A_1091 {strides = array<i32>} : memref<26x128xi32, #tpu.memory_space<vmem>>, vector<1x16xi32>,
      %scan3A_1092 = arith.constant 0 : i32
      scf.yield %scan3A_1092 : i32
    }
    %scan3A_8 = arith.constant 26 : i32
    "tpu.region"() ({
      %run_scoped3A = tpu.sem_alloc : memref<!tpu.dma_semaphore, #tpu.memory_space<semaphore_mem>>
      %dma_start3A = arith.constant 0 : i32
      %dma_start3A_9 = arith.constant 0 : i32
      %dma_start3A_10 = tpu.memref_slice %arg3[%add3A, %dma_start3A, %dma_start3A_9] : memref<32x26x128xi32, #tpu.memory_space<hbm>> -> memref<1x26x128xi32, #tpu.memory_space<hbm>>
      %dma_start3A_11 = tpu.memref_squeeze %dma_start3A_10 : memref<1x26x128xi32, #tpu.memory_space<hbm>> -> memref<26x128xi32, #tpu.memory_space<hbm>>
      %dma_start3A_12 = arith.constant 0 : i32
      %dma_start3A_13 = arith.constant 0 : i32
      %dma_start3A_14 = tpu.memref_slice %arg3[%add3A, %dma_start3A_12, %dma_start3A_13] : memref<32x26x128xi32, #tpu.memory_space<hbm>> -> memref<1x26x128xi32, #tpu.memory_space<hbm>>
      %dma_start3A_15 = tpu.memref_squeeze %dma_start3A_14 : memref<1x26x128xi32, #tpu.memory_space<hbm>> -> memref<26x128xi32, #tpu.memory_space<hbm>>
      tpu.enqueue_dma source(%arg6 : memref<26x128xi32, #tpu.memory_space<vmem>>) target(%dma_start3A_15 : memref<26x128xi32, #tpu.memory_space<hbm>>) target_semaphore(%run_scoped3A : memref<!tpu.dma_semaphore, #tpu.memory_space<semaphore_mem>>)
      %dma_wait3A = arith.constant 0 : i32
      %dma_wait3A_16 = arith.constant 0 : i32
      %dma_wait3A_17 = tpu.memref_slice %arg3[%add3A, %dma_wait3A, %dma_wait3A_16] : memref<32x26x128xi32, #tpu.memory_space<hbm>> -> memref<1x26x128xi32, #tpu.memory_space<hbm>>
      %dma_wait3A_18 = tpu.memref_squeeze %dma_wait3A_17 : memref<1x26x128xi32, #tpu.memory_space<hbm>> -> memref<26x128xi32, #tpu.memory_space<hbm>>
      %dma_wait3A_19 = arith.constant 0 : i32
      %dma_wait3A_20 = arith.constant 0 : i32
      %dma_wait3A_21 = tpu.memref_slice %arg3[%add3A, %dma_wait3A_19, %dma_wait3A_20] : memref<32x26x128xi32, #tpu.memory_space<hbm>> -> memref<1x26x128xi32, #tpu.memory_space<hbm>>
      %dma_wait3A_22 = tpu.memref_squeeze %dma_wait3A_21 : memref<1x26x128xi32, #tpu.memory_space<hbm>> -> memref<26x128xi32, #tpu.memory_space<hbm>>
      tpu.wait_dma2 semaphore(%run_scoped3A : memref<!tpu.dma_semaphore, #tpu.memory_space<semaphore_mem>>) src(%arg6 : memref<26x128xi32, #tpu.memory_space<vmem>>) dst(%dma_wait3A_22 : memref<26x128xi32, #tpu.memory_space<hbm>>)
      tpu.yield
    }) : () -> ()
    "tpu.region"() ({
      %run_scoped3A = tpu.sem_alloc : memref<!tpu.dma_semaphore, #tpu.memory_space<semaphore_mem>>
      %dma_start3A = arith.constant 0 : i32
      %dma_start3A_9 = arith.constant 0 : i32
      %dma_start3A_10 = tpu.memref_slice %arg4[%add3A, %dma_start3A, %dma_start3A_9] : memref<32x26x128xi32, #tpu.memory_space<hbm>> -> memref<1x26x128xi32, #tpu.memory_space<hbm>>
      %dma_start3A_11 = tpu.memref_squeeze %dma_start3A_10 : memref<1x26x128xi32, #tpu.memory_space<hbm>> -> memref<26x128xi32, #tpu.memory_space<hbm>>
      %dma_start3A_12 = arith.constant 0 : i32
      %dma_start3A_13 = arith.constant 0 : i32
      %dma_start3A_14 = tpu.memref_slice %arg4[%add3A, %dma_start3A_12, %dma_start3A_13] : memref<32x26x128xi32, #tpu.memory_space<hbm>> -> memref<1x26x128xi32, #tpu.memory_space<hbm>>
      %dma_start3A_15 = tpu.memref_squeeze %dma_start3A_14 : memref<1x26x128xi32, #tpu.memory_space<hbm>> -> memref<26x128xi32, #tpu.memory_space<hbm>>
      tpu.enqueue_dma source(%arg7 : memref<26x128xi32, #tpu.memory_space<vmem>>) target(%dma_start3A_15 : memref<26x128xi32, #tpu.memory_space<hbm>>) target_semaphore(%run_scoped3A : memref<!tpu.dma_semaphore, #tpu.memory_space<semaphore_mem>>)
      %dma_wait3A = arith.constant 0 : i32
      %dma_wait3A_16 = arith.constant 0 : i32
      %dma_wait3A_17 = tpu.memref_slice %arg4[%add3A, %dma_wait3A, %dma_wait3A_16] : memref<32x26x128xi32, #tpu.memory_space<hbm>> -> memref<1x26x128xi32, #tpu.memory_space<hbm>>
      %dma_wait3A_18 = tpu.memref_squeeze %dma_wait3A_17 : memref<1x26x128xi32, #tpu.memory_space<hbm>> -> memref<26x128xi32, #tpu.memory_space<hbm>>
      %dma_wait3A_19 = arith.constant 0 : i32
      %dma_wait3A_20 = arith.constant 0 : i32
      %dma_wait3A_21 = tpu.memref_slice %arg4[%add3A, %dma_wait3A_19, %dma_wait3A_20] : memref<32x26x128xi32, #tpu.memory_space<hbm>> -> memref<1x26x128xi32, #tpu.memory_space<hbm>>
      %dma_wait3A_22 = tpu.memref_squeeze %dma_wait3A_21 : memref<1x26x128xi32, #tpu.memory_space<hbm>> -> memref<26x128xi32, #tpu.memory_space<hbm>>
      tpu.wait_dma2 semaphore(%run_scoped3A : memref<!tpu.dma_semaphore, #tpu.memory_space<semaphore_mem>>) src(%arg7 : memref<26x128xi32, #tpu.memory_space<vmem>>) dst(%dma_wait3A_22 : memref<26x128xi32, #tpu.memory_space<hbm>>)
      tpu.yield
    }) : () -> ()
    return
  }
}

#map = affine_map<(d0, d1) -> (0, 0, 0)>
#map1 = affine_map<(d0, d1) -> (0, 0)>
module attributes {stable_mosaic.version = 14 : i64} {
  func.func @_g1_body(%arg0: i32, %arg1: i32, %arg2: memref<32x26x128xi32, #tpu.memory_space<hbm>>, %arg3: memref<1000000x32xf32, #tpu.memory_space<hbm>>, %arg4: memref<106496x32xf32, #tpu.memory_space<hbm>>, %arg5: memref<106496x64xf32, #tpu.memory_space<hbm>>, %arg6: memref<26x128xi32, #tpu.memory_space<vmem>>, %arg7: memref<128x32xf32, #tpu.memory_space<vmem>>, %arg8: memref<128x32xf32, #tpu.memory_space<vmem>>, %arg9: memref<!tpu.dma_semaphore, #tpu.memory_space<semaphore_mem>>, %arg10: memref<!tpu.dma_semaphore, #tpu.memory_space<semaphore_mem>>) attributes {dimension_semantics = [#tpu.dimension_semantics<core_parallel>, #tpu.dimension_semantics<subcore_parallel>], iteration_bounds = array<i64: 2, 16>, scalar_prefetch = 0 : i64, scratch_operands = 5 : i64, tpu.core_type = #tpu.core_type<sc_vector_subcore>, window_params = [{transform_indices = #map}, {transform_indices = #map1}, {transform_indices = #map1}, {transform_indices = #map1}]} {
    %mul3A = arith.constant 2 : i32
    %mul3A_0 = arith.muli %arg1, %mul3A : i32
    %add3A = arith.addi %mul3A_0, %arg0 : i32
    %mul3A_1 = arith.constant 3328 : i32
    %mul3A_2 = arith.muli %add3A, %mul3A_1 : i32
    "tpu.region"() ({
      %run_scoped3A = tpu.sem_alloc : memref<!tpu.dma_semaphore, #tpu.memory_space<semaphore_mem>>
      %dma_start3A = arith.constant 0 : i32
      %dma_start3A_9 = arith.constant 0 : i32
      %dma_start3A_10 = tpu.memref_slice %arg2[%add3A, %dma_start3A, %dma_start3A_9] : memref<32x26x128xi32, #tpu.memory_space<hbm>> -> memref<1x26x128xi32, #tpu.memory_space<hbm>>
      %dma_start3A_11 = tpu.memref_squeeze %dma_start3A_10 : memref<1x26x128xi32, #tpu.memory_space<hbm>> -> memref<26x128xi32, #tpu.memory_space<hbm>>
      %dma_start3A_12 = arith.constant 0 : i32
      %dma_start3A_13 = arith.constant 0 : i32
      %dma_start3A_14 = tpu.memref_slice %arg2[%add3A, %dma_start3A_12, %dma_start3A_13] : memref<32x26x128xi32, #tpu.memory_space<hbm>> -> memref<1x26x128xi32, #tpu.memory_space<hbm>>
      %dma_start3A_15 = tpu.memref_squeeze %dma_start3A_14 : memref<1x26x128xi32, #tpu.memory_space<hbm>> -> memref<26x128xi32, #tpu.memory_space<hbm>>
      tpu.enqueue_dma source(%dma_start3A_15 : memref<26x128xi32, #tpu.memory_space<hbm>>) target(%arg6 : memref<26x128xi32, #tpu.memory_space<vmem>>) target_semaphore(%run_scoped3A : memref<!tpu.dma_semaphore, #tpu.memory_space<semaphore_mem>>)
      %dma_wait3A = arith.constant 0 : i32
      %dma_wait3A_16 = arith.constant 0 : i32
      %dma_wait3A_17 = tpu.memref_slice %arg2[%add3A, %dma_wait3A, %dma_wait3A_16] : memref<32x26x128xi32, #tpu.memory_space<hbm>> -> memref<1x26x128xi32, #tpu.memory_space<hbm>>
      %dma_wait3A_18 = tpu.memref_squeeze %dma_wait3A_17 : memref<1x26x128xi32, #tpu.memory_space<hbm>> -> memref<26x128xi32, #tpu.memory_space<hbm>>
      %dma_wait3A_19 = arith.constant 0 : i32
      %dma_wait3A_20 = arith.constant 0 : i32
      %dma_wait3A_21 = tpu.memref_slice %arg2[%add3A, %dma_wait3A_19, %dma_wait3A_20] : memref<32x26x128xi32, #tpu.memory_space<hbm>> -> memref<1x26x128xi32, #tpu.memory_space<hbm>>
      %dma_wait3A_22 = tpu.memref_squeeze %dma_wait3A_21 : memref<1x26x128xi32, #tpu.memory_space<hbm>> -> memref<26x128xi32, #tpu.memory_space<hbm>>
      tpu.wait_dma2 semaphore(%run_scoped3A : memref<!tpu.dma_semaphore, #tpu.memory_space<semaphore_mem>>) src(%dma_wait3A_22 : memref<26x128xi32, #tpu.memory_space<hbm>>) dst(%arg6 : memref<26x128xi32, #tpu.memory_space<vmem>>)
      tpu.yield
    }) : () -> ()
    %scan3A = arith.constant 0 : i32
    %scan3A_3 = arith.constant 0 : i32
    %scan3A_4 = arith.constant 26 : i32
    %scan3A_5 = arith.addi %scan3A_3, %scan3A_4 : i32
    %scan3A_6 = arith.constant 1 : i32
    %scan3A_7 = scf.for %scan3A_9 = %scan3A_3 to %scan3A_5 step %scan3A_6 iter_args(%scan3A_10 = %scan3A) -> (i32)  : i32 {
      %mul3A_11 = arith.constant 128 : i32
      %mul3A_12 = arith.muli %scan3A_9, %mul3A_11 : i32
      %add3A_13 = arith.addi %mul3A_2, %mul3A_12 : i32
      %dma_start3A = arith.constant 0 : i32
      %dma_start3A_14 = tpu.memref_slice %arg6[%scan3A_9, %dma_start3A] : memref<26x128xi32, #tpu.memory_space<vmem>> -> memref<1x128xi32, #tpu.memory_space<vmem>>
      %dma_start3A_15 = tpu.memref_squeeze %dma_start3A_14 : memref<1x128xi32, #tpu.memory_space<vmem>> -> memref<128xi32, #tpu.memory_space<vmem>>
      %dma_start3A_16 = arith.constant 0 : i32
      %dma_start3A_17 = arith.constant 0 : i32
      %dma_start3A_18 = tpu.memref_slice %arg3[%dma_start3A_16, %dma_start3A_17] : memref<1000000x32xf32, #tpu.memory_space<hbm>> -> memref<1000000x32xf32, #tpu.memory_space<hbm>>
      tpu.enqueue_indirect_dma source(%dma_start3A_18 : memref<1000000x32xf32, #tpu.memory_space<hbm>>) target(%arg8 : memref<128x32xf32, #tpu.memory_space<vmem>>) offsets(%dma_start3A_15 : memref<128xi32, #tpu.memory_space<vmem>>) semaphore(%arg10 : memref<!tpu.dma_semaphore, #tpu.memory_space<semaphore_mem>>)
      %dma_start3A_19 = arith.constant 0 : i32
      %dma_start3A_20 = tpu.memref_slice %arg4[%add3A_13, %dma_start3A_19] : memref<106496x32xf32, #tpu.memory_space<hbm>> -> memref<128x32xf32, #tpu.memory_space<hbm>>
      %dma_start3A_21 = arith.constant 0 : i32
      %dma_start3A_22 = tpu.memref_slice %arg4[%add3A_13, %dma_start3A_21] : memref<106496x32xf32, #tpu.memory_space<hbm>> -> memref<128x32xf32, #tpu.memory_space<hbm>>
      tpu.enqueue_dma source(%dma_start3A_22 : memref<128x32xf32, #tpu.memory_space<hbm>>) target(%arg7 : memref<128x32xf32, #tpu.memory_space<vmem>>) target_semaphore(%arg9 : memref<!tpu.dma_semaphore, #tpu.memory_space<semaphore_mem>>)
      %dma_wait3A = arith.constant 0 : i32
      %dma_wait3A_23 = tpu.memref_slice %arg4[%add3A_13, %dma_wait3A] : memref<106496x32xf32, #tpu.memory_space<hbm>> -> memref<128x32xf32, #tpu.memory_space<hbm>>
      %dma_wait3A_24 = arith.constant 0 : i32
      %dma_wait3A_25 = tpu.memref_slice %arg4[%add3A_13, %dma_wait3A_24] : memref<106496x32xf32, #tpu.memory_space<hbm>> -> memref<128x32xf32, #tpu.memory_space<hbm>>
      tpu.wait_dma2 semaphore(%arg9 : memref<!tpu.dma_semaphore, #tpu.memory_space<semaphore_mem>>) src(%dma_wait3A_25 : memref<128x32xf32, #tpu.memory_space<hbm>>) dst(%arg7 : memref<128x32xf32, #tpu.memory_space<vmem>>)
      %dma_wait3A_26 = arith.constant 0 : i32
      %dma_wait3A_27 = tpu.memref_slice %arg6[%scan3A_9, %dma_wait3A_26] : memref<26x128xi32, #tpu.memory_space<vmem>> -> memref<1x128xi32, #tpu.memory_space<vmem>>
      %dma_wait3A_28 = tpu.memref_squeeze %dma_wait3A_27 : memref<1x128xi32, #tpu.memory_space<vmem>> -> memref<128xi32, #tpu.memory_space<vmem>>
      %dma_wait3A_29 = arith.constant 0 : i32
      %dma_wait3A_30 = arith.constant 0 : i32
      %dma_wait3A_31 = tpu.memref_slice %arg3[%dma_wait3A_29, %dma_wait3A_30] : memref<1000000x32xf32, #tpu.memory_space<hbm>> -> memref<1000000x32xf32, #tpu.memory_space<hbm>>
      tpu.wait_indirect_dma semaphore(%arg10 : memref<!tpu.dma_semaphore, #tpu.memory_space<semaphore_mem>>) src(%dma_wait3A_31 : memref<1000000x32xf32, #tpu.memory_space<hbm>>) dst(%arg8 : memref<128x32xf32, #tpu.memory_space<vmem>>)
      "tpu.region"() ({
        %run_scoped3A = tpu.sem_alloc : memref<!tpu.dma_semaphore, #tpu.memory_space<semaphore_mem>>
        %dma_start3A_33 = arith.constant 0 : i32
        %dma_start3A_34 = tpu.memref_slice %arg5[%add3A_13, %dma_start3A_33] : memref<106496x64xf32, #tpu.memory_space<hbm>> -> memref<128x32xf32, #tpu.memory_space<hbm>>
        %dma_start3A_35 = arith.constant 0 : i32
        %dma_start3A_36 = tpu.memref_slice %arg5[%add3A_13, %dma_start3A_35] : memref<106496x64xf32, #tpu.memory_space<hbm>> -> memref<128x32xf32, #tpu.memory_space<hbm>>
        tpu.enqueue_dma source(%arg7 : memref<128x32xf32, #tpu.memory_space<vmem>>) target(%dma_start3A_36 : memref<128x32xf32, #tpu.memory_space<hbm>>) target_semaphore(%run_scoped3A : memref<!tpu.dma_semaphore, #tpu.memory_space<semaphore_mem>>)
        %dma_wait3A_37 = arith.constant 0 : i32
        %dma_wait3A_38 = tpu.memref_slice %arg5[%add3A_13, %dma_wait3A_37] : memref<106496x64xf32, #tpu.memory_space<hbm>> -> memref<128x32xf32, #tpu.memory_space<hbm>>
        %dma_wait3A_39 = arith.constant 0 : i32
        %dma_wait3A_40 = tpu.memref_slice %arg5[%add3A_13, %dma_wait3A_39] : memref<106496x64xf32, #tpu.memory_space<hbm>> -> memref<128x32xf32, #tpu.memory_space<hbm>>
        tpu.wait_dma2 semaphore(%run_scoped3A : memref<!tpu.dma_semaphore, #tpu.memory_space<semaphore_mem>>) src(%arg7 : memref<128x32xf32, #tpu.memory_space<vmem>>) dst(%dma_wait3A_40 : memref<128x32xf32, #tpu.memory_space<hbm>>)
        tpu.yield
      }) : () -> ()
      "tpu.region"() ({
        %run_scoped3A = tpu.sem_alloc : memref<!tpu.dma_semaphore, #tpu.memory_space<semaphore_mem>>
        %dma_start3A_33 = arith.constant 32 : i32
        %dma_start3A_34 = tpu.memref_slice %arg5[%add3A_13, %dma_start3A_33] : memref<106496x64xf32, #tpu.memory_space<hbm>> -> memref<128x32xf32, #tpu.memory_space<hbm>>
        %dma_start3A_35 = arith.constant 32 : i32
        %dma_start3A_36 = tpu.memref_slice %arg5[%add3A_13, %dma_start3A_35] : memref<106496x64xf32, #tpu.memory_space<hbm>> -> memref<128x32xf32, #tpu.memory_space<hbm>>
        tpu.enqueue_dma source(%arg8 : memref<128x32xf32, #tpu.memory_space<vmem>>) target(%dma_start3A_36 : memref<128x32xf32, #tpu.memory_space<hbm>>) target_semaphore(%run_scoped3A : memref<!tpu.dma_semaphore, #tpu.memory_space<semaphore_mem>>)
        %dma_wait3A_37 = arith.constant 32 : i32
        %dma_wait3A_38 = tpu.memref_slice %arg5[%add3A_13, %dma_wait3A_37] : memref<106496x64xf32, #tpu.memory_space<hbm>> -> memref<128x32xf32, #tpu.memory_space<hbm>>
        %dma_wait3A_39 = arith.constant 32 : i32
        %dma_wait3A_40 = tpu.memref_slice %arg5[%add3A_13, %dma_wait3A_39] : memref<106496x64xf32, #tpu.memory_space<hbm>> -> memref<128x32xf32, #tpu.memory_space<hbm>>
        tpu.wait_dma2 semaphore(%run_scoped3A : memref<!tpu.dma_semaphore, #tpu.memory_space<semaphore_mem>>) src(%arg8 : memref<128x32xf32, #tpu.memory_space<vmem>>) dst(%dma_wait3A_40 : memref<128x32xf32, #tpu.memory_space<hbm>>)
        tpu.yield
      }) : () -> ()
      %scan3A_32 = arith.constant 0 : i32
      scf.yield %scan3A_32 : i32
    }
    %scan3A_8 = arith.constant 26 : i32
    return
  }
}

#map = affine_map<(d0, d1) -> (0, 0, 0)>
#map1 = affine_map<(d0, d1) -> (0, 0)>
module attributes {stable_mosaic.version = 14 : i64} {
  func.func @_g0_body(%arg0: i32, %arg1: i32, %arg2: memref<32x26x128xi32, #tpu.memory_space<hbm>>, %arg3: memref<1000000x32xf32, #tpu.memory_space<hbm>>, %arg4: memref<106496x32xf32, #tpu.memory_space<hbm>>, %arg5: memref<26x128xi32, #tpu.memory_space<vmem>>, %arg6: memref<128x32xf32, #tpu.memory_space<vmem>>, %arg7: memref<!tpu.dma_semaphore, #tpu.memory_space<semaphore_mem>>) attributes {dimension_semantics = [#tpu.dimension_semantics<core_parallel>, #tpu.dimension_semantics<subcore_parallel>], iteration_bounds = array<i64: 2, 16>, scalar_prefetch = 0 : i64, scratch_operands = 3 : i64, tpu.core_type = #tpu.core_type<sc_vector_subcore>, window_params = [{transform_indices = #map}, {transform_indices = #map1}, {transform_indices = #map1}]} {
    %mul3A = arith.constant 2 : i32
    %mul3A_0 = arith.muli %arg1, %mul3A : i32
    %add3A = arith.addi %mul3A_0, %arg0 : i32
    %mul3A_1 = arith.constant 3328 : i32
    %mul3A_2 = arith.muli %add3A, %mul3A_1 : i32
    "tpu.region"() ({
      %run_scoped3A = tpu.sem_alloc : memref<!tpu.dma_semaphore, #tpu.memory_space<semaphore_mem>>
      %dma_start3A = arith.constant 0 : i32
      %dma_start3A_9 = arith.constant 0 : i32
      %dma_start3A_10 = tpu.memref_slice %arg2[%add3A, %dma_start3A, %dma_start3A_9] : memref<32x26x128xi32, #tpu.memory_space<hbm>> -> memref<1x26x128xi32, #tpu.memory_space<hbm>>
      %dma_start3A_11 = tpu.memref_squeeze %dma_start3A_10 : memref<1x26x128xi32, #tpu.memory_space<hbm>> -> memref<26x128xi32, #tpu.memory_space<hbm>>
      %dma_start3A_12 = arith.constant 0 : i32
      %dma_start3A_13 = arith.constant 0 : i32
      %dma_start3A_14 = tpu.memref_slice %arg2[%add3A, %dma_start3A_12, %dma_start3A_13] : memref<32x26x128xi32, #tpu.memory_space<hbm>> -> memref<1x26x128xi32, #tpu.memory_space<hbm>>
      %dma_start3A_15 = tpu.memref_squeeze %dma_start3A_14 : memref<1x26x128xi32, #tpu.memory_space<hbm>> -> memref<26x128xi32, #tpu.memory_space<hbm>>
      tpu.enqueue_dma source(%dma_start3A_15 : memref<26x128xi32, #tpu.memory_space<hbm>>) target(%arg5 : memref<26x128xi32, #tpu.memory_space<vmem>>) target_semaphore(%run_scoped3A : memref<!tpu.dma_semaphore, #tpu.memory_space<semaphore_mem>>)
      %dma_wait3A = arith.constant 0 : i32
      %dma_wait3A_16 = arith.constant 0 : i32
      %dma_wait3A_17 = tpu.memref_slice %arg2[%add3A, %dma_wait3A, %dma_wait3A_16] : memref<32x26x128xi32, #tpu.memory_space<hbm>> -> memref<1x26x128xi32, #tpu.memory_space<hbm>>
      %dma_wait3A_18 = tpu.memref_squeeze %dma_wait3A_17 : memref<1x26x128xi32, #tpu.memory_space<hbm>> -> memref<26x128xi32, #tpu.memory_space<hbm>>
      %dma_wait3A_19 = arith.constant 0 : i32
      %dma_wait3A_20 = arith.constant 0 : i32
      %dma_wait3A_21 = tpu.memref_slice %arg2[%add3A, %dma_wait3A_19, %dma_wait3A_20] : memref<32x26x128xi32, #tpu.memory_space<hbm>> -> memref<1x26x128xi32, #tpu.memory_space<hbm>>
      %dma_wait3A_22 = tpu.memref_squeeze %dma_wait3A_21 : memref<1x26x128xi32, #tpu.memory_space<hbm>> -> memref<26x128xi32, #tpu.memory_space<hbm>>
      tpu.wait_dma2 semaphore(%run_scoped3A : memref<!tpu.dma_semaphore, #tpu.memory_space<semaphore_mem>>) src(%dma_wait3A_22 : memref<26x128xi32, #tpu.memory_space<hbm>>) dst(%arg5 : memref<26x128xi32, #tpu.memory_space<vmem>>)
      tpu.yield
    }) : () -> ()
    %scan3A = arith.constant 0 : i32
    %scan3A_3 = arith.constant 0 : i32
    %scan3A_4 = arith.constant 26 : i32
    %scan3A_5 = arith.addi %scan3A_3, %scan3A_4 : i32
    %scan3A_6 = arith.constant 1 : i32
    %scan3A_7 = scf.for %scan3A_9 = %scan3A_3 to %scan3A_5 step %scan3A_6 iter_args(%scan3A_10 = %scan3A) -> (i32)  : i32 {
      %dma_start3A = arith.constant 0 : i32
      %dma_start3A_11 = tpu.memref_slice %arg5[%scan3A_9, %dma_start3A] : memref<26x128xi32, #tpu.memory_space<vmem>> -> memref<1x128xi32, #tpu.memory_space<vmem>>
      %dma_start3A_12 = tpu.memref_squeeze %dma_start3A_11 : memref<1x128xi32, #tpu.memory_space<vmem>> -> memref<128xi32, #tpu.memory_space<vmem>>
      %dma_start3A_13 = arith.constant 0 : i32
      %dma_start3A_14 = arith.constant 0 : i32
      %dma_start3A_15 = tpu.memref_slice %arg3[%dma_start3A_13, %dma_start3A_14] : memref<1000000x32xf32, #tpu.memory_space<hbm>> -> memref<1000000x32xf32, #tpu.memory_space<hbm>>
      tpu.enqueue_indirect_dma source(%dma_start3A_15 : memref<1000000x32xf32, #tpu.memory_space<hbm>>) target(%arg6 : memref<128x32xf32, #tpu.memory_space<vmem>>) offsets(%dma_start3A_12 : memref<128xi32, #tpu.memory_space<vmem>>) semaphore(%arg7 : memref<!tpu.dma_semaphore, #tpu.memory_space<semaphore_mem>>)
      %dma_wait3A = arith.constant 0 : i32
      %dma_wait3A_16 = tpu.memref_slice %arg5[%scan3A_9, %dma_wait3A] : memref<26x128xi32, #tpu.memory_space<vmem>> -> memref<1x128xi32, #tpu.memory_space<vmem>>
      %dma_wait3A_17 = tpu.memref_squeeze %dma_wait3A_16 : memref<1x128xi32, #tpu.memory_space<vmem>> -> memref<128xi32, #tpu.memory_space<vmem>>
      %dma_wait3A_18 = arith.constant 0 : i32
      %dma_wait3A_19 = arith.constant 0 : i32
      %dma_wait3A_20 = tpu.memref_slice %arg3[%dma_wait3A_18, %dma_wait3A_19] : memref<1000000x32xf32, #tpu.memory_space<hbm>> -> memref<1000000x32xf32, #tpu.memory_space<hbm>>
      tpu.wait_indirect_dma semaphore(%arg7 : memref<!tpu.dma_semaphore, #tpu.memory_space<semaphore_mem>>) src(%dma_wait3A_20 : memref<1000000x32xf32, #tpu.memory_space<hbm>>) dst(%arg6 : memref<128x32xf32, #tpu.memory_space<vmem>>)
      %mul3A_21 = arith.constant 128 : i32
      %mul3A_22 = arith.muli %scan3A_9, %mul3A_21 : i32
      %add3A_23 = arith.addi %mul3A_2, %mul3A_22 : i32
      "tpu.region"() ({
        %run_scoped3A = tpu.sem_alloc : memref<!tpu.dma_semaphore, #tpu.memory_space<semaphore_mem>>
        %dma_start3A_25 = arith.constant 0 : i32
        %dma_start3A_26 = tpu.memref_slice %arg4[%add3A_23, %dma_start3A_25] : memref<106496x32xf32, #tpu.memory_space<hbm>> -> memref<128x32xf32, #tpu.memory_space<hbm>>
        %dma_start3A_27 = arith.constant 0 : i32
        %dma_start3A_28 = tpu.memref_slice %arg4[%add3A_23, %dma_start3A_27] : memref<106496x32xf32, #tpu.memory_space<hbm>> -> memref<128x32xf32, #tpu.memory_space<hbm>>
        tpu.enqueue_dma source(%arg6 : memref<128x32xf32, #tpu.memory_space<vmem>>) target(%dma_start3A_28 : memref<128x32xf32, #tpu.memory_space<hbm>>) target_semaphore(%run_scoped3A : memref<!tpu.dma_semaphore, #tpu.memory_space<semaphore_mem>>)
        %dma_wait3A_29 = arith.constant 0 : i32
        %dma_wait3A_30 = tpu.memref_slice %arg4[%add3A_23, %dma_wait3A_29] : memref<106496x32xf32, #tpu.memory_space<hbm>> -> memref<128x32xf32, #tpu.memory_space<hbm>>
        %dma_wait3A_31 = arith.constant 0 : i32
        %dma_wait3A_32 = tpu.memref_slice %arg4[%add3A_23, %dma_wait3A_31] : memref<106496x32xf32, #tpu.memory_space<hbm>> -> memref<128x32xf32, #tpu.memory_space<hbm>>
        tpu.wait_dma2 semaphore(%run_scoped3A : memref<!tpu.dma_semaphore, #tpu.memory_space<semaphore_mem>>) src(%arg6 : memref<128x32xf32, #tpu.memory_space<vmem>>) dst(%dma_wait3A_32 : memref<128x32xf32, #tpu.memory_space<hbm>>)
        tpu.yield
      }) : () -> ()
      %scan3A_24 = arith.constant 0 : i32
      scf.yield %scan3A_24 : i32
    }
    %scan3A_8 = arith.constant 26 : i32
    return
  }
}

</mosaic_0001>

<sc_bundles>
// kernel: kernel.11.cloned.1.call-start
scs
__scs_entry_jumppad:
0x0: {  	(pc) =	sbr.rel $0x88, $3  }
0x1: {  	(tag) =	ssettag $0x0;
	lr =	simm.s32 $0x1  }
0x2: {  	[smem:$0x3F9E] =	sst lr;
	_ =	strace $0xD0000000  }
0x3: {  	_ = 	snop  }
0x4: {  	_ = 	snop  }
0x5: {  	_ = 	snop  }
0x6: {  	_ = 	snop  }
0x7: {  	_ = 	snop  }
__scs_overlays_trampoline_lowered:
0x8: {  	[smem:$0x3FAD] =	sst s0  }
0x9: {  	[smem:$0x3FAE] =	sst s1  }
0xa: {  	[smem:$0x3FAF] =	sst s2  }
0xb: {  	[smem:$0x3FB0] =	sst s3  }
0xc: {  	[smem:$0x3FB1] =	sst s4  }
0xd: {  	[smem:$0x3FB2] =	sst s5  }
0xe: {  	[smem:$0x3FB3] =	sst s6  }
0xf: {  	[smem:$0x3FB4] =	sst s7  }
0x10: {  	[smem:$0x3FB5] =	sst s8  }
0x11: {  	[smem:$0x3FB6] =	sst s9;
	s0 =	simm.s32 @!p0 $0x0  }
0x12: {  	s1 =	sld [smem:$0x3F9C];
	s0 =	simm.s32 @p0 $0x1  }
0x13: {  	[smem:$0x3FB7] =	sst s0;
	s0 =	simm.s32 @!p1 $0x0  }
0x14: {  	s2 =	sld [smem:$0x3F9B];
	s0 =	simm.s32 @p1 $0x1  }
0x15: {  	[smem:$0x3FB8] =	sst s0;
	s0 =	simm.s32 @!p2 $0x0  }
0x16: {  	s3 =	sld [smem:$0x3FDB];
	s0 =	simm.s32 @p2 $0x1  }
0x17: {  	s4 =	simm.s32 $0x1BF5;
	[smem:$0x3FBA] =	sst s0  }
0x18: {  	s0 =	sld [smem:$0x3F9D];
	_ =	swait.ge [sflag:s4], $0x0  }
0x19: {  	s7 =	sld [smem:$0x3F9E]  }
0x1a: {  	s8 =	sadd.s32 $0xFFFFE003, lr  }
0x1b: {  	s9 =	sadd.s32 $0xFFFFFEF7, lr;
	s5 =	simm.s32 $0xFFFFFFFF;
	p2 =	slt.u32 s8, $0xFFFFF086  }
0x1c: {  	p1 =	slt.u32 s9, $0xF7A;
	s5 =	simm.s32 @!p2 $0x0  }
0x1d: {  	s5 =	simm.s32 @p1 $0x1;
	p0 =	seq.s32 s7, s2  }
0x1e: {  	s7 =	smul.u32 @!p0 $0xF7A, s2;
	p2 =	seq.s32 @!p0 s5, $0x0  }
0x1f: {  	s9 =	smul.u32 $0xF7A, s1;
	s8 =	simm.s32 @!p0 $0x1BF5;
	p2 =	por !p2, p0  }
0x20: {  	[sflag:s8] =	ssyncset.s32 @!p0 $0xFFFFF086;
	s6 =	sadd.s32 @!p0 s3, s7;
	s7 =	simm.s32 @!p0 $0x108  }
0x21: {  	s3 =	sadd.s32 s3, s9;
	s6 =	sadd.s32 @!p0 $0x88, s6;
	s7 =	simm.s32 @p2 $0x1082  }
0x22: {  	[simem:s7], [sflag:s8] =	dma.local @!p0 [hbm:s6], $0xF7A  }
0x23: {  	s9 =	sor.u32 $0xD0000000, s2;
	s6 =	simm.s32 $0x108;
	_ =	swait.ge @!p0 [sflag:s8], $0x0  }
0x24: {  	s3 =	sadd.s32 $0x88, s3;
	s6 =	simm.s32 @!p1 $0x1082;
	[sflag:s4] =	ssyncset.s32 $0xFFFFF086  }
0x25: {  	[simem:s6], [sflag:s4] =	dma.local [hbm:s3], $0xF7A  }
0x26: {  	[smem:$0x3F9E] =	sst s1;
	(tag) =	ssettag s2;
	_ =	strace s9  }
0x27: {  	s1 =	sld [smem:$0x3FAE]  }
0x28: {  	s2 =	sld [smem:$0x3FAF]  }
0x29: {  	s4 =	sld [smem:$0x3FB1]  }
0x2a: {  	p0 =	seq.s32 s5, $0x0;
	s5 =	sld [smem:$0x3FB2]  }
0x2b: {  	s6 =	sld [smem:$0x3FB3]  }
0x2c: {  	s7 =	sld [smem:$0x3FB4]  }
0x2d: {  	s3 =	simm.s32 $0x108;
	s8 =	sld [smem:$0x3FB5]  }
0x2e: {  	s3 =	simm.s32 @!p0 $0x1082;
	s9 =	sld [smem:$0x3FB6]  }
0x2f: {  	lr =	sadd.s32 s0, s3;
	s0 =	sld [smem:$0x3FAD]  }
0x30: {  	s3 =	sld [smem:$0x3FB0]  }
0x31: {  	[smem:$0x3FB9] =	sst s10  }
0x32: {  	s10 =	sld [smem:$0x3FB7];
	_ =	sdelay $0x3  }
0x33: {  	p0 =	seq.s32 s10, $0x1;
	s10 =	sld [smem:$0x3FB9];
	_ =	sdelay $0x3  }
0x34: {  	[smem:$0x3FB9] =	sst s10  }
0x35: {  	s10 =	sld [smem:$0x3FB8];
	_ =	sdelay $0x3  }
0x36: {  	p1 =	seq.s32 s10, $0x1;
	s10 =	sld [smem:$0x3FB9];
	_ =	sdelay $0x3  }
0x37: {  	[smem:$0x3FB9] =	sst s10  }
0x38: {  	s10 =	sld [smem:$0x3FBA]  }
0x39: {  	_ = 	snop;
	(pc) =	sbr.ind lr, $3  }
0x3a: {  	_ = 	snop  }
0x3b: {  	_ = 	snop  }
0x3c: {  	p2 =	seq.s32 s10, $0x1;
	s10 =	sld [smem:$0x3FB9]  }
0x3d: {  	_ =	shalt  }
0x3e: {  	_ =	shalt  }
0x3f: {  	_ =	shalt  }
0x40: {  	_ =	shalt  }
0x41: {  	_ =	shalt  }
0x42: {  	_ =	shalt  }
0x43: {  	_ =	shalt  }
0x44: {  	_ =	shalt  }
0x45: {  	_ =	shalt  }
0x46: {  	_ =	shalt  }
0x47: {  	_ =	shalt  }
0x48: {  	_ =	shalt  }
0x49: {  	_ =	shalt  }
0x4a: {  	_ =	shalt  }
0x4b: {  	_ =	shalt  }
0x4c: {  	_ =	shalt  }
0x4d: {  	_ =	shalt  }
0x4e: {  	_ =	shalt  }
0x4f: {  	_ =	shalt  }
0x50: {  	_ =	shalt  }
0x51: {  	_ =	shalt  }
0x52: {  	_ =	shalt  }
0x53: {  	_ =	shalt  }
0x54: {  	_ =	shalt  }
0x55: {  	_ =	shalt  }
0x56: {  	_ =	shalt  }
0x57: {  	_ =	shalt  }
0x58: {  	_ =	shalt  }
0x59: {  	_ =	shalt  }
0x5a: {  	_ =	shalt  }
0x5b: {  	_ =	shalt  }
0x5c: {  	_ =	shalt  }
0x5d: {  	_ =	shalt  }
0x5e: {  	_ =	shalt  }
0x5f: {  	_ =	shalt  }
0x60: {  	_ =	shalt  }
0x61: {  	_ =	shalt  }
0x62: {  	_ =	shalt  }
0x63: {  	_ =	shalt  }
0x64: {  	_ =	shalt  }
0x65: {  	_ =	shalt  }
0x66: {  	_ =	shalt  }
0x67: {  	_ =	shalt  }
0x68: {  	_ =	shalt  }
0x69: {  	_ =	shalt  }
0x6a: {  	_ =	shalt  }
0x6b: {  	_ =	shalt  }
0x6c: {  	_ =	shalt  }
0x6d: {  	_ =	shalt  }
0x6e: {  	_ =	shalt  }
0x6f: {  	_ =	shalt  }
0x70: {  	_ =	shalt  }
0x71: {  	_ =	shalt  }
0x72: {  	_ =	shalt  }
0x73: {  	_ =	shalt  }
0x74: {  	_ =	shalt  }
0x75: {  	_ =	shalt  }
0x76: {  	_ =	shalt  }
0x77: {  	_ =	shalt  }
0x78: {  	_ =	shalt  }
0x79: {  	_ =	shalt  }
0x7a: {  	_ =	shalt  }
0x7b: {  	_ =	shalt  }
0x7c: {  	_ =	shalt  }
0x7d: {  	_ =	shalt  }
0x7e: {  	_ =	shalt  }
0x7f: {  	_ =	shalt  }
0x80: {  	_ =	shalt  }
0x81: {  	_ =	shalt  }
0x82: {  	_ =	shalt  }
0x83: {  	_ =	shalt  }
0x84: {  	_ =	shalt  }
0x85: {  	_ =	shalt  }
0x86: {  	_ =	shalt  }
0x87: {  	_ =	shalt  }
.Lfunc_end0:
.L_simem_size_0:
called_computation.2_lowered:
.L_overlay_start_0:
0x88: {  	s2 =	sld [smem:$0x3FD9]  }
0x89: {  	s3 =	sld [smem:$0x3FFE];
	_ =	sdelay $0x1  }
0x8a: {  	s1 =	srdreg.scid  }
0x8b: {  	s0 =	sand.u32 $0x1, s1  }
0x8c: {  	s17 =	sshll.u32 s0, $0xA;
	s2 =	sadd.s32 s3, s2  }
0x8d: {  	s2 =	sadd.s32 s2, s17  }
0x8e: {  	[smem:$0x3FC5] =	sst s2  }
0x8f: {  	_ = 	snop  }
0x90: {  	s2 =	sld [smem:$0x3FD0];
	(tm) =	ssettm $0x1  }
0x91: {  	s18 =	sld [smem:$0x3FFB];
	_ =	sdelay $0x3  }
0x92: {  	_ =	strace s18  }
0x93: {  	s3 =	sld [smem:$0x3FFC];
	_ =	sdelay $0x3  }
0x94: {  	_ =	strace s3  }
0x95: {  	s3 =	sld [smem:$0x3FFD];
	_ =	sdelay $0x3  }
0x96: {  	_ =	strace s3  }
0x97: {  	_ =	strace $0x8FFFFFFF  }
0x98: {  	s19 =	sld [smem:$0x3FDB];
	_ =	sdelay $0x1  }
0x99: {  	s4 =	simm.s32 $_scs_section_size  }
0x9a: {  	s5 =	simm.s32 $_size__tile_overlayer_lowered;
	s6 =	simm.s32 $_tile_overlayer_lowered  }
0x9b: {  	s22 =	simm.s32 $0x1BFF;
	s21 =	sshll.u32 s6, $0x1;
	s3 =	sadd.s32 s4, s19  }
0x9c: {  	s7 =	simm.s32 $0x0;
	s20 =	sshll.u32 s5, $0x1;
	s5 =	sadd.s32 s21, s3  }
0x9d: {  	[timem:s7], [sflag:s22] =	dma.local [hbm:s5], s20  }
0x9e: {  	_ =	swait.ge [sflag:s22], s20  }
0x9f: {  	s4 =	ssub.s32 $0x0, s20;
	[sflag:s22] =	ssyncset.done $0x0  }
0xa0: {  	[sflag:s22] =	ssyncadd.s32 s4;
	_ =	sdelay $0x1  }
0xa1: {  	s23 =	simm.s32 $0x1B8B  }
0xa2: {  	_ =	swait.ge [sflag:s23], $0x1  }
0xa3: {  	[sflag:s23] =	ssyncset.done $0x0  }
0xa4: {  	s25 =	simm.s32 $0x1B8E;
	s24 =	sld [smem:$0x3FFE];
	[sflag:s23] =	ssyncadd.s32 $0xFFFFFFFF  }
0xa5: {  	s26 =	simm.s32 $execute0_lowered;
	[smem:$0x3FD2] =	sst s25  }
0xa6: {  	s5 =	sshll.u32 s26, $0x1;
	_ =	strace $0x8000004C;
	[dreg:$0x1] =	wrdreg $0xFFFFFFFF  }
0xa7: {  	s28 =	simm.s32 $_size_execute0_lowered;
	s3 =	sadd.s32 s3, s5;
	[dreg:$0x0] =	wrdreg $0x0  }
0xa8: {  	s5 =	sshll.u32 s28, $0x1;
	[dreg:$0x2] =	wrdreg s3  }
0xa9: {  	[dreg:$0x3] =	wrdreg s5  }
0xaa: {  	[dreg:$0x4] =	wrdreg $0xC0  }
0xab: {  	_ =	task [dreg:s7], $0x5FFFF  }
0xac: {  	[dreg:$0x1] =	wrdreg $0xFFFFFFFF  }
0xad: {  	[dreg:$0x0] =	wrdreg $0x60  }
0xae: {  	[dreg:$0x2] =	wrdreg s24  }
0xaf: {  	[dreg:$0x3] =	wrdreg s2  }
0xb0: {  	[dreg:$0x4] =	wrdreg $0x9  }
0xb1: {  	_ =	task.clear_ibuf [dreg:s7], $0x5FFFF;
	_ =	strace $0x9000004C  }
0xb2: {  	s29 =	simm.s32 $0x9;
	_ =	strace $0x8000004E  }
0xb3: {  	_ =	swait.ge [sflag:s29], $0x1  }
0xb4: {  	[sflag:s29] =	ssyncadd.s32 $0xFFFFFFFF  }
0xb5: {  	_ =	strace $0x9000004E  }
0xb6: {  	_ =	sfence  }
0xb7: {  	s30 =	sld [smem:$0x0];
	_ =	sdelay $0x2  }
0xb8: {  	s31 =	sshll.u32 s1, $0xD;
	s1 =	sshrl.u32 s1, $0x2  }
0xb9: {  	s3 =	sand.u32 $0x4000, s31;
	s1 =	sadd.s32 s1, s30  }
0xba: {  	s0 =	sor.u32 s3, s0;
	s1 =	sshll.u32 s1, $0x11  }
0xbb: {  	s0 =	sor.u32 s1, s0  }
0xbc: {  	s0 =	sadd.s32 $0x8F2B, s0  }
0xbd: {  	[sflag:s0] =	ssyncadd.remote.s32 $0x1  }
0xbe: {  	_ =	sfence.sel $0xFFFF  }
0xbf: {  	[dreg:$0x0] =	wrdreg $0xFFFFFFFF;
	(pc) =	sbr.abs _section_cstart, $3  }
0xc0: {  	[dreg:$0x1] =	wrdreg $0xFFFFFFFF  }
0xc1: {  	_ =	task.clear_ibuf [dreg:s7], $0x2FFFF;
	_ =	strace $0x9FFFFFFF  }
0xc2: {  	(tm) =	ssettm $0x7FFFFFFF  }
0xc3: {  	_ =	shalt  }
tec
execute0_lowered:
.L_overlay_start_1:
0x0: {  	(tag) =	ssettag $0x1  }
0x1: {  	s1 =	srdreg.scid  }
0x2: {  	s0 =	stileid.u32;
	s4 =	rddreg [dreg:$0x0]  }
0x3: {  	s6 =	rddreg [dreg:$0x1];
	s2 =	simm.s32 $0x0;
	s13 =	simm.s32 $0x2  }
0x4: {  	s14 =	simm.s32 $0x20;
	s15 =	simm.s32 $0x40;
	s7 =	smul.u32 $0x6800, s0  }
0x5: {  	s16 =	simm.s32 $0x0;
	s5 =	sand.u32 $0x1, s1;
	s8 =	smul.u32 $0xD000, s0  }
0x6: {  	s31 =	sshll.u32 s0, $0x1;
	[smem:$0x7FF] =	sst s2;
	s11 =	smul.u32 $0x6800, s5  }
0x7: {  	s3 =	sor.u32 s5, s31;
	s10 =	ssub.s32 $0x2, s5;
	s5 =	smul.u32 $0x3400, s5  }
0x8: {  	s1 =	rddreg [dreg:$0x2];
	_ =	strace $0x8000004D;
	s3 =	smul.u32 $0xD00, s3  }
0x9: {  	s12 =	sshrl.u32 s10, $0x1;
	s7 =	sadd.s32 s7, s4;
	s6 =	sadd.s32 s8, s6  }
0xa: {  	s8 =	simm.s32 $0x3;
	s10 =	ssub.s32 s10, s12;
	s6 =	sadd.s32 s11, s6  }
0xb: {  	s7 =	sadd.s32 s5, s7;
	s11 =	simm.s32 $0xD00;
	s12 =	simm.s32 $0x1  }
0xc: {  	s3 =	sshrl.u32 s3, $0x3;
	s5 =	smax.u32 s10, $0x1;
	s6 =	sadd.s32 $0x4, s6  }
0xd: {  	s7 =	sadd.s32 $0x7800, s7;
	s10 =	simm.s32 $0x1D00;
	s9 =	sadd.s32 s3, s4  }
0xe: {  	s3 =	sadd.s32 $0x6F800, s4;
	s4 =	sadd.s32 $0x4400, s9;
	s9 =	simm.s32 $0x80  }
.LBB2_1:
0xf: {  	[tilespmem:s2], [sflag:$0x3] =	stream.linear.gather [hbm4b:s4+s2], $0xD00, $0x38;
	[tilespmem:$0x2D00] =	vst v63  }
0x10: {  	_ =	swait.ge [sflag:s8], $0xD00  }
0x11: {  	[sflag:s8] =	ssyncset.done $0x0  }
0x12: {  	s17 =	simm.s32 $0x0;
	[sflag:s8] =	ssyncadd.s32 $0xFFFFF300  }
0x13: {  	[tilespmem:s10], [sflag:$0x2] =	stream.indirect.gather [hbm4b:s3+s9], $0x20, s17, s9, $0xb8;
	[tilespmem:$0x2D00] =	vst v63  }
0x14: {  	s30 =	sadd.s32 $0x0, s7  }
0x15: {  	[tilespmem:s11], [sflag:$0x1] =	stream.linear.gather [hbm4b:s30+s2], $0x1000, $0x38;
	[tilespmem:$0x2D00] =	vst v63  }
0x16: {  	_ =	swait.ge [sflag:s12], $0x1000  }
0x17: {  	[sflag:s12] =	ssyncset.done $0x0  }
0x18: {  	[sflag:s12] =	ssyncadd.s32 $0xFFFFF000  }
0x19: {  	_ =	swait.ge [sflag:s13], $0x1000  }
0x1a: {  	[sflag:s13] =	ssyncset.done $0x0  }
0x1b: {  	s31 =	sadd.s32 $0xFFFFFFFC, s6;
	[sflag:s13] =	ssyncadd.s32 $0xFFFFF000  }
0x1c: {  	[hbm4b:s31+s14] =	stream.strided.scatter [tilespmem:s11], [sflag:$0x3], $0x1000, s15, s14, $0x38;
	[tilespmem:$0x2D00] =	vst v63  }
0x1d: {  	_ =	swait.ge [sflag:s8], $0x1000  }
0x1e: {  	[sflag:s8] =	ssyncset.done $0x0  }
0x1f: {  	[sflag:s8] =	ssyncadd.s32 $0xFFFFF000  }
0x20: {  	[hbm4b:s6+s14] =	stream.strided.scatter [tilespmem:s10], [sflag:$0x3], $0x1000, s15, s14, $0x38;
	[tilespmem:$0x2D00] =	vst v63  }
0x21: {  	s18 =	simm.s32 $0x200;
	_ =	swait.ge [sflag:s8], $0x1000  }
0x22: {  	s19 =	simm.s32 $0x400;
	s17 =	sadd.s32 $0x400, s6;
	[sflag:s8] =	ssyncset.done $0x0  }
.LBB2_2:
0x23: {  	s20 =	sshra.s32 s18, $0x2  }
0x24: {  	[sflag:s8] =	ssyncadd.s32 $0xFFFFF000;
	s21 =	smov.u32 s19;
	s22 =	sadd.s32 $0x200, s19  }
0x25: {  	[tilespmem:s10], [sflag:$0x2] =	stream.indirect.gather [hbm4b:s3+s9], $0x20, s20, s9, $0xb8;
	[tilespmem:$0x2D00] =	vst v63  }
0x26: {  	p0 =	sne.s32 s19, $0x3200;
	s19 =	sadd.s32 s18, s7;
	s18 =	smov.u32 s21  }
0x27: {  	[tilespmem:s11], [sflag:$0x1] =	stream.linear.gather [hbm4b:s19+s2], $0x1000, $0x38;
	[tilespmem:$0x2D00] =	vst v63  }
0x28: {  	_ =	swait.ge [sflag:s12], $0x1000  }
0x29: {  	[sflag:s12] =	ssyncset.done $0x0  }
0x2a: {  	[sflag:s12] =	ssyncadd.s32 $0xFFFFF000  }
0x2b: {  	_ =	swait.ge [sflag:s13], $0x1000  }
0x2c: {  	[sflag:s13] =	ssyncset.done $0x0  }
0x2d: {  	s19 =	sadd.s32 $0xFFFFFFFC, s17;
	[sflag:s13] =	ssyncadd.s32 $0xFFFFF000  }
0x2e: {  	[hbm4b:s19+s14] =	stream.strided.scatter [tilespmem:s11], [sflag:$0x3], $0x1000, s15, s14, $0x38;
	[tilespmem:$0x2D00] =	vst v63  }
0x2f: {  	_ =	swait.ge [sflag:s8], $0x1000  }
.Ltmp0:
0x30: {  	[sflag:s8] =	ssyncset.done $0x0;
	(pc) =	sbr.rel @p0 .LBB2_2-.Ltmp0, $4  }
0x31: {  	[sflag:s8] =	ssyncadd.s32 $0xFFFFF000  }
0x32: {  	[hbm4b:s17+s14] =	stream.strided.scatter [tilespmem:s10], [sflag:$0x3], $0x1000, s15, s14, $0x38;
	[tilespmem:$0x2D00] =	vst v63  }
0x33: {  	_ =	swait.ge [sflag:s8], $0x1000  }
0x34: {  	s19 =	smov.u32 s22;
	s17 =	sadd.s32 $0x400, s17;
	[sflag:s8] =	ssyncset.done $0x0  }
0x35: {  	s19 =	sshra.s32 s18, $0x2;
	[sflag:s8] =	ssyncadd.s32 $0xFFFFF000  }
0x36: {  	[tilespmem:s10], [sflag:$0x2] =	stream.indirect.gather [hbm4b:s3+s9], $0x20, s19, s9, $0xb8;
	[tilespmem:$0x2D00] =	vst v63  }
0x37: {  	s30 =	sadd.s32 s18, s7  }
0x38: {  	[tilespmem:s11], [sflag:$0x1] =	stream.linear.gather [hbm4b:s30+s2], $0x1000, $0x38;
	[tilespmem:$0x2D00] =	vst v63  }
0x39: {  	_ =	swait.ge [sflag:s12], $0x1000  }
0x3a: {  	[sflag:s12] =	ssyncset.done $0x0  }
0x3b: {  	[sflag:s12] =	ssyncadd.s32 $0xFFFFF000  }
0x3c: {  	_ =	swait.ge [sflag:s13], $0x1000  }
0x3d: {  	[sflag:s13] =	ssyncset.done $0x0  }
0x3e: {  	s31 =	sadd.s32 $0xFFFFFFFC, s17;
	[sflag:s13] =	ssyncadd.s32 $0xFFFFF000  }
0x3f: {  	[hbm4b:s31+s14] =	stream.strided.scatter [tilespmem:s11], [sflag:$0x3], $0x1000, s15, s14, $0x38;
	[tilespmem:$0x2D00] =	vst v63  }
0x40: {  	s16 =	sadd.s32 $0x1, s16;
	_ =	swait.ge [sflag:s8], $0x1000  }
0x41: {  	p0 =	sne.s32 s16, s5;
	[sflag:s8] =	ssyncset.done $0x0  }
.Ltmp1:
0x42: {  	[sflag:s8] =	ssyncadd.s32 $0xFFFFF000;
	(pc) =	sbr.rel @p0 .LBB2_1-.Ltmp1, $4  }
0x43: {  	[hbm4b:s17+s14] =	stream.strided.scatter [tilespmem:s10], [sflag:$0x3], $0x1000, s15, s14, $0x38;
	[tilespmem:$0x2D00] =	vst v63  }
0x44: {  	_ =	swait.ge [sflag:s8], $0x1000  }
0x45: {  	[sflag:s8] =	ssyncset.done $0x0  }
0x46: {  	[sflag:s8] =	ssyncadd.s32 $0xFFFFF000  }
0x47: {  	_ =	sfence.sel $0x180000  }
0x48: {  	[bflag:$0x0] =	sbarrier.arrive $0xFFFF  }
0x49: {  	p0 =	sne.s32 s0, $0x0;
	_ =	strace $0x9000004D  }
0x4a: {  	s0 =	sadd.s32 @!p0 $0x100000, s1;
	[bflag:$0x2] =	sbarrier.arrive $0xFFFF  }
0x4b: {  	[sflag:s0] =	ssyncadd.tile.s32 @!p0 $0x1;
	_ =	shalt  }
.Lfunc_end2:
_tile_overlayer_lowered:
.L_overlay_start_2:
0x4c: {  	(tag) =	ssettag $0x2  }
0x4d: {  	s0 =	rddreg [dreg:$0x0];
	s2 =	stileid.u32  }
0x4e: {  	s1 =	rddreg [dreg:$0x1];
	p0 =	sne.s32 s2, $0x0  }
0x4f: {  	s3 =	rddreg [dreg:$0x2];
	[bflag:$0x3] =	sbarrier.arrive $0xFFFF;
	s2 =	simm.s32 @!p0 $0x1C03  }
0x50: {  	[timem:s3], [sflag:s2] =	dma.local @!p0 [hbm:s0], s1  }
0x51: {  	s0 =	simm.s32 @!p0 $0x3  }
0x52: {  	_ =	swait.ge @!p0 [sflag:s0], s1  }
0x53: {  	s1 =	ssub.s32 @!p0 $0x0, s1;
	[sflag:s0] =	ssyncset.done @!p0 $0x0  }
0x54: {  	[sflag:s0] =	ssyncadd.s32 @!p0 s1  }
0x55: {  	[bflag:$0x3] =	sbarrier.arrive $0xFFFF  }
0x56: {  	_ =	shalt  }

// kernel: kernel.5.cloned.1.call-start
scs
__scs_entry_jumppad:
0x0: {  	(pc) =	sbr.rel $0x88, $3  }
0x1: {  	(tag) =	ssettag $0x0;
	lr =	simm.s32 $0x1  }
0x2: {  	[smem:$0x3F9E] =	sst lr;
	_ =	strace $0xD0000000  }
0x3: {  	_ = 	snop  }
0x4: {  	_ = 	snop  }
0x5: {  	_ = 	snop  }
0x6: {  	_ = 	snop  }
0x7: {  	_ = 	snop  }
__scs_overlays_trampoline_lowered:
0x8: {  	[smem:$0x3FAD] =	sst s0  }
0x9: {  	[smem:$0x3FAE] =	sst s1  }
0xa: {  	[smem:$0x3FAF] =	sst s2  }
0xb: {  	[smem:$0x3FB0] =	sst s3  }
0xc: {  	[smem:$0x3FB1] =	sst s4  }
0xd: {  	[smem:$0x3FB2] =	sst s5  }
0xe: {  	[smem:$0x3FB3] =	sst s6  }
0xf: {  	[smem:$0x3FB4] =	sst s7  }
0x10: {  	[smem:$0x3FB5] =	sst s8  }
0x11: {  	[smem:$0x3FB6] =	sst s9;
	s0 =	simm.s32 @!p0 $0x0  }
0x12: {  	s1 =	sld [smem:$0x3F9C];
	s0 =	simm.s32 @p0 $0x1  }
0x13: {  	[smem:$0x3FB7] =	sst s0;
	s0 =	simm.s32 @!p1 $0x0  }
0x14: {  	s2 =	sld [smem:$0x3F9B];
	s0 =	simm.s32 @p1 $0x1  }
0x15: {  	[smem:$0x3FB8] =	sst s0;
	s0 =	simm.s32 @!p2 $0x0  }
0x16: {  	s3 =	sld [smem:$0x3FDB];
	s0 =	simm.s32 @p2 $0x1  }
0x17: {  	s4 =	simm.s32 $0x1BF5;
	[smem:$0x3FBA] =	sst s0  }
0x18: {  	s0 =	sld [smem:$0x3F9D];
	_ =	swait.ge [sflag:s4], $0x0  }
0x19: {  	s7 =	sld [smem:$0x3F9E]  }
0x1a: {  	s8 =	sadd.s32 $0xFFFFE003, lr  }
0x1b: {  	s9 =	sadd.s32 $0xFFFFFEF7, lr;
	s5 =	simm.s32 $0xFFFFFFFF;
	p2 =	slt.u32 s8, $0xFFFFF086  }
0x1c: {  	p1 =	slt.u32 s9, $0xF7A;
	s5 =	simm.s32 @!p2 $0x0  }
0x1d: {  	s5 =	simm.s32 @p1 $0x1;
	p0 =	seq.s32 s7, s2  }
0x1e: {  	s7 =	smul.u32 @!p0 $0xF7A, s2;
	p2 =	seq.s32 @!p0 s5, $0x0  }
0x1f: {  	s9 =	smul.u32 $0xF7A, s1;
	s8 =	simm.s32 @!p0 $0x1BF5;
	p2 =	por !p2, p0  }
0x20: {  	[sflag:s8] =	ssyncset.s32 @!p0 $0xFFFFF086;
	s6 =	sadd.s32 @!p0 s3, s7;
	s7 =	simm.s32 @!p0 $0x108  }
0x21: {  	s3 =	sadd.s32 s3, s9;
	s6 =	sadd.s32 @!p0 $0x88, s6;
	s7 =	simm.s32 @p2 $0x1082  }
0x22: {  	[simem:s7], [sflag:s8] =	dma.local @!p0 [hbm:s6], $0xF7A  }
0x23: {  	s9 =	sor.u32 $0xD0000000, s2;
	s6 =	simm.s32 $0x108;
	_ =	swait.ge @!p0 [sflag:s8], $0x0  }
0x24: {  	s3 =	sadd.s32 $0x88, s3;
	s6 =	simm.s32 @!p1 $0x1082;
	[sflag:s4] =	ssyncset.s32 $0xFFFFF086  }
0x25: {  	[simem:s6], [sflag:s4] =	dma.local [hbm:s3], $0xF7A  }
0x26: {  	[smem:$0x3F9E] =	sst s1;
	(tag) =	ssettag s2;
	_ =	strace s9  }
0x27: {  	s1 =	sld [smem:$0x3FAE]  }
0x28: {  	s2 =	sld [smem:$0x3FAF]  }
0x29: {  	s4 =	sld [smem:$0x3FB1]  }
0x2a: {  	p0 =	seq.s32 s5, $0x0;
	s5 =	sld [smem:$0x3FB2]  }
0x2b: {  	s6 =	sld [smem:$0x3FB3]  }
0x2c: {  	s7 =	sld [smem:$0x3FB4]  }
0x2d: {  	s3 =	simm.s32 $0x108;
	s8 =	sld [smem:$0x3FB5]  }
0x2e: {  	s3 =	simm.s32 @!p0 $0x1082;
	s9 =	sld [smem:$0x3FB6]  }
0x2f: {  	lr =	sadd.s32 s0, s3;
	s0 =	sld [smem:$0x3FAD]  }
0x30: {  	s3 =	sld [smem:$0x3FB0]  }
0x31: {  	[smem:$0x3FB9] =	sst s10  }
0x32: {  	s10 =	sld [smem:$0x3FB7];
	_ =	sdelay $0x3  }
0x33: {  	p0 =	seq.s32 s10, $0x1;
	s10 =	sld [smem:$0x3FB9];
	_ =	sdelay $0x3  }
0x34: {  	[smem:$0x3FB9] =	sst s10  }
0x35: {  	s10 =	sld [smem:$0x3FB8];
	_ =	sdelay $0x3  }
0x36: {  	p1 =	seq.s32 s10, $0x1;
	s10 =	sld [smem:$0x3FB9];
	_ =	sdelay $0x3  }
0x37: {  	[smem:$0x3FB9] =	sst s10  }
0x38: {  	s10 =	sld [smem:$0x3FBA]  }
0x39: {  	_ = 	snop;
	(pc) =	sbr.ind lr, $3  }
0x3a: {  	_ = 	snop  }
0x3b: {  	_ = 	snop  }
0x3c: {  	p2 =	seq.s32 s10, $0x1;
	s10 =	sld [smem:$0x3FB9]  }
0x3d: {  	_ =	shalt  }
0x3e: {  	_ =	shalt  }
0x3f: {  	_ =	shalt  }
0x40: {  	_ =	shalt  }
0x41: {  	_ =	shalt  }
0x42: {  	_ =	shalt  }
0x43: {  	_ =	shalt  }
0x44: {  	_ =	shalt  }
0x45: {  	_ =	shalt  }
0x46: {  	_ =	shalt  }
0x47: {  	_ =	shalt  }
0x48: {  	_ =	shalt  }
0x49: {  	_ =	shalt  }
0x4a: {  	_ =	shalt  }
0x4b: {  	_ =	shalt  }
0x4c: {  	_ =	shalt  }
0x4d: {  	_ =	shalt  }
0x4e: {  	_ =	shalt  }
0x4f: {  	_ =	shalt  }
0x50: {  	_ =	shalt  }
0x51: {  	_ =	shalt  }
0x52: {  	_ =	shalt  }
0x53: {  	_ =	shalt  }
0x54: {  	_ =	shalt  }
0x55: {  	_ =	shalt  }
0x56: {  	_ =	shalt  }
0x57: {  	_ =	shalt  }
0x58: {  	_ =	shalt  }
0x59: {  	_ =	shalt  }
0x5a: {  	_ =	shalt  }
0x5b: {  	_ =	shalt  }
0x5c: {  	_ =	shalt  }
0x5d: {  	_ =	shalt  }
0x5e: {  	_ =	shalt  }
0x5f: {  	_ =	shalt  }
0x60: {  	_ =	shalt  }
0x61: {  	_ =	shalt  }
0x62: {  	_ =	shalt  }
0x63: {  	_ =	shalt  }
0x64: {  	_ =	shalt  }
0x65: {  	_ =	shalt  }
0x66: {  	_ =	shalt  }
0x67: {  	_ =	shalt  }
0x68: {  	_ =	shalt  }
0x69: {  	_ =	shalt  }
0x6a: {  	_ =	shalt  }
0x6b: {  	_ =	shalt  }
0x6c: {  	_ =	shalt  }
0x6d: {  	_ =	shalt  }
0x6e: {  	_ =	shalt  }
0x6f: {  	_ =	shalt  }
0x70: {  	_ =	shalt  }
0x71: {  	_ =	shalt  }
0x72: {  	_ =	shalt  }
0x73: {  	_ =	shalt  }
0x74: {  	_ =	shalt  }
0x75: {  	_ =	shalt  }
0x76: {  	_ =	shalt  }
0x77: {  	_ =	shalt  }
0x78: {  	_ =	shalt  }
0x79: {  	_ =	shalt  }
0x7a: {  	_ =	shalt  }
0x7b: {  	_ =	shalt  }
0x7c: {  	_ =	shalt  }
0x7d: {  	_ =	shalt  }
0x7e: {  	_ =	shalt  }
0x7f: {  	_ =	shalt  }
0x80: {  	_ =	shalt  }
0x81: {  	_ =	shalt  }
0x82: {  	_ =	shalt  }
0x83: {  	_ =	shalt  }
0x84: {  	_ =	shalt  }
0x85: {  	_ =	shalt  }
0x86: {  	_ =	shalt  }
0x87: {  	_ =	shalt  }
.Lfunc_end0:
.L_simem_size_0:
called_computation_lowered:
.L_overlay_start_0:
0x88: {  	s2 =	sld [smem:$0x3FD9]  }
0x89: {  	s3 =	sld [smem:$0x3FFE];
	_ =	sdelay $0x1  }
0x8a: {  	s1 =	srdreg.scid  }
0x8b: {  	s0 =	sand.u32 $0x1, s1  }
0x8c: {  	s17 =	sshll.u32 s0, $0xA;
	s2 =	sadd.s32 s3, s2  }
0x8d: {  	s2 =	sadd.s32 s2, s17  }
0x8e: {  	[smem:$0x3FC5] =	sst s2  }
0x8f: {  	_ = 	snop  }
0x90: {  	s2 =	sld [smem:$0x3FD0];
	(tm) =	ssettm $0x1  }
0x91: {  	s18 =	sld [smem:$0x3FFB];
	_ =	sdelay $0x3  }
0x92: {  	_ =	strace s18  }
0x93: {  	s3 =	sld [smem:$0x3FFC];
	_ =	sdelay $0x3  }
0x94: {  	_ =	strace s3  }
0x95: {  	s3 =	sld [smem:$0x3FFD];
	_ =	sdelay $0x3  }
0x96: {  	_ =	strace s3  }
0x97: {  	_ =	strace $0x8FFFFFFF  }
0x98: {  	s19 =	sld [smem:$0x3FDB];
	_ =	sdelay $0x1  }
0x99: {  	s4 =	simm.s32 $_scs_section_size  }
0x9a: {  	s5 =	simm.s32 $_size__tile_overlayer_lowered;
	s6 =	simm.s32 $_tile_overlayer_lowered  }
0x9b: {  	s22 =	simm.s32 $0x1BFF;
	s21 =	sshll.u32 s6, $0x1;
	s3 =	sadd.s32 s4, s19  }
0x9c: {  	s7 =	simm.s32 $0x0;
	s20 =	sshll.u32 s5, $0x1;
	s5 =	sadd.s32 s21, s3  }
0x9d: {  	[timem:s7], [sflag:s22] =	dma.local [hbm:s5], s20  }
0x9e: {  	_ =	swait.ge [sflag:s22], s20  }
0x9f: {  	s4 =	ssub.s32 $0x0, s20;
	[sflag:s22] =	ssyncset.done $0x0  }
0xa0: {  	[sflag:s22] =	ssyncadd.s32 s4;
	_ =	sdelay $0x1  }
0xa1: {  	s23 =	simm.s32 $0x1B8B  }
0xa2: {  	_ =	swait.ge [sflag:s23], $0x1  }
0xa3: {  	[sflag:s23] =	ssyncset.done $0x0  }
0xa4: {  	s25 =	simm.s32 $0x1B8E;
	s24 =	sld [smem:$0x3FFE];
	[sflag:s23] =	ssyncadd.s32 $0xFFFFFFFF  }
0xa5: {  	s26 =	simm.s32 $execute0_lowered;
	[smem:$0x3FD2] =	sst s25  }
0xa6: {  	s5 =	sshll.u32 s26, $0x1;
	_ =	strace $0x80000046;
	[dreg:$0x1] =	wrdreg $0xFFFFFFFF  }
0xa7: {  	s28 =	simm.s32 $_size_execute0_lowered;
	s3 =	sadd.s32 s3, s5;
	[dreg:$0x0] =	wrdreg $0x0  }
0xa8: {  	s5 =	sshll.u32 s28, $0x1;
	[dreg:$0x2] =	wrdreg s3  }
0xa9: {  	[dreg:$0x3] =	wrdreg s5  }
0xaa: {  	[dreg:$0x4] =	wrdreg $0xC0  }
0xab: {  	_ =	task [dreg:s7], $0x5FFFF  }
0xac: {  	[dreg:$0x1] =	wrdreg $0xFFFFFFFF  }
0xad: {  	[dreg:$0x0] =	wrdreg $0x60  }
0xae: {  	[dreg:$0x2] =	wrdreg s2  }
0xaf: {  	[dreg:$0x3] =	wrdreg s24  }
0xb0: {  	[dreg:$0x4] =	wrdreg $0x9  }
0xb1: {  	_ =	task.clear_ibuf [dreg:s7], $0x5FFFF;
	_ =	strace $0x90000046  }
0xb2: {  	s29 =	simm.s32 $0x9;
	_ =	strace $0x80000048  }
0xb3: {  	_ =	swait.ge [sflag:s29], $0x1  }
0xb4: {  	[sflag:s29] =	ssyncadd.s32 $0xFFFFFFFF  }
0xb5: {  	_ =	strace $0x90000048  }
0xb6: {  	_ =	sfence  }
0xb7: {  	s30 =	sld [smem:$0x0];
	_ =	sdelay $0x2  }
0xb8: {  	s31 =	sshll.u32 s1, $0xD;
	s1 =	sshrl.u32 s1, $0x2  }
0xb9: {  	s3 =	sand.u32 $0x4000, s31;
	s1 =	sadd.s32 s1, s30  }
0xba: {  	s0 =	sor.u32 s3, s0;
	s1 =	sshll.u32 s1, $0x11  }
0xbb: {  	s0 =	sor.u32 s1, s0  }
0xbc: {  	s0 =	sadd.s32 $0x8F2B, s0  }
0xbd: {  	[sflag:s0] =	ssyncadd.remote.s32 $0x1  }
0xbe: {  	_ =	sfence.sel $0xFFFF  }
0xbf: {  	[dreg:$0x0] =	wrdreg $0xFFFFFFFF;
	(pc) =	sbr.abs _section_cstart, $3  }
0xc0: {  	[dreg:$0x1] =	wrdreg $0xFFFFFFFF  }
0xc1: {  	_ =	task.clear_ibuf [dreg:s7], $0x2FFFF;
	_ =	strace $0x9FFFFFFF  }
0xc2: {  	(tm) =	ssettm $0x7FFFFFFF  }
0xc3: {  	_ =	shalt  }
tec
execute0_lowered:
.L_overlay_start_1:
0x0: {  	(tag) =	ssettag $0x1  }
0x1: {  	s1 =	srdreg.scid  }
0x2: {  	s0 =	stileid.u32;
	s3 =	rddreg [dreg:$0x0]  }
0x3: {  	s5 =	rddreg [dreg:$0x1];
	s2 =	simm.s32 $0x0;
	s8 =	simm.s32 $0xD00  }
0x4: {  	s9 =	simm.s32 $0x1A00;
	s4 =	sand.u32 $0x1, s1;
	s31 =	sshll.u32 s0, $0x1  }
0x5: {  	s10 =	simm.s32 $0x0;
	s6 =	sor.u32 s4, s31;
	s4 =	ssub.s32 $0x2, s4  }
0x6: {  	[smem:$0x7FF] =	sst s2;
	s6 =	smul.u32 $0x1A0, s6;
	s7 =	sshrl.u32 s4, $0x1  }
0x7: {  	s1 =	rddreg [dreg:$0x2];
	_ =	strace $0x80000047;
	s7 =	ssub.s32 s4, s7  }
0x8: {  	s5 =	sadd.s32 s6, s5;
	s3 =	sadd.s32 s3, s6;
	s6 =	smax.u32 s7, $0x1  }
0x9: {  	s7 =	simm.s32 $0x1;
	s4 =	sadd.s32 $0x1000, s5;
	s5 =	sadd.s32 $0x4400, s5  }
.LBB2_1:
0xa: {  	[tilespmem:s2], [sflag:$0x1] =	stream.linear.gather [hbm4b:s3+s2], $0xD00, $0x38;
	[tilespmem:$0x2700] =	vst v63  }
0xb: {  	_ =	swait.ge [sflag:s7], $0xD00  }
0xc: {  	[sflag:s7] =	ssyncset.done $0x0  }
0xd: {  	s11 =	simm.s32 $0x0;
	[sflag:s7] =	ssyncadd.s32 $0xFFFFF300  }
0xe: {  	v0 =	vld [tilespmem:s11+$0x70]  }
0xf: {  	v1 =	vld [tilespmem:s11+$0x0]  }
0x10: {  	v2 =	vld [tilespmem:s11+$0x10]  }
0x11: {  	v3 =	vld [tilespmem:s11+$0x20]  }
0x12: {  	v4 =	vld [tilespmem:s11+$0x30]  }
0x13: {  	v8 =	vld [tilespmem:s11+$0x50]  }
0x14: {  	v10 =	vld [tilespmem:s11+$0x60]  }
0x15: {  	v6 =	vxor.u32 $0x2A, v0;
	v0 =	vxor.u32 $0x2B, v0  }
0x16: {  	v7 =	vxor.u32 $0x2A, v1;
	v1 =	vxor.u32 $0x2B, v1;
	v9 =	vxor.u32 $0x2A, v2  }
0x17: {  	v2 =	vxor.u32 $0x2B, v2;
	v11 =	vxor.u32 $0x2A, v3;
	v3 =	vxor.u32 $0x2B, v3  }
0x18: {  	v13 =	vxor.u32 $0x2A, v4;
	v4 =	vxor.u32 $0x2B, v4;
	v14 =	vxor.u32 $0x2A, v8  }
0x19: {  	v8 =	vxor.u32 $0x2B, v8;
	v15 =	vxor.u32 $0x2A, v10;
	v10 =	vxor.u32 $0x2B, v10  }
0x1a: {  	v0 =	vmul.u32 $0x9E3779B1, v0;
	v7 =	vmul.u32 $0x9E3779B1, v7;
	v1 =	vmul.u32 $0x9E3779B1, v1  }
0x1b: {  	v9 =	vmul.u32 $0x9E3779B1, v9;
	v2 =	vmul.u32 $0x9E3779B1, v2;
	v11 =	vmul.u32 $0x9E3779B1, v11  }
0x1c: {  	v5 =	vld [tilespmem:s11+$0x40];
	v3 =	vmul.u32 $0x9E3779B1, v3;
	v13 =	vmul.u32 $0x9E3779B1, v13;
	v4 =	vmul.u32 $0x9E3779B1, v4  }
0x1d: {  	v14 =	vmul.u32 $0x9E3779B1, v14;
	v8 =	vmul.u32 $0x9E3779B1, v8;
	v10 =	vmul.u32 $0x9E3779B1, v10  }
0x1e: {  	v6 =	vmul.u32 $0x9E3779B1, v6;
	v12 =	vshrl.u32 v0, $0x10;
	v20 =	vshrl.u32 v2, $0x10  }
0x1f: {  	v21 =	vshrl.u32 v11, $0x10;
	v22 =	vshrl.u32 v3, $0x10;
	v23 =	vshrl.u32 v13, $0x10  }
0x20: {  	v24 =	vshrl.u32 v4, $0x10;
	v27 =	vshrl.u32 v14, $0x10;
	v29 =	vshrl.u32 v10, $0x10  }
0x21: {  	v0 =	vxor.u32 v0, v12;
	v12 =	vxor.u32 $0x2A, v5;
	v5 =	vxor.u32 $0x2B, v5  }
0x22: {  	v2 =	vxor.u32 v2, v20;
	v11 =	vxor.u32 v11, v21;
	v3 =	vxor.u32 v3, v22  }
0x23: {  	v13 =	vxor.u32 v13, v23;
	v4 =	vxor.u32 v4, v24;
	v14 =	vxor.u32 v14, v27  }
0x24: {  	v10 =	vxor.u32 v10, v29;
	v0 =	vmul.u32 $0x85EBCA77, v0;
	v12 =	vmul.u32 $0x9E3779B1, v12  }
0x25: {  	v5 =	vmul.u32 $0x9E3779B1, v5;
	v2 =	vmul.u32 $0x85EBCA77, v2;
	v11 =	vmul.u32 $0x85EBCA77, v11  }
0x26: {  	v3 =	vmul.u32 $0x85EBCA77, v3;
	v4 =	vmul.u32 $0x85EBCA77, v4;
	v20 =	vmul.u32 $0x85EBCA77, v10  }
0x27: {  	v16 =	vshrl.u32 v0, $0xD;
	v25 =	vshrl.u32 v12, $0x10;
	v26 =	vshrl.u32 v5, $0x10  }
0x28: {  	v22 =	vshrl.u32 v2, $0xD;
	v23 =	vshrl.u32 v11, $0xD;
	v0 =	vxor.u32 v0, v16  }
0x29: {  	v24 =	vshrl.u32 v3, $0xD;
	v32 =	vshrl.u32 v20, $0xD;
	v16 =	vand.u32 $0xFFFF, v0  }
0x2a: {  	v12 =	vxor.u32 v12, v25;
	v17 =	vshrl.u32 v0, $0x10;
	v18 =	vmul.u32 $0xDE83, v16  }
0x2b: {  	v5 =	vxor.u32 v5, v26;
	v26 =	vshrl.u32 v4, $0xD;
	v19 =	vmul.u32 $0xDE83, v17  }
0x2c: {  	v11 =	vxor.u32 v11, v23;
	v5 =	vmul.u32 $0x85EBCA77, v5;
	v18 =	vshrl.u32 v18, $0x10  }
0x2d: {  	v51 =	vshrl.u32 v11, $0x10;
	v16 =	vmul.u32 $0x431B, v16;
	v18 =	vadd.s32 v19, v18  }
0x2e: {  	v17 =	vmul.u32 $0x431B, v17;
	v19 =	vmul.u32 $0x9E3779B1, v15;
	v15 =	vand.u32 $0xFFFF, v18  }
0x2f: {  	v15 =	vadd.s32 v16, v15;
	v16 =	vshrl.u32 v18, $0x10;
	v18 =	vshrl.u32 v1, $0x10  }
0x30: {  	v28 =	vshrl.u32 v19, $0x10;
	v16 =	vadd.s32 v17, v16;
	v15 =	vshrl.u32 v15, $0x10  }
0x31: {  	v17 =	vshrl.u32 v7, $0x10;
	v1 =	vxor.u32 v1, v18;
	v18 =	vmul.u32 $0x85EBCA77, v14  }
0x32: {  	v15 =	vadd.s32 v15, v16;
	v16 =	vshrl.u32 v9, $0x10;
	v7 =	vxor.u32 v7, v17  }
0x33: {  	v17 =	vshrl.u32 v6, $0x10;
	v1 =	vmul.u32 $0x85EBCA77, v1;
	v15 =	vshrl.u32 v15, $0x12  }
0x34: {  	v9 =	vxor.u32 v9, v16;
	v7 =	vmul.u32 $0x85EBCA77, v7;
	v6 =	vxor.u32 v6, v17  }
0x35: {  	v16 =	vmul.u32 $0x85EBCA77, v13;
	v17 =	vmul.u32 $0x85EBCA77, v12;
	v29 =	vshrl.u32 v18, $0xD  }
0x36: {  	v15 =	vmul.u32 $0xFFF0BDC0, v15;
	v9 =	vmul.u32 $0x85EBCA77, v9;
	v10 =	vshrl.u32 v1, $0xD  }
0x37: {  	v21 =	vmul.u32 $0x85EBCA77, v6;
	v25 =	vshrl.u32 v16, $0xD;
	v27 =	vshrl.u32 v17, $0xD  }
0x38: {  	v13 =	vxor.u32 v1, v10;
	v10 =	vxor.u32 v2, v22;
	v15 =	vadd.s32 v0, v15  }
0x39: {  	v0 =	vshrl.u32 v8, $0x10;
	v6 =	vshrl.u32 v9, $0xD;
	v33 =	vshrl.u32 v21, $0xD  }
0x3a: {  	v47 =	vshrl.u32 v13, $0x10;
	v50 =	vshrl.u32 v10, $0x10;
	v0 =	vxor.u32 v8, v0  }
0x3b: {  	v8 =	vxor.u32 v19, v28;
	v28 =	vshrl.u32 v5, $0xD;
	v12 =	vxor.u32 v9, v6  }
0x3c: {  	v9 =	vxor.u32 v4, v26;
	v4 =	vxor.u32 v17, v27;
	v6 =	vxor.u32 v18, v29  }
0x3d: {  	v18 =	vand.u32 $0xFFFF, v13;
	v62 =	vmul.u32 $0xDE83, v47;
	v47 =	vmul.u32 $0x431B, v47  }
0x3e: {  	v0 =	vmul.u32 $0x85EBCA77, v0;
	v19 =	vmul.u32 $0x85EBCA77, v8;
	v8 =	vshrl.u32 v7, $0xD  }
0x3f: {  	v5 =	vxor.u32 v5, v28;
	v27 =	vand.u32 $0xFFFF, v6;
	v49 =	vshrl.u32 v12, $0x10  }
0x40: {  	v54 =	vshrl.u32 v9, $0x10;
	v55 =	vshrl.u32 v4, $0x10;
	v57 =	vshrl.u32 v6, $0x10  }
0x41: {  	v14 =	vxor.u32 v7, v8;
	v7 =	vxor.u32 v3, v24;
	v8 =	vxor.u32 v16, v25  }
0x42: {  	v3 =	vxor.u32 v20, v32;
	v20 =	vand.u32 $0xFFFF, v10;
	v24 =	vand.u32 $0xFFFF, v9  }
0x43: {  	v25 =	vand.u32 $0xFFFF, v4;
	v26 =	vand.u32 $0xFFFF, v5;
	v32 =	vmul.u32 $0xDE83, v18  }
0x44: {  	v42 =	vmul.u32 $0xDE83, v27;
	v56 =	vshrl.u32 v5, $0x10;
	v63 =	vmul.u32 $0xDE83, v49  }
0x45: {  	v18 =	vmul.u32 $0x431B, v18;
	v27 =	vmul.u32 $0x431B, v27;
	v30 =	vshrl.u32 v0, $0xD  }
0x46: {  	v31 =	vshrl.u32 v19, $0xD;
	v17 =	vand.u32 $0xFFFF, v14;
	v22 =	vand.u32 $0xFFFF, v7  }
0x47: {  	v23 =	vand.u32 $0xFFFF, v8;
	v35 =	vmul.u32 $0xDE83, v20;
	v39 =	vmul.u32 $0xDE83, v24  }
0x48: {  	v40 =	vmul.u32 $0xDE83, v25;
	v41 =	vmul.u32 $0xDE83, v26;
	v46 =	vshrl.u32 v14, $0x10  }
0x49: {  	v52 =	vshrl.u32 v7, $0x10;
	v53 =	vshrl.u32 v8, $0x10;
	v60 =	vshrl.u32 v3, $0x10  }
0x4a: {  	v20 =	vmul.u32 $0x431B, v20;
	v24 =	vmul.u32 $0x431B, v24;
	v25 =	vmul.u32 $0x431B, v25  }
0x4b: {  	v26 =	vmul.u32 $0x431B, v26;
	v2 =	vxor.u32 v0, v30;
	v1 =	vxor.u32 v19, v31  }
0x4c: {  	v0 =	vxor.u32 v21, v33;
	v19 =	vand.u32 $0xFFFF, v12;
	v21 =	vand.u32 $0xFFFF, v11  }
0x4d: {  	v30 =	vand.u32 $0xFFFF, v3;
	v31 =	vmul.u32 $0xDE83, v17;
	v37 =	vmul.u32 $0xDE83, v22  }
0x4e: {  	v38 =	vmul.u32 $0xDE83, v23;
	v61 =	vmul.u32 $0xDE83, v46;
	v32 =	vshrl.u32 v32, $0x10  }
0x4f: {  	v42 =	vshrl.u32 v42, $0x10;
	v17 =	vmul.u32 $0x431B, v17;
	v22 =	vmul.u32 $0x431B, v22  }
0x50: {  	v23 =	vmul.u32 $0x431B, v23;
	v46 =	vmul.u32 $0x431B, v46;
	v28 =	vand.u32 $0xFFFF, v2  }
0x51: {  	v29 =	vand.u32 $0xFFFF, v1;
	v33 =	vand.u32 $0xFFFF, v0;
	v34 =	vmul.u32 $0xDE83, v19  }
0x52: {  	v36 =	vmul.u32 $0xDE83, v21;
	v45 =	vmul.u32 $0xDE83, v30;
	v58 =	vshrl.u32 v2, $0x10  }
0x53: {  	v59 =	vshrl.u32 v1, $0x10;
	v16 =	vshrl.u32 v0, $0x10;
	v32 =	vadd.s32 v62, v32  }
0x54: {  	v62 =	vmul.u32 $0xDE83, v51;
	v35 =	vshrl.u32 v35, $0x10;
	v39 =	vshrl.u32 v39, $0x10  }
0x55: {  	v40 =	vshrl.u32 v40, $0x10;
	v41 =	vshrl.u32 v41, $0x10;
	v19 =	vmul.u32 $0x431B, v19  }
0x56: {  	v21 =	vmul.u32 $0x431B, v21;
	v30 =	vmul.u32 $0x431B, v30;
	v43 =	vmul.u32 $0xDE83, v28  }
0x57: {  	v44 =	vmul.u32 $0xDE83, v29;
	v48 =	vmul.u32 $0xDE83, v33;
	v31 =	vshrl.u32 v31, $0x10  }
0x58: {  	v37 =	vshrl.u32 v37, $0x10;
	v38 =	vshrl.u32 v38, $0x10;
	v28 =	vmul.u32 $0x431B, v28  }
0x59: {  	v29 =	vmul.u32 $0x431B, v29;
	v33 =	vmul.u32 $0x431B, v33;
	v31 =	vadd.s32 v61, v31  }
0x5a: {  	v61 =	vmul.u32 $0xDE83, v50;
	v34 =	vshrl.u32 v34, $0x10;
	v36 =	vshrl.u32 v36, $0x10  }
0x5b: {  	v45 =	vshrl.u32 v45, $0x10;
	v34 =	vadd.s32 v63, v34;
	v63 =	vmul.u32 $0xDE83, v52  }
0x5c: {  	v36 =	vadd.s32 v62, v36;
	v62 =	vmul.u32 $0xDE83, v54;
	v43 =	vshrl.u32 v43, $0x10  }
0x5d: {  	v44 =	vshrl.u32 v44, $0x10;
	v35 =	vadd.s32 v61, v35;
	v61 =	vmul.u32 $0xDE83, v53  }
0x5e: {  	v37 =	vadd.s32 v63, v37;
	v63 =	vmul.u32 $0xDE83, v55;
	v39 =	vadd.s32 v62, v39  }
0x5f: {  	v62 =	vmul.u32 $0xDE83, v57;
	v38 =	vadd.s32 v61, v38;
	v61 =	vmul.u32 $0xDE83, v56  }
0x60: {  	v48 =	vshrl.u32 v48, $0x10;
	v40 =	vadd.s32 v63, v40;
	v63 =	vmul.u32 $0xDE83, v58  }
0x61: {  	v42 =	vadd.s32 v62, v42;
	v62 =	vmul.u32 $0xDE83, v60;
	v41 =	vadd.s32 v61, v41  }
0x62: {  	v61 =	vmul.u32 $0xDE83, v59;
	v43 =	vadd.s32 v63, v43;
	v63 =	vmul.u32 $0xDE83, v16  }
0x63: {  	v45 =	vadd.s32 v62, v45;
	v62 =	vand.u32 $0xFFFF, v32;
	v32 =	vshrl.u32 v32, $0x10  }
0x64: {  	v16 =	vmul.u32 $0x431B, v16;
	v44 =	vadd.s32 v61, v44;
	v61 =	vand.u32 $0xFFFF, v31  }
0x65: {  	v18 =	vadd.s32 v18, v62;
	v62 =	vand.u32 $0xFFFF, v35;
	v31 =	vshrl.u32 v31, $0x10  }
0x66: {  	v32 =	vadd.s32 v47, v32;
	v35 =	vshrl.u32 v35, $0x10;
	v48 =	vadd.s32 v63, v48  }
0x67: {  	v17 =	vadd.s32 v17, v61;
	v61 =	vand.u32 $0xFFFF, v34;
	v20 =	vadd.s32 v20, v62  }
0x68: {  	v62 =	vand.u32 $0xFFFF, v37;
	v31 =	vadd.s32 v46, v31;
	v63 =	vmul.u32 $0x431B, v50  }
0x69: {  	v34 =	vshrl.u32 v34, $0x10;
	v37 =	vshrl.u32 v37, $0x10;
	v18 =	vshrl.u32 v18, $0x10  }
0x6a: {  	v19 =	vadd.s32 v19, v61;
	v61 =	vand.u32 $0xFFFF, v36;
	v22 =	vadd.s32 v22, v62  }
0x6b: {  	v62 =	vand.u32 $0xFFFF, v39;
	v36 =	vshrl.u32 v36, $0x10;
	v39 =	vshrl.u32 v39, $0x10  }
0x6c: {  	v17 =	vshrl.u32 v17, $0x10;
	v18 =	vadd.s32 v18, v32;
	v20 =	vshrl.u32 v20, $0x10  }
0x6d: {  	v21 =	vadd.s32 v21, v61;
	v61 =	vand.u32 $0xFFFF, v38;
	v24 =	vadd.s32 v24, v62  }
0x6e: {  	v62 =	vand.u32 $0xFFFF, v41;
	v35 =	vadd.s32 v63, v35;
	v63 =	vmul.u32 $0x431B, v53  }
0x6f: {  	v38 =	vshrl.u32 v38, $0x10;
	v53 =	vmul.u32 $0x431B, v55;
	v55 =	vmul.u32 $0x431B, v57  }
0x70: {  	v41 =	vshrl.u32 v41, $0x10;
	v57 =	vmul.u32 $0x431B, v59;
	v17 =	vadd.s32 v17, v31  }
0x71: {  	v31 =	vshrl.u32 v48, $0x10;
	v19 =	vshrl.u32 v19, $0x10;
	v22 =	vshrl.u32 v22, $0x10  }
0x72: {  	v18 =	vshrl.u32 v18, $0x12;
	v23 =	vadd.s32 v23, v61;
	v61 =	vand.u32 $0xFFFF, v40  }
0x73: {  	v26 =	vadd.s32 v26, v62;
	v62 =	vand.u32 $0xFFFF, v43;
	v40 =	vshrl.u32 v40, $0x10  }
0x74: {  	v43 =	vshrl.u32 v43, $0x10;
	v16 =	vadd.s32 v16, v31;
	v21 =	vshrl.u32 v21, $0x10  }
0x75: {  	v20 =	vadd.s32 v20, v35;
	v24 =	vshrl.u32 v24, $0x10;
	v17 =	vshrl.u32 v17, $0x12  }
0x76: {  	v25 =	vadd.s32 v25, v61;
	v61 =	vand.u32 $0xFFFF, v42;
	v28 =	vadd.s32 v28, v62  }
0x77: {  	v62 =	vmul.u32 $0x431B, v49;
	v38 =	vadd.s32 v63, v38;
	v40 =	vadd.s32 v53, v40  }
0x78: {  	v42 =	vshrl.u32 v42, $0x10;
	v23 =	vshrl.u32 v23, $0x10;
	v26 =	vshrl.u32 v26, $0x10  }
0x79: {  	v20 =	vshrl.u32 v20, $0x12;
	v27 =	vadd.s32 v27, v61;
	v61 =	vand.u32 $0xFFFF, v44  }
0x7a: {  	v42 =	vadd.s32 v55, v42;
	v44 =	vshrl.u32 v44, $0x10;
	v23 =	vadd.s32 v23, v38  }
0x7b: {  	v25 =	vshrl.u32 v25, $0x10;
	v28 =	vshrl.u32 v28, $0x10;
	v29 =	vadd.s32 v29, v61  }
0x7c: {  	v61 =	vand.u32 $0xFFFF, v45;
	v34 =	vadd.s32 v62, v34;
	v62 =	vmul.u32 $0x431B, v52  }
0x7d: {  	v52 =	vmul.u32 $0x431B, v54;
	v54 =	vmul.u32 $0x431B, v56;
	v56 =	vmul.u32 $0x431B, v58  }
0x7e: {  	v58 =	vmul.u32 $0x431B, v60;
	v44 =	vadd.s32 v57, v44;
	v45 =	vshrl.u32 v45, $0x10  }
0x7f: {  	v25 =	vadd.s32 v25, v40;
	v27 =	vshrl.u32 v27, $0x10;
	v23 =	vshrl.u32 v23, $0x12  }
0x80: {  	v30 =	vadd.s32 v30, v61;
	v61 =	vand.u32 $0xFFFF, v48;
	v19 =	vadd.s32 v19, v34  }
0x81: {  	v27 =	vadd.s32 v27, v42;
	v29 =	vshrl.u32 v29, $0x10;
	v59 =	vshrl.u32 v25, $0x12  }
0x82: {  	v33 =	vadd.s32 v33, v61;
	v61 =	vmul.u32 $0x431B, v51;
	v37 =	vadd.s32 v62, v37  }
0x83: {  	v39 =	vadd.s32 v52, v39;
	v41 =	vadd.s32 v54, v41;
	v43 =	vadd.s32 v56, v43  }
0x84: {  	v45 =	vadd.s32 v58, v45;
	v30 =	vshrl.u32 v30, $0x10;
	v29 =	vadd.s32 v29, v44  }
0x85: {  	v19 =	vshrl.u32 v19, $0x12;
	v22 =	vadd.s32 v22, v37;
	v24 =	vadd.s32 v24, v39  }
0x86: {  	v26 =	vadd.s32 v26, v41;
	v28 =	vadd.s32 v28, v43;
	v30 =	vadd.s32 v30, v45  }
0x87: {  	v31 =	vshrl.u32 v33, $0x10;
	v63 =	vshrl.u32 v29, $0x12;
	v29 =	vmul.u32 $0xFFF0BDC0, v17  }
0x88: {  	v36 =	vadd.s32 v61, v36;
	v16 =	vadd.s32 v31, v16;
	v22 =	vshrl.u32 v22, $0x12  }
0x89: {  	v31 =	vshrl.u32 v24, $0x12;
	v60 =	vshrl.u32 v26, $0x12;
	v61 =	vshrl.u32 v27, $0x12  }
0x8a: {  	v62 =	vshrl.u32 v28, $0x12;
	v30 =	vshrl.u32 v30, $0x12;
	v28 =	vmul.u32 $0xFFF0BDC0, v18  }
0x8b: {  	[tilespmem:s11+$0x1A70] =	vst v15;
	v27 =	vmul.u32 $0xFFF0BDC0, v19;
	v24 =	vmul.u32 $0xFFF0BDC0, v20;
	v19 =	vmul.u32 $0xFFF0BDC0, v63  }
0x8c: {  	[tilespmem:$0x1FFC0] =	vst v6;
	v21 =	vadd.s32 v21, v36;
	v26 =	vshrl.u32 v16, $0x12;
	v16 =	vmul.u32 $0xFFF0BDC0, v59  }
0x8d: {  	[tilespmem:$0x1FFE0] =	vst v3;
	v17 =	vmul.u32 $0xFFF0BDC0, v60;
	v18 =	vmul.u32 $0xFFF0BDC0, v61;
	v21 =	vshrl.u32 v21, $0x12  }
0x8e: {  	[tilespmem:$0x1FFD0] =	vst v1;
	v15 =	vmul.u32 $0xFFF0BDC0, v62;
	v20 =	vmul.u32 $0xFFF0BDC0, v30;
	v25 =	vmul.u32 $0xFFF0BDC0, v21  }
0x8f: {  	s13 =	simm.s32 $0x80;
	s12 =	simm.s32 $0x400;
	[tilespmem:$0x1FFF0] =	vst v0;
	v21 =	vmul.u32 $0xFFF0BDC0, v22;
	v22 =	vmul.u32 $0xFFF0BDC0, v23;
	v23 =	vmul.u32 $0xFFF0BDC0, v31  }
.LBB2_2:
0x90: {  	v0 =	vld [tilespmem:$0x1FFC0];
	_ =	sdelay $0x2  }
0x91: {  	v30 =	vld [tilespmem:s13+$0x70]  }
0x92: {  	v14 =	vadd.s32 v14, v29;
	v13 =	vadd.s32 v13, v28;
	v28 =	vld [tilespmem:s13+$0x0]  }
0x93: {  	[tilespmem:s11+$0xD00] =	vst v14;
	v6 =	vadd.s32 v0, v18;
	v0 =	vld [tilespmem:$0x1FFD0]  }
0x94: {  	v12 =	vadd.s32 v12, v27;
	v14 =	vld [tilespmem:s13+$0x10];
	[tilespmem:s11+$0x1A00] =	vst v13  }
0x95: {  	v26 =	vmul.u32 $0xFFF0BDC0, v26;
	v10 =	vadd.s32 v10, v24;
	v13 =	vld [tilespmem:s13+$0x20];
	[tilespmem:s11+$0xD10] =	vst v12  }
0x96: {  	v4 =	vadd.s32 v4, v16;
	v1 =	vadd.s32 v2, v15;
	v11 =	vadd.s32 v11, v25;
	v12 =	vld [tilespmem:s13+$0x30];
	[tilespmem:s11+$0x1A10] =	vst v10  }
0x97: {  	v7 =	vadd.s32 v7, v21;
	v8 =	vadd.s32 v8, v22;
	v9 =	vadd.s32 v9, v23;
	v10 =	vld [tilespmem:s13+$0x40];
	[tilespmem:s11+$0xD20] =	vst v11  }
0x98: {  	v5 =	vadd.s32 v5, v17;
	v15 =	vxor.u32 $0x2A, v30;
	v16 =	vxor.u32 $0x2B, v30;
	v18 =	vld [tilespmem:s13+$0x50];
	[tilespmem:s11+$0x1A20] =	vst v7  }
0x99: {  	v16 =	vmul.u32 $0x9E3779B1, v16;
	v11 =	vxor.u32 $0x2A, v28;
	v2 =	vadd.s32 v0, v19;
	v19 =	vld [tilespmem:s13+$0x60];
	[tilespmem:s11+$0xD30] =	vst v8  }
0x9a: {  	v15 =	vmul.u32 $0x9E3779B1, v15;
	v17 =	vxor.u32 $0x2B, v28;
	v0 =	vld [tilespmem:$0x1FFE0];
	v7 =	vmul.u32 $0x9E3779B1, v11;
	[tilespmem:s11+$0x1A30] =	vst v9  }
0x9b: {  	v11 =	vxor.u32 $0x2A, v14;
	v14 =	vxor.u32 $0x2B, v14;
	[tilespmem:s11+$0x1A40] =	vst v5;
	v5 =	vmul.u32 $0x9E3779B1, v17  }
0x9c: {  	[tilespmem:s11+$0x1A50] =	vst v1;
	v8 =	vxor.u32 $0x2A, v13;
	v13 =	vxor.u32 $0x2B, v13;
	v1 =	vmul.u32 $0x9E3779B1, v11  }
0x9d: {  	[tilespmem:s11+$0xD40] =	vst v4;
	v11 =	vmul.u32 $0x9E3779B1, v14;
	v9 =	vxor.u32 $0x2A, v12;
	v12 =	vxor.u32 $0x2B, v12  }
0x9e: {  	[tilespmem:s11+$0xD60] =	vst v2;
	v2 =	vmul.u32 $0x9E3779B1, v8;
	v8 =	vmul.u32 $0x9E3779B1, v13;
	v4 =	vxor.u32 $0x2A, v10  }
0x9f: {  	v10 =	vxor.u32 $0x2B, v10;
	v3 =	vadd.s32 v0, v20;
	v20 =	vshrl.u32 v16, $0x10  }
0xa0: {  	v17 =	vxor.u32 $0x2A, v18;
	v18 =	vxor.u32 $0x2B, v18;
	v4 =	vmul.u32 $0x9E3779B1, v4  }
0xa1: {  	v10 =	vmul.u32 $0x9E3779B1, v10;
	v21 =	vshrl.u32 v2, $0x10;
	v22 =	vshrl.u32 v8, $0x10  }
0xa2: {  	[tilespmem:s11+$0xD50] =	vst v6;
	v16 =	vxor.u32 v16, v20;
	v6 =	vxor.u32 $0x2A, v19;
	v19 =	vxor.u32 $0x2B, v19  }
0xa3: {  	[tilespmem:s11+$0x1A60] =	vst v3;
	v3 =	vmul.u32 $0x9E3779B1, v9;
	v17 =	vmul.u32 $0x9E3779B1, v17;
	v18 =	vmul.u32 $0x9E3779B1, v18  }
0xa4: {  	v2 =	vxor.u32 v2, v21;
	v8 =	vxor.u32 v8, v22;
	v16 =	vmul.u32 $0x85EBCA77, v16  }
0xa5: {  	v0 =	vld [tilespmem:$0x1FFF0];
	v6 =	vmul.u32 $0x9E3779B1, v6;
	v19 =	vmul.u32 $0x9E3779B1, v19;
	v25 =	vshrl.u32 v4, $0x10  }
0xa6: {  	v2 =	vmul.u32 $0x85EBCA77, v2;
	v8 =	vmul.u32 $0x85EBCA77, v8;
	v23 =	vshrl.u32 v3, $0x10  }
0xa7: {  	v27 =	vshrl.u32 v17, $0x10;
	v4 =	vxor.u32 v4, v25;
	v20 =	vshrl.u32 v16, $0xD  }
0xa8: {  	v28 =	vshrl.u32 v6, $0x10;
	v29 =	vshrl.u32 v19, $0x10;
	v3 =	vxor.u32 v3, v23  }
0xa9: {  	v4 =	vmul.u32 $0x85EBCA77, v4;
	v22 =	vshrl.u32 v2, $0xD;
	v23 =	vshrl.u32 v8, $0xD  }
0xaa: {  	v0 =	vadd.s32 v0, v26;
	v14 =	vxor.u32 v16, v20;
	v20 =	vshrl.u32 v11, $0x10  }
0xab: {  	v26 =	vshrl.u32 v10, $0x10;
	v6 =	vxor.u32 v6, v28;
	v3 =	vmul.u32 $0x85EBCA77, v3  }
0xac: {  	v13 =	vand.u32 $0xFFFF, v14;
	v9 =	vshrl.u32 v14, $0x10;
	[tilespmem:s11+$0xD70] =	vst v0;
	v0 =	vmul.u32 $0x9E3779B1, v12  }
0xad: {  	v11 =	vxor.u32 v11, v20;
	v10 =	vxor.u32 v10, v26;
	v16 =	vmul.u32 $0xDE83, v13  }
0xae: {  	v26 =	vshrl.u32 v4, $0xD;
	v12 =	vmul.u32 $0xDE83, v9;
	v13 =	vmul.u32 $0x431B, v13  }
0xaf: {  	v11 =	vmul.u32 $0x85EBCA77, v11;
	v24 =	vshrl.u32 v0, $0x10;
	v16 =	vshrl.u32 v16, $0x10  }
0xb0: {  	v9 =	vmul.u32 $0x431B, v9;
	v0 =	vxor.u32 v0, v24;
	v12 =	vadd.s32 v12, v16  }
0xb1: {  	v21 =	vshrl.u32 v11, $0xD;
	v0 =	vmul.u32 $0x85EBCA77, v0;
	v16 =	vand.u32 $0xFFFF, v12  }
0xb2: {  	v24 =	vshrl.u32 v3, $0xD;
	v12 =	vshrl.u32 v12, $0x10;
	v13 =	vadd.s32 v13, v16  }
0xb3: {  	v9 =	vadd.s32 v9, v12;
	v16 =	vshrl.u32 v5, $0x10;
	v25 =	vshrl.u32 v0, $0xD  }
0xb4: {  	v12 =	vshrl.u32 v13, $0x10;
	v13 =	vshrl.u32 v7, $0x10;
	v5 =	vxor.u32 v5, v16  }
0xb5: {  	v9 =	vadd.s32 v12, v9;
	v12 =	vshrl.u32 v1, $0x10;
	v7 =	vxor.u32 v7, v13  }
0xb6: {  	v5 =	vmul.u32 $0x85EBCA77, v5;
	v9 =	vshrl.u32 v9, $0x12;
	v1 =	vxor.u32 v1, v12  }
0xb7: {  	v12 =	vxor.u32 v17, v27;
	v7 =	vmul.u32 $0x85EBCA77, v7;
	v9 =	vmul.u32 $0xFFF0BDC0, v9  }
0xb8: {  	v1 =	vmul.u32 $0x85EBCA77, v1;
	v16 =	vmul.u32 $0x85EBCA77, v12;
	v12 =	vxor.u32 v11, v21  }
0xb9: {  	v48 =	vshrl.u32 v12, $0x10;
	v9 =	vadd.s32 v14, v9;
	v14 =	vshrl.u32 v18, $0x10  }
0xba: {  	s11 =	smov.u32 s13;
	v28 =	vshrl.u32 v16, $0xD;
	v63 =	vmul.u32 $0xDE83, v48;
	v48 =	vmul.u32 $0x431B, v48  }
0xbb: {  	[tilespmem:s11+$0x1A70] =	vst v9;
	v9 =	vshrl.u32 v15, $0x10;
	v13 =	vxor.u32 v18, v14;
	v14 =	vxor.u32 v19, v29  }
0xbc: {  	v18 =	vmul.u32 $0x85EBCA77, v6;
	v6 =	vshrl.u32 v7, $0xD;
	v9 =	vxor.u32 v15, v9  }
0xbd: {  	v15 =	vmul.u32 $0x85EBCA77, v10;
	v17 =	vmul.u32 $0x85EBCA77, v13;
	v19 =	vmul.u32 $0x85EBCA77, v14  }
0xbe: {  	v10 =	vshrl.u32 v5, $0xD;
	v6 =	vxor.u32 v7, v6;
	v7 =	vxor.u32 v3, v24  }
0xbf: {  	v14 =	vxor.u32 v4, v26;
	v3 =	vxor.u32 v16, v28;
	v20 =	vmul.u32 $0x85EBCA77, v9  }
0xc0: {  	v9 =	vshrl.u32 v1, $0xD;
	v30 =	vshrl.u32 v18, $0xD;
	v10 =	vxor.u32 v5, v10  }
0xc1: {  	v5 =	vxor.u32 v8, v23;
	v8 =	vxor.u32 v0, v25;
	v21 =	vand.u32 $0xFFFF, v7  }
0xc2: {  	v23 =	vand.u32 $0xFFFF, v14;
	v25 =	vand.u32 $0xFFFF, v3;
	v44 =	vshrl.u32 v6, $0x10  }
0xc3: {  	v51 =	vshrl.u32 v7, $0x10;
	v53 =	vshrl.u32 v14, $0x10;
	v55 =	vshrl.u32 v3, $0x10  }
0xc4: {  	v27 =	vshrl.u32 v15, $0xD;
	v29 =	vshrl.u32 v17, $0xD;
	v31 =	vshrl.u32 v19, $0xD  }
0xc5: {  	v13 =	vxor.u32 v1, v9;
	v9 =	vxor.u32 v2, v22;
	v1 =	vxor.u32 v18, v30  }
0xc6: {  	v16 =	vand.u32 $0xFFFF, v10;
	v18 =	vand.u32 $0xFFFF, v12;
	v22 =	vand.u32 $0xFFFF, v8  }
0xc7: {  	v36 =	vmul.u32 $0xDE83, v21;
	v38 =	vmul.u32 $0xDE83, v23;
	v40 =	vmul.u32 $0xDE83, v25  }
0xc8: {  	v45 =	vshrl.u32 v10, $0x10;
	v50 =	vshrl.u32 v5, $0x10;
	v52 =	vshrl.u32 v8, $0x10  }
0xc9: {  	v59 =	vmul.u32 $0xDE83, v44;
	v21 =	vmul.u32 $0x431B, v21;
	v23 =	vmul.u32 $0x431B, v23  }
0xca: {  	v25 =	vmul.u32 $0x431B, v25;
	v44 =	vmul.u32 $0x431B, v44;
	v32 =	vshrl.u32 v20, $0xD  }
0xcb: {  	v4 =	vxor.u32 v15, v27;
	v11 =	vxor.u32 v17, v29;
	v2 =	vxor.u32 v19, v31  }
0xcc: {  	v15 =	vand.u32 $0xFFFF, v6;
	v17 =	vand.u32 $0xFFFF, v13;
	v19 =	vand.u32 $0xFFFF, v9  }
0xcd: {  	v27 =	vand.u32 $0xFFFF, v1;
	v30 =	vmul.u32 $0xDE83, v16;
	v33 =	vmul.u32 $0xDE83, v18  }
0xce: {  	[tilespmem:$0x1FF70] =	vst v6;
	v37 =	vmul.u32 $0xDE83, v22;
	v47 =	vshrl.u32 v13, $0x10;
	v49 =	vshrl.u32 v9, $0x10  }
0xcf: {  	[tilespmem:$0x1FFD0] =	vst v1;
	v57 =	vshrl.u32 v1, $0x10;
	v60 =	vmul.u32 $0xDE83, v45;
	v1 =	vmul.u32 $0xDE83, v50  }
0xd0: {  	[tilespmem:$0x1FFC0] =	vst v3;
	v3 =	vmul.u32 $0xDE83, v52;
	v6 =	vmul.u32 $0xDE83, v55;
	v16 =	vmul.u32 $0x431B, v16  }
0xd1: {  	v18 =	vmul.u32 $0x431B, v18;
	v22 =	vmul.u32 $0x431B, v22;
	v45 =	vmul.u32 $0x431B, v45  }
0xd2: {  	v50 =	vmul.u32 $0x431B, v50;
	v52 =	vmul.u32 $0x431B, v52;
	v55 =	vmul.u32 $0x431B, v55  }
0xd3: {  	v0 =	vxor.u32 v20, v32;
	v20 =	vand.u32 $0xFFFF, v5;
	v24 =	vand.u32 $0xFFFF, v4  }
0xd4: {  	v26 =	vand.u32 $0xFFFF, v11;
	v28 =	vand.u32 $0xFFFF, v2;
	v29 =	vmul.u32 $0xDE83, v15  }
0xd5: {  	v32 =	vmul.u32 $0xDE83, v17;
	v34 =	vmul.u32 $0xDE83, v19;
	v42 =	vmul.u32 $0xDE83, v27  }
0xd6: {  	[tilespmem:$0x1FF80] =	vst v4;
	v54 =	vshrl.u32 v4, $0x10;
	v56 =	vshrl.u32 v11, $0x10;
	v58 =	vshrl.u32 v2, $0x10  }
0xd7: {  	[tilespmem:$0x1FFE0] =	vst v2;
	v62 =	vmul.u32 $0xDE83, v47;
	v2 =	vmul.u32 $0xDE83, v51;
	v4 =	vmul.u32 $0xDE83, v53  }
0xd8: {  	[tilespmem:$0x1FFB0] =	vst v8;
	v8 =	vmul.u32 $0xDE83, v57;
	v36 =	vshrl.u32 v36, $0x10;
	v38 =	vshrl.u32 v38, $0x10  }
0xd9: {  	v40 =	vshrl.u32 v40, $0x10;
	v15 =	vmul.u32 $0x431B, v15;
	v17 =	vmul.u32 $0x431B, v17  }
0xda: {  	v19 =	vmul.u32 $0x431B, v19;
	v27 =	vmul.u32 $0x431B, v27;
	v47 =	vmul.u32 $0x431B, v47  }
0xdb: {  	v51 =	vmul.u32 $0x431B, v51;
	v53 =	vmul.u32 $0x431B, v53;
	v57 =	vmul.u32 $0x431B, v57  }
0xdc: {  	[tilespmem:$0x1FFA0] =	vst v7;
	v31 =	vand.u32 $0xFFFF, v0;
	v35 =	vmul.u32 $0xDE83, v20;
	v39 =	vmul.u32 $0xDE83, v24  }
0xdd: {  	[tilespmem:$0x1FF90] =	vst v5;
	v41 =	vmul.u32 $0xDE83, v26;
	v43 =	vmul.u32 $0xDE83, v28;
	v61 =	vshrl.u32 v0, $0x10  }
0xde: {  	[tilespmem:$0x1FFF0] =	vst v0;
	v0 =	vmul.u32 $0xDE83, v49;
	v5 =	vmul.u32 $0xDE83, v54;
	v7 =	vmul.u32 $0xDE83, v56  }
0xdf: {  	[tilespmem:$0x1FF60] =	vst v9;
	v9 =	vmul.u32 $0xDE83, v58;
	v30 =	vshrl.u32 v30, $0x10;
	v33 =	vshrl.u32 v33, $0x10  }
0xe0: {  	v37 =	vshrl.u32 v37, $0x10;
	v6 =	vadd.s32 v6, v40;
	v20 =	vmul.u32 $0x431B, v20  }
0xe1: {  	v24 =	vmul.u32 $0x431B, v24;
	v26 =	vmul.u32 $0x431B, v26;
	v28 =	vmul.u32 $0x431B, v28  }
0xe2: {  	v49 =	vmul.u32 $0x431B, v49;
	v54 =	vmul.u32 $0x431B, v54;
	v56 =	vmul.u32 $0x431B, v56  }
0xe3: {  	v58 =	vmul.u32 $0x431B, v58;
	v46 =	vmul.u32 $0xDE83, v31;
	v29 =	vshrl.u32 v29, $0x10  }
0xe4: {  	[tilespmem:$0x1FF50] =	vst v10;
	v10 =	vmul.u32 $0xDE83, v61;
	v32 =	vshrl.u32 v32, $0x10;
	v34 =	vshrl.u32 v34, $0x10  }
0xe5: {  	v42 =	vshrl.u32 v42, $0x10;
	v30 =	vadd.s32 v60, v30;
	v33 =	vadd.s32 v63, v33  }
0xe6: {  	v2 =	vadd.s32 v2, v36;
	v3 =	vadd.s32 v3, v37;
	v4 =	vadd.s32 v4, v38  }
0xe7: {  	v31 =	vmul.u32 $0x431B, v31;
	v61 =	vmul.u32 $0x431B, v61;
	v35 =	vshrl.u32 v35, $0x10  }
0xe8: {  	v39 =	vshrl.u32 v39, $0x10;
	v41 =	vshrl.u32 v41, $0x10;
	v43 =	vshrl.u32 v43, $0x10  }
0xe9: {  	v29 =	vadd.s32 v59, v29;
	v32 =	vadd.s32 v62, v32;
	v0 =	vadd.s32 v0, v34  }
0xea: {  	v8 =	vadd.s32 v8, v42;
	v37 =	vand.u32 $0xFFFF, v33;
	v40 =	vand.u32 $0xFFFF, v2  }
0xeb: {  	v42 =	vand.u32 $0xFFFF, v4;
	v33 =	vshrl.u32 v33, $0x10;
	v2 =	vshrl.u32 v2, $0x10  }
0xec: {  	v4 =	vshrl.u32 v4, $0x10;
	v46 =	vshrl.u32 v46, $0x10;
	v1 =	vadd.s32 v1, v35  }
0xed: {  	v5 =	vadd.s32 v5, v39;
	v7 =	vadd.s32 v7, v41;
	v9 =	vadd.s32 v9, v43  }
0xee: {  	v34 =	vand.u32 $0xFFFF, v29;
	v35 =	vand.u32 $0xFFFF, v30;
	v36 =	vand.u32 $0xFFFF, v32  }
0xef: {  	v38 =	vand.u32 $0xFFFF, v0;
	v41 =	vand.u32 $0xFFFF, v3;
	v60 =	vand.u32 $0xFFFF, v8  }
0xf0: {  	v18 =	vadd.s32 v18, v37;
	v21 =	vadd.s32 v21, v40;
	v23 =	vadd.s32 v23, v42  }
0xf1: {  	v29 =	vshrl.u32 v29, $0x10;
	v30 =	vshrl.u32 v30, $0x10;
	v32 =	vshrl.u32 v32, $0x10  }
0xf2: {  	v0 =	vshrl.u32 v0, $0x10;
	v3 =	vshrl.u32 v3, $0x10;
	v8 =	vshrl.u32 v8, $0x10  }
0xf3: {  	v33 =	vadd.s32 v48, v33;
	v2 =	vadd.s32 v51, v2;
	v4 =	vadd.s32 v53, v4  }
0xf4: {  	v10 =	vadd.s32 v10, v46;
	v39 =	vand.u32 $0xFFFF, v1;
	v43 =	vand.u32 $0xFFFF, v5  }
0xf5: {  	v46 =	vand.u32 $0xFFFF, v6;
	v59 =	vand.u32 $0xFFFF, v7;
	v62 =	vand.u32 $0xFFFF, v9  }
0xf6: {  	v15 =	vadd.s32 v15, v34;
	v16 =	vadd.s32 v16, v35;
	v17 =	vadd.s32 v17, v36  }
0xf7: {  	v19 =	vadd.s32 v19, v38;
	v22 =	vadd.s32 v22, v41;
	v27 =	vadd.s32 v27, v60  }
0xf8: {  	v1 =	vshrl.u32 v1, $0x10;
	v5 =	vshrl.u32 v5, $0x10;
	v6 =	vshrl.u32 v6, $0x10  }
0xf9: {  	v7 =	vshrl.u32 v7, $0x10;
	v9 =	vshrl.u32 v9, $0x10;
	v18 =	vshrl.u32 v18, $0x10  }
0xfa: {  	v21 =	vshrl.u32 v21, $0x10;
	v23 =	vshrl.u32 v23, $0x10;
	v29 =	vadd.s32 v44, v29  }
0xfb: {  	v30 =	vadd.s32 v45, v30;
	v32 =	vadd.s32 v47, v32;
	v0 =	vadd.s32 v49, v0  }
0xfc: {  	v3 =	vadd.s32 v52, v3;
	v8 =	vadd.s32 v57, v8;
	v63 =	vand.u32 $0xFFFF, v10  }
0xfd: {  	v20 =	vadd.s32 v20, v39;
	v24 =	vadd.s32 v24, v43;
	v25 =	vadd.s32 v25, v46  }
0xfe: {  	v26 =	vadd.s32 v26, v59;
	v28 =	vadd.s32 v28, v62;
	v15 =	vshrl.u32 v15, $0x10  }
0xff: {  	v16 =	vshrl.u32 v16, $0x10;
	v10 =	vshrl.u32 v10, $0x10;
	v17 =	vshrl.u32 v17, $0x10  }
0x100: {  	v19 =	vshrl.u32 v19, $0x10;
	v22 =	vshrl.u32 v22, $0x10;
	v27 =	vshrl.u32 v27, $0x10  }
0x101: {  	v1 =	vadd.s32 v50, v1;
	v5 =	vadd.s32 v54, v5;
	v6 =	vadd.s32 v55, v6  }
0x102: {  	v7 =	vadd.s32 v56, v7;
	v9 =	vadd.s32 v58, v9;
	v18 =	vadd.s32 v18, v33  }
0x103: {  	v2 =	vadd.s32 v21, v2;
	v4 =	vadd.s32 v23, v4;
	v31 =	vadd.s32 v31, v63  }
0x104: {  	v20 =	vshrl.u32 v20, $0x10;
	v24 =	vshrl.u32 v24, $0x10;
	v25 =	vshrl.u32 v25, $0x10  }
0x105: {  	v26 =	vshrl.u32 v26, $0x10;
	v28 =	vshrl.u32 v28, $0x10;
	v15 =	vadd.s32 v15, v29  }
0x106: {  	v16 =	vadd.s32 v16, v30;
	v10 =	vadd.s32 v61, v10;
	v17 =	vadd.s32 v17, v32  }
0x107: {  	v0 =	vadd.s32 v19, v0;
	v3 =	vadd.s32 v22, v3;
	v8 =	vadd.s32 v27, v8  }
0x108: {  	v18 =	vshrl.u32 v18, $0x12;
	v2 =	vshrl.u32 v2, $0x12;
	v4 =	vshrl.u32 v4, $0x12  }
0x109: {  	v31 =	vshrl.u32 v31, $0x10;
	v1 =	vadd.s32 v20, v1;
	v5 =	vadd.s32 v24, v5  }
0x10a: {  	v6 =	vadd.s32 v25, v6;
	v7 =	vadd.s32 v26, v7;
	v9 =	vadd.s32 v28, v9  }
0x10b: {  	v15 =	vshrl.u32 v15, $0x12;
	v16 =	vshrl.u32 v16, $0x12;
	v17 =	vshrl.u32 v17, $0x12  }
0x10c: {  	v0 =	vshrl.u32 v0, $0x12;
	v3 =	vshrl.u32 v3, $0x12;
	v8 =	vshrl.u32 v8, $0x12  }
0x10d: {  	v24 =	vmul.u32 $0xFFF0BDC0, v18;
	v22 =	vmul.u32 $0xFFF0BDC0, v2;
	v19 =	vmul.u32 $0xFFF0BDC0, v8;
	v8 =	vld [tilespmem:$0x1FFA0]  }
0x10e: {  	p0 =	sne.s32 s12, $0x3200;
	v10 =	vadd.s32 v31, v10;
	v1 =	vshrl.u32 v1, $0x12;
	v5 =	vshrl.u32 v5, $0x12;
	v2 =	vmovc v11;
	v11 =	vld [tilespmem:$0x1FF60]  }
.Ltmp0:
0x10f: {  	v6 =	vshrl.u32 v6, $0x12;
	v28 =	vmul.u32 $0xFFF0BDC0, v16;
	v16 =	vmul.u32 $0xFFF0BDC0, v4;
	v4 =	vmovc v14;
	v14 =	vld [tilespmem:$0x1FF70];
	(pc) =	sbr.rel @p0 .LBB2_2-.Ltmp0, $4  }
0x110: {  	v7 =	vshrl.u32 v7, $0x12;
	v27 =	vmul.u32 $0xFFF0BDC0, v17;
	v17 =	vmul.u32 $0xFFF0BDC0, v5;
	v5 =	vld [tilespmem:$0x1FF80]  }
0x111: {  	v9 =	vshrl.u32 v9, $0x12;
	v29 =	vmul.u32 $0xFFF0BDC0, v15;
	v15 =	vmul.u32 $0xFFF0BDC0, v7;
	v7 =	vld [tilespmem:$0x1FF90]  }
0x112: {  	v25 =	vmul.u32 $0xFFF0BDC0, v0;
	v23 =	vmul.u32 $0xFFF0BDC0, v3;
	v20 =	vmul.u32 $0xFFF0BDC0, v9;
	v9 =	vld [tilespmem:$0x1FFB0]  }
0x113: {  	s13 =	sshra.s32 s12, $0x2;
	s12 =	sadd.s32 $0x200, s12;
	v26 =	vshrl.u32 v10, $0x12;
	v21 =	vmul.u32 $0xFFF0BDC0, v1;
	v18 =	vmul.u32 $0xFFF0BDC0, v6;
	v10 =	vmovc v12;
	v12 =	vmovc v13;
	v13 =	vld [tilespmem:$0x1FF50]  }
0x114: {  	v0 =	vld [tilespmem:s13+$0x70]  }
0x115: {  	v3 =	vld [tilespmem:s13+$0x0]  }
0x116: {  	v47 =	vld [tilespmem:$0x1FFC0]  }
0x117: {  	v1 =	vadd.s32 v14, v29;
	v54 =	vld [tilespmem:$0x1FFF0]  }
0x118: {  	v39 =	vadd.s32 v12, v27;
	v41 =	vmul.u32 $0xFFF0BDC0, v26;
	v42 =	vadd.s32 v10, v24;
	v50 =	vld [tilespmem:$0x1FFD0]  }
0x119: {  	v11 =	vadd.s32 v11, v25;
	v10 =	vadd.s32 v8, v22;
	v45 =	vadd.s32 v4, v16;
	v51 =	vld [tilespmem:$0x1FFE0];
	[tilespmem:s11+$0xD00] =	vst v1  }
0x11a: {  	v49 =	vadd.s32 v2, v15;
	[tilespmem:$0x1FEE0] =	vst v45;
	v46 =	vadd.s32 v5, v17;
	v6 =	vld [tilespmem:s13+$0x10];
	v21 =	vadd.s32 v7, v21  }
0x11b: {  	[tilespmem:$0x1FEF0] =	vst v46;
	v44 =	vadd.s32 v9, v23;
	v38 =	vadd.s32 v13, v28;
	v1 =	vadd.s32 v47, v18  }
0x11c: {  	[tilespmem:s11+$0x1A00] =	vst v38;
	v52 =	vxor.u32 $0x2A, v0;
	v53 =	vxor.u32 $0x2B, v0;
	v0 =	vadd.s32 v54, v41  }
0x11d: {  	v56 =	vxor.u32 $0x2A, v3;
	v3 =	vxor.u32 $0x2B, v3;
	[tilespmem:$0x1FF00] =	vst v1;
	v1 =	vadd.s32 v50, v19  }
0x11e: {  	v40 =	vld [tilespmem:s13+$0x20];
	[tilespmem:s11+$0xD10] =	vst v39;
	v15 =	vmul.u32 $0x9E3779B1, v53;
	v17 =	vmul.u32 $0x9E3779B1, v56;
	v63 =	vmul.u32 $0x9E3779B1, v3  }
0x11f: {  	[tilespmem:$0x1FF20] =	vst v1;
	v1 =	vadd.s32 v51, v20;
	v57 =	vxor.u32 $0x2A, v6;
	v6 =	vxor.u32 $0x2B, v6  }
0x120: {  	v43 =	vld [tilespmem:s13+$0x30];
	[tilespmem:s11+$0x1A10] =	vst v42;
	v60 =	vshrl.u32 v15, $0x10;
	v18 =	vmul.u32 $0x9E3779B1, v57;
	v6 =	vmul.u32 $0x9E3779B1, v6  }
0x121: {  	v48 =	vld [tilespmem:s13+$0x40];
	[tilespmem:s11+$0xD20] =	vst v11;
	v11 =	vmul.u32 $0x9E3779B1, v52;
	v45 =	vshrl.u32 v17, $0x10;
	v46 =	vshrl.u32 v63, $0x10  }
0x122: {  	v15 =	vxor.u32 v15, v60;
	v17 =	vxor.u32 v17, v45;
	v23 =	vxor.u32 v63, v46  }
0x123: {  	v15 =	vmul.u32 $0x85EBCA77, v15;
	v47 =	vshrl.u32 v18, $0x10;
	v50 =	vshrl.u32 v11, $0x10  }
0x124: {  	v17 =	vmul.u32 $0x85EBCA77, v17;
	v23 =	vmul.u32 $0x85EBCA77, v23;
	v59 =	vxor.u32 $0x2A, v40  }
0x125: {  	v12 =	vxor.u32 $0x2B, v40;
	v18 =	vxor.u32 v18, v47;
	v11 =	vxor.u32 v11, v50  }
0x126: {  	v55 =	vld [tilespmem:s13+$0x50];
	v61 =	vxor.u32 $0x2A, v43;
	v14 =	vxor.u32 $0x2B, v43;
	v38 =	vshrl.u32 v15, $0xD  }
0x127: {  	v20 =	vmul.u32 $0x9E3779B1, v59;
	v12 =	vmul.u32 $0x9E3779B1, v12;
	v18 =	vmul.u32 $0x85EBCA77, v18  }
0x128: {  	[tilespmem:s11+$0x1A20] =	vst v21;
	v59 =	vshrl.u32 v23, $0xD;
	v11 =	vmul.u32 $0x85EBCA77, v11;
	v62 =	vxor.u32 $0x2A, v48  }
0x129: {  	v58 =	vld [tilespmem:s13+$0x60];
	v16 =	vxor.u32 $0x2B, v48;
	v15 =	vxor.u32 v15, v38;
	v22 =	vmul.u32 $0x9E3779B1, v61  }
0x12a: {  	v14 =	vmul.u32 $0x9E3779B1, v14;
	v48 =	vshrl.u32 v6, $0x10;
	v23 =	vxor.u32 v23, v59  }
0x12b: {  	v36 =	vxor.u32 $0x2A, v55;
	v13 =	vxor.u32 $0x2B, v55;
	v25 =	vand.u32 $0xFFFF, v15  }
0x12c: {  	v39 =	vshrl.u32 v15, $0x10;
	v21 =	vmul.u32 $0x9E3779B1, v62;
	v16 =	vmul.u32 $0x9E3779B1, v16  }
0x12d: {  	v30 =	vshrl.u32 v20, $0x10;
	v31 =	vshrl.u32 v12, $0x10;
	v6 =	vxor.u32 v6, v48  }
0x12e: {  	v60 =	vshrl.u32 v18, $0xD;
	v37 =	vxor.u32 $0x2A, v58;
	v19 =	vxor.u32 $0x2B, v58  }
0x12f: {  	v40 =	vmul.u32 $0xDE83, v25;
	v41 =	vmul.u32 $0xDE83, v39;
	v42 =	vmul.u32 $0x9E3779B1, v36  }
0x130: {  	v13 =	vmul.u32 $0x9E3779B1, v13;
	v25 =	vmul.u32 $0x431B, v25;
	v26 =	vmul.u32 $0x431B, v39  }
0x131: {  	v32 =	vshrl.u32 v22, $0x10;
	v33 =	vshrl.u32 v14, $0x10;
	v20 =	vxor.u32 v20, v30  }
0x132: {  	v12 =	vxor.u32 v12, v31;
	v6 =	vmul.u32 $0x85EBCA77, v6;
	v58 =	vshrl.u32 v17, $0xD  }
0x133: {  	v24 =	vmul.u32 $0x9E3779B1, v37;
	v19 =	vmul.u32 $0x9E3779B1, v19;
	v34 =	vshrl.u32 v21, $0x10  }
0x134: {  	v35 =	vshrl.u32 v16, $0x10;
	v22 =	vxor.u32 v22, v32;
	v14 =	vxor.u32 v14, v33  }
0x135: {  	v20 =	vmul.u32 $0x85EBCA77, v20;
	v12 =	vmul.u32 $0x85EBCA77, v12;
	v43 =	vshrl.u32 v40, $0x10  }
0x136: {  	[tilespmem:$0x1FF10] =	vst v49;
	v36 =	vshrl.u32 v42, $0x10;
	v49 =	vshrl.u32 v13, $0x10;
	v21 =	vxor.u32 v21, v34  }
0x137: {  	v16 =	vxor.u32 v16, v35;
	v53 =	vmul.u32 $0x85EBCA77, v22;
	v14 =	vmul.u32 $0x85EBCA77, v14  }
0x138: {  	v61 =	vshrl.u32 v6, $0xD;
	v22 =	vxor.u32 v18, v60;
	v3 =	vadd.s32 v41, v43  }
0x139: {  	v37 =	vshrl.u32 v24, $0x10;
	v38 =	vshrl.u32 v19, $0x10;
	v51 =	vxor.u32 v42, v36  }
0x13a: {  	v13 =	vxor.u32 v13, v49;
	v54 =	vmul.u32 $0x85EBCA77, v21;
	v55 =	vmul.u32 $0x85EBCA77, v16  }
0x13b: {  	v62 =	vshrl.u32 v20, $0xD;
	v63 =	vshrl.u32 v12, $0xD;
	v41 =	vshrl.u32 v11, $0xD  }
0x13c: {  	[tilespmem:$0x1FED0] =	vst v44;
	v21 =	vxor.u32 v6, v61;
	v27 =	vand.u32 $0xFFFF, v22;
	v44 =	vand.u32 $0xFFFF, v3  }
0x13d: {  	[tilespmem:$0x1FF40] =	vst v0;
	v3 =	vshrl.u32 v3, $0x10;
	v52 =	vxor.u32 v24, v37;
	v19 =	vxor.u32 v19, v38  }
0x13e: {  	[tilespmem:$0x1FF30] =	vst v1;
	v13 =	vmul.u32 $0x85EBCA77, v13;
	v0 =	vshrl.u32 v53, $0xD;
	v1 =	vshrl.u32 v14, $0xD  }
0x13f: {  	v24 =	vxor.u32 v17, v58;
	v20 =	vxor.u32 v20, v62;
	v11 =	vxor.u32 v11, v41  }
0x140: {  	v28 =	vand.u32 $0xFFFF, v21;
	v25 =	vadd.s32 v25, v44;
	v3 =	vadd.s32 v26, v3  }
0x141: {  	v56 =	vmul.u32 $0x85EBCA77, v52;
	v57 =	vmul.u32 $0x85EBCA77, v19;
	v2 =	vshrl.u32 v54, $0xD  }
0x142: {  	v19 =	vxor.u32 v12, v63;
	v18 =	vxor.u32 v53, v0;
	v17 =	vxor.u32 v14, v1  }
0x143: {  	v26 =	vand.u32 $0xFFFF, v23;
	v29 =	vand.u32 $0xFFFF, v20;
	v1 =	vmul.u32 $0xDE83, v27  }
0x144: {  	v50 =	vshrl.u32 v24, $0x10;
	v52 =	vshrl.u32 v22, $0x10;
	v53 =	vshrl.u32 v21, $0x10  }
0x145: {  	v25 =	vshrl.u32 v25, $0x10;
	v5 =	vshrl.u32 v13, $0xD;
	v16 =	vxor.u32 v54, v2  }
0x146: {  	v30 =	vand.u32 $0xFFFF, v19;
	v31 =	vand.u32 $0xFFFF, v18;
	v32 =	vand.u32 $0xFFFF, v17  }
0x147: {  	v0 =	vmul.u32 $0xDE83, v26;
	v2 =	vmul.u32 $0xDE83, v28;
	v42 =	vmul.u32 $0xDE83, v29  }
0x148: {  	v54 =	vshrl.u32 v20, $0x10;
	v59 =	vmul.u32 $0xDE83, v50;
	v63 =	vmul.u32 $0xDE83, v52  }
0x149: {  	v26 =	vmul.u32 $0x431B, v26;
	v50 =	vmul.u32 $0x431B, v50;
	v3 =	vadd.s32 v25, v3  }
0x14a: {  	v25 =	vmul.u32 $0x85EBCA77, v51;
	v39 =	vshrl.u32 v56, $0xD;
	v40 =	vshrl.u32 v57, $0xD  }
0x14b: {  	v13 =	vxor.u32 v13, v5;
	v33 =	vand.u32 $0xFFFF, v16;
	v43 =	vmul.u32 $0xDE83, v30  }
0x14c: {  	v44 =	vmul.u32 $0xDE83, v31;
	v45 =	vmul.u32 $0xDE83, v32;
	v51 =	vshrl.u32 v23, $0x10  }
0x14d: {  	v58 =	vshrl.u32 v16, $0x10;
	v3 =	vshrl.u32 v3, $0x12;
	v12 =	vxor.u32 v56, v39  }
0x14e: {  	v8 =	vxor.u32 v57, v40;
	v36 =	vand.u32 $0xFFFF, v13;
	v46 =	vmul.u32 $0xDE83, v33  }
0x14f: {  	v56 =	vshrl.u32 v18, $0x10;
	v57 =	vshrl.u32 v17, $0x10;
	v62 =	vmul.u32 $0xDE83, v51  }
0x150: {  	v39 =	vshrl.u32 v0, $0x10;
	v40 =	vshrl.u32 v1, $0x10;
	v41 =	vshrl.u32 v2, $0x10  }
0x151: {  	v42 =	vshrl.u32 v42, $0x10;
	v0 =	vmul.u32 $0xDE83, v58;
	v51 =	vmul.u32 $0x431B, v51  }
0x152: {  	v3 =	vmul.u32 $0xFFF0BDC0, v3;
	v4 =	vshrl.u32 v25, $0xD;
	v37 =	vand.u32 $0xFFFF, v12  }
0x153: {  	v49 =	vmul.u32 $0xDE83, v36;
	v40 =	vadd.s32 v63, v40;
	v6 =	vmul.u32 $0xDE83, v56  }
0x154: {  	v43 =	vshrl.u32 v43, $0x10;
	v44 =	vshrl.u32 v44, $0x10;
	v45 =	vshrl.u32 v45, $0x10  }
0x155: {  	v63 =	vshrl.u32 v13, $0x10;
	v56 =	vmul.u32 $0x431B, v56;
	v14 =	vxor.u32 v25, v4  }
0x156: {  	v25 =	vand.u32 $0xFFFF, v24;
	v39 =	vadd.s32 v62, v39;
	v4 =	vmul.u32 $0xDE83, v54  }
0x157: {  	v46 =	vshrl.u32 v46, $0x10;
	v62 =	vmul.u32 $0xDE83, v37;
	v9 =	vadd.s32 v15, v3  }
0x158: {  	v3 =	vshrl.u32 v55, $0xD;
	v35 =	vand.u32 $0xFFFF, v14;
	v7 =	vmul.u32 $0xDE83, v25  }
0x159: {  	v61 =	vshrl.u32 v14, $0x10;
	v44 =	vadd.s32 v6, v44;
	v46 =	vadd.s32 v0, v46  }
0x15a: {  	v49 =	vshrl.u32 v49, $0x10;
	v15 =	vxor.u32 v55, v3;
	v48 =	vmul.u32 $0xDE83, v35  }
0x15b: {  	v55 =	vshrl.u32 v19, $0x10;
	v3 =	vmul.u32 $0xDE83, v53;
	v42 =	vadd.s32 v4, v42  }
0x15c: {  	v2 =	vmul.u32 $0xDE83, v61;
	v62 =	vshrl.u32 v62, $0x10;
	v4 =	vshrl.u32 v8, $0x10  }
0x15d: {  	v34 =	vand.u32 $0xFFFF, v15;
	v60 =	vshrl.u32 v15, $0x10;
	v38 =	vshrl.u32 v7, $0x10  }
0x15e: {  	v5 =	vmul.u32 $0xDE83, v55;
	v7 =	vmul.u32 $0xDE83, v57;
	v57 =	vmul.u32 $0x431B, v57  }
0x15f: {  	v47 =	vmul.u32 $0xDE83, v34;
	v38 =	vadd.s32 v59, v38;
	v41 =	vadd.s32 v3, v41  }
0x160: {  	v1 =	vmul.u32 $0xDE83, v60;
	v48 =	vshrl.u32 v48, $0x10;
	v3 =	vmul.u32 $0xDE83, v63  }
0x161: {  	v59 =	vand.u32 $0xFFFF, v8;
	v60 =	vmul.u32 $0x431B, v60;
	v43 =	vadd.s32 v5, v43  }
0x162: {  	v45 =	vadd.s32 v7, v45;
	v48 =	vadd.s32 v2, v48;
	v7 =	vshrl.u32 v12, $0x10  }
0x163: {  	v5 =	vshrl.u32 v11, $0x10;
	v47 =	vshrl.u32 v47, $0x10;
	v0 =	vmul.u32 $0xDE83, v7  }
0x164: {  	v49 =	vadd.s32 v3, v49;
	v47 =	vadd.s32 v1, v47;
	v1 =	vmul.u32 $0xDE83, v59  }
0x165: {  	v7 =	vmul.u32 $0x431B, v7;
	v6 =	vadd.s32 v0, v62;
	v0 =	vmul.u32 $0xDE83, v4  }
0x166: {  	v62 =	vand.u32 $0xFFFF, v11;
	v4 =	vmul.u32 $0x431B, v4;
	v1 =	vshrl.u32 v1, $0x10  }
0x167: {  	v2 =	vmul.u32 $0xDE83, v62;
	v3 =	vadd.s32 v0, v1;
	v1 =	vmul.u32 $0x431B, v25  }
0x168: {  	v25 =	vmul.u32 $0xDE83, v5;
	v0 =	vand.u32 $0xFFFF, v38;
	v38 =	vshrl.u32 v38, $0x10  }
0x169: {  	v2 =	vshrl.u32 v2, $0x10;
	v38 =	vadd.s32 v50, v38;
	v50 =	vmul.u32 $0x431B, v52  }
0x16a: {  	v2 =	vadd.s32 v25, v2;
	v0 =	vadd.s32 v1, v0;
	v25 =	vand.u32 $0xFFFF, v39  }
0x16b: {  	v39 =	vshrl.u32 v39, $0x10;
	v1 =	vadd.s32 v26, v25;
	v25 =	vmul.u32 $0x431B, v27  }
0x16c: {  	v26 =	vmul.u32 $0x431B, v28;
	v27 =	vmul.u32 $0x431B, v29;
	v28 =	vand.u32 $0xFFFF, v40  }
0x16d: {  	v29 =	vand.u32 $0xFFFF, v41;
	v39 =	vadd.s32 v51, v39;
	v40 =	vshrl.u32 v40, $0x10  }
0x16e: {  	v41 =	vshrl.u32 v41, $0x10;
	v0 =	vshrl.u32 v0, $0x10;
	v40 =	vadd.s32 v50, v40  }
0x16f: {  	v0 =	vadd.s32 v0, v38;
	v1 =	vshrl.u32 v1, $0x10;
	v25 =	vadd.s32 v25, v28  }
0x170: {  	v26 =	vadd.s32 v26, v29;
	v28 =	vand.u32 $0xFFFF, v42;
	v29 =	vmul.u32 $0x431B, v31  }
0x171: {  	v31 =	vand.u32 $0xFFFF, v43;
	v42 =	vshrl.u32 v42, $0x10;
	v43 =	vshrl.u32 v43, $0x10  }
0x172: {  	v1 =	vadd.s32 v1, v39;
	v0 =	vshrl.u32 v0, $0x12;
	v27 =	vadd.s32 v27, v28  }
0x173: {  	v28 =	vmul.u32 $0x431B, v30;
	v30 =	vmul.u32 $0x431B, v32;
	v32 =	vand.u32 $0xFFFF, v44  }
0x174: {  	v44 =	vshrl.u32 v44, $0x10;
	v1 =	vshrl.u32 v1, $0x12;
	v0 =	vmul.u32 $0xFFF0BDC0, v0  }
0x175: {  	v29 =	vadd.s32 v29, v32;
	v32 =	vmul.u32 $0x431B, v34;
	v34 =	vand.u32 $0xFFFF, v46  }
0x176: {  	v44 =	vadd.s32 v56, v44;
	v46 =	vshrl.u32 v46, $0x10;
	v56 =	vmul.u32 $0x431B, v63  }
0x177: {  	v28 =	vadd.s32 v28, v31;
	v31 =	vand.u32 $0xFFFF, v45;
	v45 =	vshrl.u32 v45, $0x10  }
0x178: {  	v63 =	vshrl.u32 v29, $0x10;
	v30 =	vadd.s32 v30, v31;
	v31 =	vmul.u32 $0x431B, v33  }
0x179: {  	v33 =	vmul.u32 $0x431B, v35;
	v35 =	vand.u32 $0xFFFF, v47;
	v45 =	vadd.s32 v57, v45  }
0x17a: {  	v47 =	vshrl.u32 v47, $0x10;
	v32 =	vadd.s32 v32, v35;
	v35 =	vmul.u32 $0x431B, v37  }
0x17b: {  	v37 =	vand.u32 $0xFFFF, v49;
	v47 =	vadd.s32 v60, v47;
	v49 =	vshrl.u32 v49, $0x10  }
0x17c: {  	v60 =	vshrl.u32 v27, $0x10;
	v31 =	vadd.s32 v31, v34;
	v34 =	vand.u32 $0xFFFF, v48  }
0x17d: {  	v30 =	vshrl.u32 v30, $0x10;
	v49 =	vadd.s32 v56, v49;
	v33 =	vadd.s32 v33, v34  }
0x17e: {  	v34 =	vmul.u32 $0x431B, v36;
	v36 =	vmul.u32 $0x431B, v59;
	v59 =	vand.u32 $0xFFFF, v6  }
0x17f: {  	v6 =	vshrl.u32 v6, $0x10;
	v35 =	vadd.s32 v35, v59;
	v59 =	vand.u32 $0xFFFF, v3  }
0x180: {  	v3 =	vshrl.u32 v3, $0x10;
	v34 =	vadd.s32 v34, v37;
	v37 =	vmul.u32 $0x431B, v62  }
0x181: {  	v36 =	vadd.s32 v36, v59;
	v62 =	vand.u32 $0xFFFF, v2;
	v59 =	vmul.u32 $0x431B, v54  }
0x182: {  	v3 =	vadd.s32 v4, v3;
	v37 =	vadd.s32 v37, v62;
	v62 =	vmul.u32 $0x431B, v53  }
0x183: {  	v51 =	vld [tilespmem:$0x1FF40];
	v42 =	vadd.s32 v59, v42;
	v59 =	vmul.u32 $0x431B, v58;
	v58 =	vshrl.u32 v25, $0x10  }
0x184: {  	v38 =	vld [tilespmem:$0x1FEE0];
	v25 =	vadd.s32 v63, v44;
	v44 =	vshrl.u32 v34, $0x10;
	v4 =	vadd.s32 v58, v40  }
0x185: {  	v40 =	vld [tilespmem:$0x1FEF0];
	v41 =	vadd.s32 v62, v41;
	v62 =	vmul.u32 $0x431B, v55;
	v46 =	vadd.s32 v59, v46  }
0x186: {  	v59 =	vshrl.u32 v26, $0x10;
	v26 =	vadd.s32 v30, v45;
	v45 =	vld [tilespmem:$0x1FF10];
	v30 =	vadd.s32 v44, v49  }
0x187: {  	[tilespmem:s11+$0xD30] =	vst v10;
	v49 =	vld [tilespmem:$0x1FF30];
	v43 =	vadd.s32 v62, v43;
	v62 =	vmul.u32 $0x431B, v61;
	v61 =	vshrl.u32 v28, $0x10  }
0x188: {  	[tilespmem:s11+$0xD70] =	vst v51;
	v48 =	vshrl.u32 v48, $0x10;
	v6 =	vadd.s32 v7, v6;
	v10 =	vadd.s32 v61, v43;
	v43 =	vld [tilespmem:$0x1FF00]  }
0x189: {  	[tilespmem:s11+$0xD40] =	vst v38;
	v7 =	vadd.s32 v60, v42;
	v42 =	vshrl.u32 v33, $0x10;
	v48 =	vadd.s32 v62, v48;
	v62 =	vld [tilespmem:$0x1FED0]  }
0x18a: {  	v1 =	vmul.u32 $0xFFF0BDC0, v1;
	v57 =	vmul.u32 $0x431B, v5;
	[tilespmem:s11+$0x1A40] =	vst v40;
	v29 =	vadd.s32 v42, v48;
	v48 =	vld [tilespmem:$0x1FF20]  }
0x18b: {  	v0 =	vadd.s32 v24, v0;
	v2 =	vshrl.u32 v2, $0x10;
	[tilespmem:s11+$0x1A50] =	vst v45  }
0x18c: {  	v1 =	vadd.s32 v23, v1;
	v2 =	vadd.s32 v57, v2;
	v50 =	vshrl.u32 v37, $0x10;
	[tilespmem:s11+$0x1A60] =	vst v49  }
0x18d: {  	v39 =	vshrl.u32 v31, $0x10;
	v54 =	vshrl.u32 v25, $0x12;
	v2 =	vadd.s32 v50, v2;
	[tilespmem:s11+$0xD50] =	vst v43  }
0x18e: {  	v4 =	vshrl.u32 v4, $0x12;
	v52 =	vshrl.u32 v7, $0x12;
	v5 =	vadd.s32 v59, v41;
	[tilespmem:s11+$0x1A30] =	vst v62  }
0x18f: {  	v27 =	vadd.s32 v39, v46;
	v41 =	vshrl.u32 v32, $0x10;
	v46 =	vshrl.u32 v35, $0x10;
	[tilespmem:s11+$0xD60] =	vst v48  }
0x190: {  	v4 =	vmul.u32 $0xFFF0BDC0, v4;
	v55 =	vshrl.u32 v26, $0x12;
	v5 =	vshrl.u32 v5, $0x12;
	[tilespmem:s13+$0x1A70] =	vst v9  }
0x191: {  	v59 =	vshrl.u32 v30, $0x12;
	v2 =	vshrl.u32 v2, $0x12;
	v5 =	vmul.u32 $0xFFF0BDC0, v5;
	[tilespmem:s13+$0xD00] =	vst v0  }
0x192: {  	v28 =	vadd.s32 v41, v47;
	v2 =	vmul.u32 $0xFFF0BDC0, v2;
	v4 =	vadd.s32 v22, v4;
	[tilespmem:s13+$0x1A00] =	vst v1  }
0x193: {  	v53 =	vshrl.u32 v10, $0x12;
	v5 =	vadd.s32 v21, v5;
	v0 =	vmul.u32 $0xFFF0BDC0, v52;
	[tilespmem:s13+$0xD10] =	vst v4  }
0x194: {  	v47 =	vshrl.u32 v36, $0x10;
	v63 =	vadd.s32 v11, v2;
	v1 =	vmul.u32 $0xFFF0BDC0, v53;
	[tilespmem:s13+$0x1A10] =	vst v5  }
0x195: {  	v6 =	vadd.s32 v46, v6;
	v4 =	vmul.u32 $0xFFF0BDC0, v54;
	[tilespmem:s13+$0xD70] =	vst v63;
	v0 =	vadd.s32 v20, v0  }
0x196: {  	v56 =	vshrl.u32 v27, $0x12;
	v5 =	vmul.u32 $0xFFF0BDC0, v55;
	v1 =	vadd.s32 v19, v1;
	[tilespmem:s13+$0xD20] =	vst v0  }
0x197: {  	v57 =	vshrl.u32 v28, $0x12;
	v4 =	vadd.s32 v18, v4;
	[tilespmem:s13+$0x1A20] =	vst v1;
	v0 =	vmul.u32 $0xFFF0BDC0, v56  }
0x198: {  	v58 =	vshrl.u32 v29, $0x12;
	v5 =	vadd.s32 v17, v5;
	[tilespmem:s13+$0xD30] =	vst v4;
	v1 =	vmul.u32 $0xFFF0BDC0, v57  }
0x199: {  	v3 =	vadd.s32 v47, v3;
	[tilespmem:s13+$0x1A30] =	vst v5;
	v4 =	vmul.u32 $0xFFF0BDC0, v58;
	v0 =	vadd.s32 v16, v0  }
0x19a: {  	v60 =	vshrl.u32 v6, $0x12;
	v5 =	vmul.u32 $0xFFF0BDC0, v59;
	v1 =	vadd.s32 v15, v1;
	[tilespmem:s13+$0xD40] =	vst v0  }
0x19b: {  	v61 =	vshrl.u32 v3, $0x12;
	v4 =	vadd.s32 v14, v4;
	[tilespmem:s13+$0x1A40] =	vst v1;
	v0 =	vmul.u32 $0xFFF0BDC0, v60  }
0x19c: {  	v62 =	vadd.s32 v13, v5;
	[tilespmem:s13+$0xD50] =	vst v4;
	v1 =	vmul.u32 $0xFFF0BDC0, v61  }
0x19d: {  	[tilespmem:s13+$0x1A50] =	vst v62;
	v0 =	vadd.s32 v12, v0  }
0x19e: {  	v1 =	vadd.s32 v8, v1;
	[tilespmem:s13+$0xD60] =	vst v0  }
0x19f: {  	[tilespmem:s13+$0x1A60] =	vst v1  }
0x1a0: {  	[hbm4b:s4+s2] =	stream.linear.scatter [tilespmem:s8], [sflag:$0x1], $0xD00, $0x38;
	[tilespmem:$0x2700] =	vst v63  }
0x1a1: {  	s10 =	sadd.s32 $0x1, s10;
	_ =	swait.ge [sflag:s7], $0xD00  }
0x1a2: {  	p0 =	sne.s32 s10, s6;
	[sflag:s7] =	ssyncset.done $0x0  }
.Ltmp1:
0x1a3: {  	[sflag:s7] =	ssyncadd.s32 $0xFFFFF300;
	(pc) =	sbr.rel @p0 .LBB2_1-.Ltmp1, $4  }
0x1a4: {  	[hbm4b:s5+s2] =	stream.linear.scatter [tilespmem:s9], [sflag:$0x1], $0xD00, $0x38;
	[tilespmem:$0x2700] =	vst v63  }
0x1a5: {  	_ =	swait.ge [sflag:s7], $0xD00  }
0x1a6: {  	[sflag:s7] =	ssyncset.done $0x0  }
0x1a7: {  	[sflag:s7] =	ssyncadd.s32 $0xFFFFF300  }
0x1a8: {  	_ =	sfence.sel $0x180000  }
0x1a9: {  	[bflag:$0x0] =	sbarrier.arrive $0xFFFF  }
0x1aa: {  	p0 =	sne.s32 s0, $0x0;
	_ =	strace $0x90000047  }
0x1ab: {  	s0 =	sadd.s32 @!p0 $0x100000, s1;
	[bflag:$0x2] =	sbarrier.arrive $0xFFFF  }
0x1ac: {  	[sflag:s0] =	ssyncadd.tile.s32 @!p0 $0x1;
	_ =	shalt  }
.Lfunc_end2:
_tile_overlayer_lowered:
.L_overlay_start_2:
0x1ad: {  	(tag) =	ssettag $0x2  }
0x1ae: {  	s0 =	rddreg [dreg:$0x0];
	s2 =	stileid.u32  }
0x1af: {  	s1 =	rddreg [dreg:$0x1];
	p0 =	sne.s32 s2, $0x0  }
0x1b0: {  	s3 =	rddreg [dreg:$0x2];
	[bflag:$0x3] =	sbarrier.arrive $0xFFFF;
	s2 =	simm.s32 @!p0 $0x1C01  }
0x1b1: {  	[timem:s3], [sflag:s2] =	dma.local @!p0 [hbm:s0], s1  }
0x1b2: {  	s0 =	simm.s32 @!p0 $0x1  }
0x1b3: {  	_ =	swait.ge @!p0 [sflag:s0], s1  }
0x1b4: {  	s1 =	ssub.s32 @!p0 $0x0, s1;
	[sflag:s0] =	ssyncset.done @!p0 $0x0  }
0x1b5: {  	[sflag:s0] =	ssyncadd.s32 @!p0 s1  }
0x1b6: {  	[bflag:$0x3] =	sbarrier.arrive $0xFFFF  }
0x1b7: {  	_ =	shalt  }

// kernel: kernel.8.cloned.1.call-start
scs
__scs_entry_jumppad:
0x0: {  	(pc) =	sbr.rel $0x88, $3  }
0x1: {  	(tag) =	ssettag $0x0;
	lr =	simm.s32 $0x1  }
0x2: {  	[smem:$0x3F9E] =	sst lr;
	_ =	strace $0xD0000000  }
0x3: {  	_ = 	snop  }
0x4: {  	_ = 	snop  }
0x5: {  	_ = 	snop  }
0x6: {  	_ = 	snop  }
0x7: {  	_ = 	snop  }
__scs_overlays_trampoline_lowered:
0x8: {  	[smem:$0x3FAD] =	sst s0  }
0x9: {  	[smem:$0x3FAE] =	sst s1  }
0xa: {  	[smem:$0x3FAF] =	sst s2  }
0xb: {  	[smem:$0x3FB0] =	sst s3  }
0xc: {  	[smem:$0x3FB1] =	sst s4  }
0xd: {  	[smem:$0x3FB2] =	sst s5  }
0xe: {  	[smem:$0x3FB3] =	sst s6  }
0xf: {  	[smem:$0x3FB4] =	sst s7  }
0x10: {  	[smem:$0x3FB5] =	sst s8  }
0x11: {  	[smem:$0x3FB6] =	sst s9;
	s0 =	simm.s32 @!p0 $0x0  }
0x12: {  	s1 =	sld [smem:$0x3F9C];
	s0 =	simm.s32 @p0 $0x1  }
0x13: {  	[smem:$0x3FB7] =	sst s0;
	s0 =	simm.s32 @!p1 $0x0  }
0x14: {  	s2 =	sld [smem:$0x3F9B];
	s0 =	simm.s32 @p1 $0x1  }
0x15: {  	[smem:$0x3FB8] =	sst s0;
	s0 =	simm.s32 @!p2 $0x0  }
0x16: {  	s3 =	sld [smem:$0x3FDB];
	s0 =	simm.s32 @p2 $0x1  }
0x17: {  	s4 =	simm.s32 $0x1BF5;
	[smem:$0x3FBA] =	sst s0  }
0x18: {  	s0 =	sld [smem:$0x3F9D];
	_ =	swait.ge [sflag:s4], $0x0  }
0x19: {  	s7 =	sld [smem:$0x3F9E]  }
0x1a: {  	s8 =	sadd.s32 $0xFFFFE003, lr  }
0x1b: {  	s9 =	sadd.s32 $0xFFFFFEF7, lr;
	s5 =	simm.s32 $0xFFFFFFFF;
	p2 =	slt.u32 s8, $0xFFFFF086  }
0x1c: {  	p1 =	slt.u32 s9, $0xF7A;
	s5 =	simm.s32 @!p2 $0x0  }
0x1d: {  	s5 =	simm.s32 @p1 $0x1;
	p0 =	seq.s32 s7, s2  }
0x1e: {  	s7 =	smul.u32 @!p0 $0xF7A, s2;
	p2 =	seq.s32 @!p0 s5, $0x0  }
0x1f: {  	s9 =	smul.u32 $0xF7A, s1;
	s8 =	simm.s32 @!p0 $0x1BF5;
	p2 =	por !p2, p0  }
0x20: {  	[sflag:s8] =	ssyncset.s32 @!p0 $0xFFFFF086;
	s6 =	sadd.s32 @!p0 s3, s7;
	s7 =	simm.s32 @!p0 $0x108  }
0x21: {  	s3 =	sadd.s32 s3, s9;
	s6 =	sadd.s32 @!p0 $0x88, s6;
	s7 =	simm.s32 @p2 $0x1082  }
0x22: {  	[simem:s7], [sflag:s8] =	dma.local @!p0 [hbm:s6], $0xF7A  }
0x23: {  	s9 =	sor.u32 $0xD0000000, s2;
	s6 =	simm.s32 $0x108;
	_ =	swait.ge @!p0 [sflag:s8], $0x0  }
0x24: {  	s3 =	sadd.s32 $0x88, s3;
	s6 =	simm.s32 @!p1 $0x1082;
	[sflag:s4] =	ssyncset.s32 $0xFFFFF086  }
0x25: {  	[simem:s6], [sflag:s4] =	dma.local [hbm:s3], $0xF7A  }
0x26: {  	[smem:$0x3F9E] =	sst s1;
	(tag) =	ssettag s2;
	_ =	strace s9  }
0x27: {  	s1 =	sld [smem:$0x3FAE]  }
0x28: {  	s2 =	sld [smem:$0x3FAF]  }
0x29: {  	s4 =	sld [smem:$0x3FB1]  }
0x2a: {  	p0 =	seq.s32 s5, $0x0;
	s5 =	sld [smem:$0x3FB2]  }
0x2b: {  	s6 =	sld [smem:$0x3FB3]  }
0x2c: {  	s7 =	sld [smem:$0x3FB4]  }
0x2d: {  	s3 =	simm.s32 $0x108;
	s8 =	sld [smem:$0x3FB5]  }
0x2e: {  	s3 =	simm.s32 @!p0 $0x1082;
	s9 =	sld [smem:$0x3FB6]  }
0x2f: {  	lr =	sadd.s32 s0, s3;
	s0 =	sld [smem:$0x3FAD]  }
0x30: {  	s3 =	sld [smem:$0x3FB0]  }
0x31: {  	[smem:$0x3FB9] =	sst s10  }
0x32: {  	s10 =	sld [smem:$0x3FB7];
	_ =	sdelay $0x3  }
0x33: {  	p0 =	seq.s32 s10, $0x1;
	s10 =	sld [smem:$0x3FB9];
	_ =	sdelay $0x3  }
0x34: {  	[smem:$0x3FB9] =	sst s10  }
0x35: {  	s10 =	sld [smem:$0x3FB8];
	_ =	sdelay $0x3  }
0x36: {  	p1 =	seq.s32 s10, $0x1;
	s10 =	sld [smem:$0x3FB9];
	_ =	sdelay $0x3  }
0x37: {  	[smem:$0x3FB9] =	sst s10  }
0x38: {  	s10 =	sld [smem:$0x3FBA]  }
0x39: {  	_ = 	snop;
	(pc) =	sbr.ind lr, $3  }
0x3a: {  	_ = 	snop  }
0x3b: {  	_ = 	snop  }
0x3c: {  	p2 =	seq.s32 s10, $0x1;
	s10 =	sld [smem:$0x3FB9]  }
0x3d: {  	_ =	shalt  }
0x3e: {  	_ =	shalt  }
0x3f: {  	_ =	shalt  }
0x40: {  	_ =	shalt  }
0x41: {  	_ =	shalt  }
0x42: {  	_ =	shalt  }
0x43: {  	_ =	shalt  }
0x44: {  	_ =	shalt  }
0x45: {  	_ =	shalt  }
0x46: {  	_ =	shalt  }
0x47: {  	_ =	shalt  }
0x48: {  	_ =	shalt  }
0x49: {  	_ =	shalt  }
0x4a: {  	_ =	shalt  }
0x4b: {  	_ =	shalt  }
0x4c: {  	_ =	shalt  }
0x4d: {  	_ =	shalt  }
0x4e: {  	_ =	shalt  }
0x4f: {  	_ =	shalt  }
0x50: {  	_ =	shalt  }
0x51: {  	_ =	shalt  }
0x52: {  	_ =	shalt  }
0x53: {  	_ =	shalt  }
0x54: {  	_ =	shalt  }
0x55: {  	_ =	shalt  }
0x56: {  	_ =	shalt  }
0x57: {  	_ =	shalt  }
0x58: {  	_ =	shalt  }
0x59: {  	_ =	shalt  }
0x5a: {  	_ =	shalt  }
0x5b: {  	_ =	shalt  }
0x5c: {  	_ =	shalt  }
0x5d: {  	_ =	shalt  }
0x5e: {  	_ =	shalt  }
0x5f: {  	_ =	shalt  }
0x60: {  	_ =	shalt  }
0x61: {  	_ =	shalt  }
0x62: {  	_ =	shalt  }
0x63: {  	_ =	shalt  }
0x64: {  	_ =	shalt  }
0x65: {  	_ =	shalt  }
0x66: {  	_ =	shalt  }
0x67: {  	_ =	shalt  }
0x68: {  	_ =	shalt  }
0x69: {  	_ =	shalt  }
0x6a: {  	_ =	shalt  }
0x6b: {  	_ =	shalt  }
0x6c: {  	_ =	shalt  }
0x6d: {  	_ =	shalt  }
0x6e: {  	_ =	shalt  }
0x6f: {  	_ =	shalt  }
0x70: {  	_ =	shalt  }
0x71: {  	_ =	shalt  }
0x72: {  	_ =	shalt  }
0x73: {  	_ =	shalt  }
0x74: {  	_ =	shalt  }
0x75: {  	_ =	shalt  }
0x76: {  	_ =	shalt  }
0x77: {  	_ =	shalt  }
0x78: {  	_ =	shalt  }
0x79: {  	_ =	shalt  }
0x7a: {  	_ =	shalt  }
0x7b: {  	_ =	shalt  }
0x7c: {  	_ =	shalt  }
0x7d: {  	_ =	shalt  }
0x7e: {  	_ =	shalt  }
0x7f: {  	_ =	shalt  }
0x80: {  	_ =	shalt  }
0x81: {  	_ =	shalt  }
0x82: {  	_ =	shalt  }
0x83: {  	_ =	shalt  }
0x84: {  	_ =	shalt  }
0x85: {  	_ =	shalt  }
0x86: {  	_ =	shalt  }
0x87: {  	_ =	shalt  }
.Lfunc_end0:
.L_simem_size_0:
called_computation.1_lowered:
.L_overlay_start_0:
0x88: {  	s2 =	sld [smem:$0x3FD9]  }
0x89: {  	s3 =	sld [smem:$0x3FFE];
	_ =	sdelay $0x1  }
0x8a: {  	s1 =	srdreg.scid  }
0x8b: {  	s0 =	sand.u32 $0x1, s1  }
0x8c: {  	s16 =	sshll.u32 s0, $0xA;
	s2 =	sadd.s32 s3, s2  }
0x8d: {  	s2 =	sadd.s32 s2, s16  }
0x8e: {  	[smem:$0x3FC5] =	sst s2  }
0x8f: {  	_ = 	snop  }
0x90: {  	(tm) =	ssettm $0x1  }
0x91: {  	s17 =	sld [smem:$0x3FFB];
	_ =	sdelay $0x3  }
0x92: {  	_ =	strace s17  }
0x93: {  	s2 =	sld [smem:$0x3FFC];
	_ =	sdelay $0x3  }
0x94: {  	_ =	strace s2  }
0x95: {  	s2 =	sld [smem:$0x3FFD];
	_ =	sdelay $0x3  }
0x96: {  	_ =	strace s2  }
0x97: {  	_ =	strace $0x8FFFFFFF  }
0x98: {  	s18 =	sld [smem:$0x3FDB];
	_ =	sdelay $0x1  }
0x99: {  	s19 =	simm.s32 $_scs_section_size  }
0x9a: {  	s4 =	simm.s32 $_size__tile_overlayer_lowered;
	s5 =	simm.s32 $_tile_overlayer_lowered  }
0x9b: {  	s22 =	simm.s32 $0x1BFF;
	s21 =	sshll.u32 s5, $0x1;
	s2 =	sadd.s32 s19, s18  }
0x9c: {  	s6 =	simm.s32 $0x0;
	s20 =	sshll.u32 s4, $0x1;
	s4 =	sadd.s32 s21, s2  }
0x9d: {  	[timem:s6], [sflag:s22] =	dma.local [hbm:s4], s20  }
0x9e: {  	_ =	swait.ge [sflag:s22], s20  }
0x9f: {  	s3 =	ssub.s32 $0x0, s20;
	[sflag:s22] =	ssyncset.done $0x0  }
0xa0: {  	[sflag:s22] =	ssyncadd.s32 s3;
	_ =	sdelay $0x1  }
0xa1: {  	s23 =	simm.s32 $0x1B8B  }
0xa2: {  	_ =	swait.ge [sflag:s23], $0x1  }
0xa3: {  	[sflag:s23] =	ssyncset.done $0x0  }
0xa4: {  	s25 =	simm.s32 $0x1B8E;
	s24 =	sld [smem:$0x3FFE];
	[sflag:s23] =	ssyncadd.s32 $0xFFFFFFFF  }
0xa5: {  	s26 =	simm.s32 $execute0_lowered;
	[smem:$0x3FD2] =	sst s25  }
0xa6: {  	s4 =	sshll.u32 s26, $0x1;
	_ =	strace $0x80000049;
	[dreg:$0x1] =	wrdreg $0xFFFFFFFF  }
0xa7: {  	s28 =	simm.s32 $_size_execute0_lowered;
	s2 =	sadd.s32 s2, s4;
	[dreg:$0x0] =	wrdreg $0x0  }
0xa8: {  	s4 =	sshll.u32 s28, $0x1;
	[dreg:$0x2] =	wrdreg s2  }
0xa9: {  	[dreg:$0x3] =	wrdreg s4  }
0xaa: {  	[dreg:$0x4] =	wrdreg $0xC0  }
0xab: {  	_ =	task [dreg:s6], $0x5FFFF  }
0xac: {  	[dreg:$0x1] =	wrdreg $0xFFFFFFFF  }
0xad: {  	[dreg:$0x0] =	wrdreg $0x60  }
0xae: {  	[dreg:$0x2] =	wrdreg s24  }
0xaf: {  	[dreg:$0x3] =	wrdreg $0x9  }
0xb0: {  	_ =	task.clear_ibuf [dreg:s6], $0x4FFFF;
	_ =	strace $0x90000049  }
0xb1: {  	s29 =	simm.s32 $0x9;
	_ =	strace $0x8000004B  }
0xb2: {  	_ =	swait.ge [sflag:s29], $0x1  }
0xb3: {  	[sflag:s29] =	ssyncadd.s32 $0xFFFFFFFF  }
0xb4: {  	_ =	strace $0x9000004B  }
0xb5: {  	_ =	sfence  }
0xb6: {  	s30 =	sld [smem:$0x0];
	_ =	sdelay $0x2  }
0xb7: {  	s31 =	sshll.u32 s1, $0xD;
	s1 =	sshrl.u32 s1, $0x2  }
0xb8: {  	s3 =	sand.u32 $0x4000, s31;
	s1 =	sadd.s32 s1, s30  }
0xb9: {  	s0 =	sor.u32 s3, s0;
	s1 =	sshll.u32 s1, $0x11  }
0xba: {  	s0 =	sor.u32 s1, s0  }
0xbb: {  	s0 =	sadd.s32 $0x8F2B, s0  }
0xbc: {  	[sflag:s0] =	ssyncadd.remote.s32 $0x1  }
0xbd: {  	_ =	sfence.sel $0xFFFF  }
0xbe: {  	[dreg:$0x0] =	wrdreg $0xFFFFFFFF;
	(pc) =	sbr.abs _section_cstart, $3  }
0xbf: {  	[dreg:$0x1] =	wrdreg $0xFFFFFFFF  }
0xc0: {  	_ =	task.clear_ibuf [dreg:s6], $0x2FFFF;
	_ =	strace $0x9FFFFFFF  }
0xc1: {  	(tm) =	ssettm $0x7FFFFFFF  }
tec
execute0_lowered:
.L_overlay_start_1:
0x0: {  	(tag) =	ssettag $0x1  }
0x1: {  	s1 =	srdreg.scid;
	s0 =	stileid.u32  }
0x2: {  	s4 =	rddreg [dreg:$0x0];
	s2 =	simm.s32 $0x0;
	s10 =	simm.s32 $0x1  }
0x3: {  	s11 =	simm.s32 $0x0;
	s3 =	sand.u32 $0x1, s1;
	s1 =	rddreg [dreg:$0x1]  }
0x4: {  	s5 =	sshll.u32 s0, $0x1;
	[smem:$0x7FF] =	sst s2;
	s6 =	smul.u32 $0x6800, s0  }
0x5: {  	s5 =	sor.u32 s3, s5;
	s7 =	ssub.s32 $0x2, s3;
	s9 =	smul.u32 $0x3400, s3  }
0x6: {  	_ =	strace $0x8000004A;
	s5 =	smul.u32 $0xD00, s5;
	s8 =	sshrl.u32 s7, $0x1  }
0x7: {  	s3 =	sadd.s32 $0xF49C00, s4;
	s6 =	sadd.s32 s6, s4;
	s7 =	ssub.s32 s7, s8  }
0x8: {  	s6 =	sadd.s32 s9, s6;
	s8 =	simm.s32 $0x80;
	s5 =	sshrl.u32 s5, $0x3  }
0x9: {  	s9 =	simm.s32 $0xD00;
	s6 =	sadd.s32 $0x7800, s6;
	s5 =	sadd.s32 s5, s4  }
0xa: {  	s4 =	sadd.s32 $0x1000, s5;
	s5 =	smax.u32 s7, $0x1;
	s7 =	simm.s32 $0x2  }
.LBB2_1:
0xb: {  	[tilespmem:s2], [sflag:$0x2] =	stream.linear.gather [hbm4b:s4+s2], $0xD00, $0x38;
	[tilespmem:$0x1D00] =	vst v63  }
0xc: {  	_ =	swait.ge [sflag:s7], $0xD00  }
0xd: {  	[sflag:s7] =	ssyncset.done $0x0  }
0xe: {  	s12 =	simm.s32 $0x0;
	[sflag:s7] =	ssyncadd.s32 $0xFFFFF300  }
0xf: {  	[tilespmem:s9], [sflag:$0x1] =	stream.indirect.gather [hbm4b:s3+s8], $0x20, s12, s8, $0xb8;
	[tilespmem:$0x1D00] =	vst v63  }
0x10: {  	_ =	swait.ge [sflag:s10], $0x1000  }
0x11: {  	[sflag:s10] =	ssyncset.done $0x0  }
0x12: {  	s31 =	sadd.s32 $0x0, s6;
	[sflag:s10] =	ssyncadd.s32 $0xFFFFF000  }
0x13: {  	[hbm4b:s31+s2] =	stream.linear.scatter [tilespmem:s9], [sflag:$0x2], $0x1000, $0x38;
	[tilespmem:$0x1D00] =	vst v63  }
0x14: {  	_ =	swait.ge [sflag:s7], $0x1000  }
0x15: {  	s13 =	simm.s32 $0x400;
	s12 =	simm.s32 $0x200;
	[sflag:s7] =	ssyncset.done $0x0  }
.LBB2_2:
0x16: {  	s14 =	sshra.s32 s12, $0x2  }
0x17: {  	[sflag:s7] =	ssyncadd.s32 $0xFFFFF000;
	s15 =	smov.u32 s13;
	s16 =	sadd.s32 $0x200, s13  }
0x18: {  	[tilespmem:s9], [sflag:$0x1] =	stream.indirect.gather [hbm4b:s3+s8], $0x20, s14, s8, $0xb8;
	[tilespmem:$0x1D00] =	vst v63  }
0x19: {  	p0 =	sne.s32 s13, $0x3200;
	_ =	swait.ge [sflag:s10], $0x1000  }
.Ltmp0:
0x1a: {  	[sflag:s10] =	ssyncset.done $0x0;
	(pc) =	sbr.rel @p0 .LBB2_2-.Ltmp0, $4  }
0x1b: {  	s13 =	sadd.s32 s12, s6;
	s12 =	smov.u32 s15;
	[sflag:s10] =	ssyncadd.s32 $0xFFFFF000  }
0x1c: {  	[hbm4b:s13+s2] =	stream.linear.scatter [tilespmem:s9], [sflag:$0x2], $0x1000, $0x38;
	[tilespmem:$0x1D00] =	vst v63  }
0x1d: {  	_ =	swait.ge [sflag:s7], $0x1000  }
0x1e: {  	s13 =	smov.u32 s16;
	[sflag:s7] =	ssyncset.done $0x0  }
0x1f: {  	s13 =	sshra.s32 s12, $0x2;
	[sflag:s7] =	ssyncadd.s32 $0xFFFFF000  }
0x20: {  	[tilespmem:s9], [sflag:$0x1] =	stream.indirect.gather [hbm4b:s3+s8], $0x20, s13, s8, $0xb8;
	[tilespmem:$0x1D00] =	vst v63  }
0x21: {  	s11 =	sadd.s32 $0x1, s11;
	_ =	swait.ge [sflag:s10], $0x1000  }
0x22: {  	p0 =	sne.s32 s11, s5;
	[sflag:s10] =	ssyncset.done $0x0  }
.Ltmp1:
0x23: {  	s31 =	sadd.s32 s12, s6;
	[sflag:s10] =	ssyncadd.s32 $0xFFFFF000;
	(pc) =	sbr.rel @p0 .LBB2_1-.Ltmp1, $4  }
0x24: {  	[hbm4b:s31+s2] =	stream.linear.scatter [tilespmem:s9], [sflag:$0x2], $0x1000, $0x38;
	[tilespmem:$0x1D00] =	vst v63  }
0x25: {  	_ =	swait.ge [sflag:s7], $0x1000  }
0x26: {  	[sflag:s7] =	ssyncset.done $0x0  }
0x27: {  	[sflag:s7] =	ssyncadd.s32 $0xFFFFF000  }
0x28: {  	_ =	sfence.sel $0x180000  }
0x29: {  	[bflag:$0x0] =	sbarrier.arrive $0xFFFF  }
0x2a: {  	p0 =	sne.s32 s0, $0x0;
	_ =	strace $0x9000004A  }
0x2b: {  	s0 =	sadd.s32 @!p0 $0x100000, s1;
	[bflag:$0x2] =	sbarrier.arrive $0xFFFF  }
0x2c: {  	[sflag:s0] =	ssyncadd.tile.s32 @!p0 $0x1;
	_ =	shalt  }
.Lfunc_end2:
_tile_overlayer_lowered:
.L_overlay_start_2:
0x2d: {  	(tag) =	ssettag $0x2  }
0x2e: {  	s0 =	rddreg [dreg:$0x0];
	s2 =	stileid.u32  }
0x2f: {  	s1 =	rddreg [dreg:$0x1];
	p0 =	sne.s32 s2, $0x0  }
0x30: {  	s3 =	rddreg [dreg:$0x2];
	[bflag:$0x3] =	sbarrier.arrive $0xFFFF;
	s2 =	simm.s32 @!p0 $0x1C02  }
0x31: {  	[timem:s3], [sflag:s2] =	dma.local @!p0 [hbm:s0], s1  }
0x32: {  	s0 =	simm.s32 @!p0 $0x2  }
0x33: {  	_ =	swait.ge @!p0 [sflag:s0], s1  }
0x34: {  	s1 =	ssub.s32 @!p0 $0x0, s1;
	[sflag:s0] =	ssyncset.done @!p0 $0x0  }
0x35: {  	[sflag:s0] =	ssyncadd.s32 @!p0 s1  }
0x36: {  	[bflag:$0x3] =	sbarrier.arrive $0xFFFF  }
0x37: {  	_ =	shalt  }

</sc_bundles>
